<compile_context>
chip_gen: v7x
topology: tpu7x:2x2x1
jax: 0.10.2.dev20260603
libtpu: 0.0.44.dev20260713+nightly
codegen_flags: <defaults>
</compile_context>

<pallas_src>
import functools

import jax
import jax.numpy as jnp
from jax import lax
from jax.experimental import pallas as pl
from jax.experimental.pallas import tpu as pltpu
from jax.experimental.pallas import tpu_sc as plsc

NBINS = 256
EPSV = 1e-6
LANES = 16
NWORK = 32
CHUNK = 32768
PER_WORKER = 786432
PER_CHAN = 262144
CHUNKS_PER_CHAN = PER_CHAN // CHUNK
HIST_WORDS = 6 * NBINS * LANES
OUT_WORDS = 6 * NBINS
ROWS_PER_CHUNK = 64


def _hist_body(x4, y4, out, buf0, buf1, hist, hout, sem0, sem1):
    wid = lax.axis_index("c") * 16 + lax.axis_index("s")

    lane = lax.iota(jnp.int32, LANES)
    ones = jnp.full((LANES,), 1.0, jnp.float32)
    bufs = (buf0, buf1)
    sems = (sem0, sem1)

    def make_io(src, inp):
        def blk(c):
            return src.at[wid, c // CHUNKS_PER_CHAN,
                          pl.ds((c % CHUNKS_PER_CHAN) * ROWS_PER_CHUNK,
                                ROWS_PER_CHUNK), :]

        def start(c, b):
            pltpu.async_copy(blk(c), bufs[b], sems[b])

        def wait(b):
            pltpu.make_async_copy(blk(0), bufs[b], sems[b]).wait()

        def process(c, b):
            jobrow = (inp * 3 + c // CHUNKS_PER_CHAN) * (NBINS * LANES)
            roff = lane + jobrow
            buf = bufs[b]

            @plsc.parallel_loop(0, ROWS_PER_CHUNK, 1)
            def row_body(r):
                @plsc.parallel_loop(0, 512, LANES, unroll=512 // LANES)
                def col_body(cc):
                    v = buf[r, pl.ds(cc, LANES)]
                    bv = (v * 255.0).astype(jnp.int32)
                    plsc.addupdate_scatter(hist, [(bv << 4) + roff], ones)

        return start, wait, process

    nchunks = 3 * CHUNKS_PER_CHAN
    x_io = make_io(x4, 0)
    y_io = make_io(y4, 1)

    x_io[0](0, 0)
    x_io[0](1, 1)

    @plsc.parallel_loop(0, HIST_WORDS // LANES, 1, unroll=8)
    def zero_body(i):
        hist[pl.ds(i * LANES, LANES)] = jnp.zeros((LANES,), jnp.float32)

    def run_input(io, next_io):
        start, wait, process = io

        @pl.loop(0, (nchunks - 2) // 2)
        def chunk_pair(g):
            c0 = 2 * g
            for b in (0, 1):
                wait(b)
                process(c0 + b, b)
                start(c0 + 2 + b, b)

        for b in (0, 1):
            wait(b)
            process(nchunks - 2 + b, b)
            if next_io is not None:
                next_io[0](b, b)

    run_input(x_io, y_io)
    run_input(y_io, None)

    lane16 = lane * LANES

    @plsc.parallel_loop(0, OUT_WORDS // LANES, 1, unroll=2)
    def fold_body(g):
        gbase = g * NBINS
        acc = jnp.zeros((LANES,), jnp.float32)
        for k in range(LANES):
            acc = acc + plsc.load_gather(hist, [lane16 + (gbase + k)])
        hout[pl.ds(g * LANES, LANES)] = acc

    pltpu.sync_copy(hout, out.at[wid])


def _kl_body(p_ref, out_ref):
    counts = jnp.sum(p_ref[:], axis=0)
    h2 = counts[0:3] + EPSV
    h1 = counts[3:6] + EPSV
    r1 = h1 / jnp.sum(h1, axis=1, keepdims=True)
    r2 = h2 / jnp.sum(h2, axis=1, keepdims=True)
    out_ref[:, :] = jnp.sum(r1 * jnp.log(r1 / r2)).reshape(1, 1)


def kernel(x, y):
    mesh = plsc.VectorSubcoreMesh(core_axis_name="c", subcore_axis_name="s")
    hist_call = functools.partial(
        pl.kernel,
        mesh=mesh,
        out_type=jax.ShapeDtypeStruct((NWORK, OUT_WORDS), jnp.float32),
        scratch_types=[
            pltpu.VMEM((ROWS_PER_CHUNK, 512), jnp.float32),
            pltpu.VMEM((ROWS_PER_CHUNK, 512), jnp.float32),
            pltpu.VMEM((HIST_WORDS,), jnp.float32),
            pltpu.VMEM((OUT_WORDS,), jnp.float32),
            pltpu.SemaphoreType.DMA,
            pltpu.SemaphoreType.DMA,
        ],
        compiler_params=pltpu.CompilerParams(needs_layout_passes=False),
    )(_hist_body)
    partials = hist_call(x, y)

    p = partials.reshape(NWORK, 6, NBINS)

    loss = pl.pallas_call(
        _kl_body,
        out_shape=jax.ShapeDtypeStruct((1, 1), jnp.float32),
    )(p)
    return loss[0, 0]

# --- scband reference (transcript-rebuilt; emitter-appended) ---
"""Pipeline reference for scband-histogram-loss-52029233824305 (READ-ONLY COPY).

The authoritative reference and input builder live on the scoring server;
editing this copy changes nothing except your own understanding.
"""

import jax, jax.numpy as jnp
import numpy as np

NUM_BINS = 256
EPS = 1e-6


def _color_histogram(img):
    # img: float32 [B, 3, H, W]; mirrors color_histogram_of_training_image:
    # clamp to [0,1], quantize into NUM_BINS bins, bincount per channel,
    # normalize to a probability distribution (epsilon-smoothed so log is finite).
    img = jnp.clip(img, 0.0, 1.0)
    bins = ((NUM_BINS - 1) * img).astype(jnp.int32)

    def chan_hist(c):
        h = jnp.bincount(bins[:, c].reshape(-1), length=NUM_BINS).astype(jnp.float32)
        h = h + EPS
        return h / jnp.sum(h)

    return chan_hist(0), chan_hist(1), chan_hist(2)


def setup_inputs(seed: int = 0) -> dict:
    key = jax.random.key(seed)
    k1, k2 = jax.random.split(key)
    x = jax.random.uniform(k1, (32, 3, 512, 512), dtype=jnp.float32)
    y = jax.random.uniform(k2, (32, 3, 512, 512), dtype=jnp.float32)
    return {"x": x, "y": y}


def reference(x, y):
    # HistogramLoss.forward: per-channel KL divergence between the color
    # histograms of target y and prediction x.
    r1, g1, b1 = _color_histogram(y)
    r2, g2, b2 = _color_histogram(x)
    r = jnp.sum(r1 * jnp.log(r1 / r2))
    g = jnp.sum(g1 * jnp.log(g1 / g2))
    b = jnp.sum(b1 * jnp.log(b1 / b2))
    return r + g + b

if __name__ == "__main__":
    import jax
    _d = setup_inputs()
    print(jax.jit(kernel)(*tuple(_d.values())))

</pallas_src>

<mosaic_0001>
#map = affine_map<(d0, d1) -> (0, 0, 0, 0)>
#map1 = affine_map<(d0, d1) -> (0, 0)>
module attributes {stable_mosaic.version = 14 : i64} {
  func.func @_hist_body(%arg0: i32, %arg1: i32, %arg2: memref<32x3x512x512xf32, #tpu.memory_space<hbm>>, %arg3: memref<32x3x512x512xf32, #tpu.memory_space<hbm>>, %arg4: memref<32x1536xf32, #tpu.memory_space<hbm>>, %arg5: memref<64x512xf32, #tpu.memory_space<vmem>>, %arg6: memref<64x512xf32, #tpu.memory_space<vmem>>, %arg7: memref<24576xf32, #tpu.memory_space<vmem>>, %arg8: memref<1536xf32, #tpu.memory_space<vmem>>, %arg9: memref<!tpu.dma_semaphore, #tpu.memory_space<semaphore_mem>>, %arg10: memref<!tpu.dma_semaphore, #tpu.memory_space<semaphore_mem>>) attributes {dimension_semantics = [#tpu.dimension_semantics<core_parallel>, #tpu.dimension_semantics<subcore_parallel>], iteration_bounds = array<i64: 2, 16>, scalar_prefetch = 0 : i64, scratch_operands = 6 : i64, tpu.core_type = #tpu.core_type<sc_vector_subcore>, window_params = [{transform_indices = #map}, {transform_indices = #map}, {transform_indices = #map1}]} {
    %mul3A = arith.constant 16 : i32
    %mul3A_0 = arith.muli %arg0, %mul3A : i32
    %add3A = arith.addi %mul3A_0, %arg1 : i32
    %iota3A = tpu.iota {dimensions = array<i32: 0>} : vector<16xi32>
    %broadcast_in_dim3A = arith.constant 1.000000e+00 : f32
    %broadcast_in_dim3A_1 = vector.broadcast %broadcast_in_dim3A : f32 to vector<16xf32>
    %dma_start3A = arith.constant 0 : i32
    %dma_start3A_2 = arith.constant 0 : i32
    %dma_start3A_3 = arith.constant 0 : i32
    %dma_start3A_4 = tpu.memref_slice %arg2[%add3A, %dma_start3A, %dma_start3A_2, %dma_start3A_3] : memref<32x3x512x512xf32, #tpu.memory_space<hbm>> -> memref<1x1x64x512xf32, #tpu.memory_space<hbm>>
    %dma_start3A_5 = tpu.memref_squeeze %dma_start3A_4 : memref<1x1x64x512xf32, #tpu.memory_space<hbm>> -> memref<64x512xf32, #tpu.memory_space<hbm>>
    %dma_start3A_6 = arith.constant 0 : i32
    %dma_start3A_7 = arith.constant 0 : i32
    %dma_start3A_8 = tpu.memref_slice %arg2[%add3A, %dma_start3A, %dma_start3A_6, %dma_start3A_7] : memref<32x3x512x512xf32, #tpu.memory_space<hbm>> -> memref<1x1x64x512xf32, #tpu.memory_space<hbm>>
    %dma_start3A_9 = tpu.memref_squeeze %dma_start3A_8 : memref<1x1x64x512xf32, #tpu.memory_space<hbm>> -> memref<64x512xf32, #tpu.memory_space<hbm>>
    tpu.enqueue_dma source(%dma_start3A_9 : memref<64x512xf32, #tpu.memory_space<hbm>>) target(%arg5 : memref<64x512xf32, #tpu.memory_space<vmem>>) target_semaphore(%arg9 : memref<!tpu.dma_semaphore, #tpu.memory_space<semaphore_mem>>)
    %dma_start3A_10 = arith.constant 0 : i32
    %dma_start3A_11 = arith.constant 64 : i32
    %dma_start3A_12 = arith.constant 0 : i32
    %dma_start3A_13 = tpu.memref_slice %arg2[%add3A, %dma_start3A_10, %dma_start3A_11, %dma_start3A_12] : memref<32x3x512x512xf32, #tpu.memory_space<hbm>> -> memref<1x1x64x512xf32, #tpu.memory_space<hbm>>
    %dma_start3A_14 = tpu.memref_squeeze %dma_start3A_13 : memref<1x1x64x512xf32, #tpu.memory_space<hbm>> -> memref<64x512xf32, #tpu.memory_space<hbm>>
    %dma_start3A_15 = arith.constant 64 : i32
    %dma_start3A_16 = arith.constant 0 : i32
    %dma_start3A_17 = tpu.memref_slice %arg2[%add3A, %dma_start3A_10, %dma_start3A_15, %dma_start3A_16] : memref<32x3x512x512xf32, #tpu.memory_space<hbm>> -> memref<1x1x64x512xf32, #tpu.memory_space<hbm>>
    %dma_start3A_18 = tpu.memref_squeeze %dma_start3A_17 : memref<1x1x64x512xf32, #tpu.memory_space<hbm>> -> memref<64x512xf32, #tpu.memory_space<hbm>>
    tpu.enqueue_dma source(%dma_start3A_18 : memref<64x512xf32, #tpu.memory_space<hbm>>) target(%arg6 : memref<64x512xf32, #tpu.memory_space<vmem>>) target_semaphore(%arg10 : memref<!tpu.dma_semaphore, #tpu.memory_space<semaphore_mem>>)
    %parallel_loop3A = arith.constant 0 : i32
    %parallel_loop3A_19 = arith.constant 1536 : i32
    %parallel_loop3A_20 = arith.constant 1 : i32
    scf.for %parallel_loop3A_113 = %parallel_loop3A to %parallel_loop3A_19 step %parallel_loop3A_20  : i32 {
      %parallel_loop3A_114 = arith.constant 0.000000e+00 : f32
      %parallel_loop3A_115 = vector.broadcast %parallel_loop3A_114 : f32 to vector<16xf32>
      %parallel_loop3A_116 = arith.constant 16 : i32
      %parallel_loop3A_117 = arith.muli %parallel_loop3A_113, %parallel_loop3A_116 : i32
      %parallel_loop3A_118 = arith.index_cast %parallel_loop3A_117 : i32 to index
      %parallel_loop3A_119 = tpu.vector_load %arg7[%parallel_loop3A_118] {strides = array<i32>} : memref<24576xf32, #tpu.memory_space<vmem>>, vector<16xf32>,
      tpu.vector_store %arg7[%parallel_loop3A_118], %parallel_loop3A_115 {strides = array<i32>} : memref<24576xf32, #tpu.memory_space<vmem>>, vector<16xf32>,
    } {sc.loop_unroll_factor = 8 : i64, sc.parallel_access}
    %scan3A = arith.constant 0 : i32
    %scan3A_21 = arith.constant 11 : i32
    %scan3A_22 = arith.addi %scan3A, %scan3A_21 : i32
    %scan3A_23 = arith.constant 1 : i32
    scf.for %scan3A_113 = %scan3A to %scan3A_22 step %scan3A_23  : i32 {
      %mul3A_114 = arith.constant 1 : i32
      %mul3A_115 = arith.muli %scan3A_113, %mul3A_114 : i32
      %add3A_116 = arith.constant 0 : i32
      %add3A_117 = arith.addi %add3A_116, %mul3A_115 : i32
      %mul3A_118 = arith.constant 2 : i32
      %mul3A_119 = arith.muli %mul3A_118, %add3A_117 : i32
      %dma_wait3A_120 = arith.constant 0 : i32
      %dma_wait3A_121 = arith.constant 0 : i32
      %dma_wait3A_122 = arith.constant 0 : i32
      %dma_wait3A_123 = tpu.memref_slice %arg2[%add3A, %dma_wait3A_120, %dma_wait3A_121, %dma_wait3A_122] : memref<32x3x512x512xf32, #tpu.memory_space<hbm>> -> memref<1x1x64x512xf32, #tpu.memory_space<hbm>>
      %dma_wait3A_124 = tpu.memref_squeeze %dma_wait3A_123 : memref<1x1x64x512xf32, #tpu.memory_space<hbm>> -> memref<64x512xf32, #tpu.memory_space<hbm>>
      %dma_wait3A_125 = arith.constant 0 : i32
      %dma_wait3A_126 = arith.constant 0 : i32
      %dma_wait3A_127 = tpu.memref_slice %arg2[%add3A, %dma_wait3A_120, %dma_wait3A_125, %dma_wait3A_126] : memref<32x3x512x512xf32, #tpu.memory_space<hbm>> -> memref<1x1x64x512xf32, #tpu.memory_space<hbm>>
      %dma_wait3A_128 = tpu.memref_squeeze %dma_wait3A_127 : memref<1x1x64x512xf32, #tpu.memory_space<hbm>> -> memref<64x512xf32, #tpu.memory_space<hbm>>
      tpu.wait_dma2 semaphore(%arg9 : memref<!tpu.dma_semaphore, #tpu.memory_space<semaphore_mem>>) src(%dma_wait3A_128 : memref<64x512xf32, #tpu.memory_space<hbm>>) dst(%arg5 : memref<64x512xf32, #tpu.memory_space<vmem>>)
      %add3A_129 = arith.constant 0 : i32
      %add3A_130 = arith.addi %mul3A_119, %add3A_129 : i32
      %jit3A = arith.constant 8 : i32
      %div3A = arith.divsi %add3A_130, %jit3A : i32
      %sign3A = arith.constant 0 : i32
      %sign3A_131 = arith.cmpi sgt, %add3A_130, %sign3A : i32
      %sign3A_132 = arith.extui %sign3A_131 : i1 to i32
      %sign3A_133 = arith.constant 0 : i32
      %sign3A_134 = arith.cmpi slt, %add3A_130, %sign3A_133 : i32
      %sign3A_135 = arith.extui %sign3A_134 : i1 to i32
      %sign3A_136 = arith.subi %sign3A_132, %sign3A_135 : i32
      %sign3A_137 = arith.constant 0 : i32
      %sign3A_138 = arith.cmpi sgt, %jit3A, %sign3A_137 : i32
      %sign3A_139 = arith.extui %sign3A_138 : i1 to i32
      %sign3A_140 = arith.constant 0 : i32
      %sign3A_141 = arith.cmpi slt, %jit3A, %sign3A_140 : i32
      %sign3A_142 = arith.extui %sign3A_141 : i1 to i32
      %sign3A_143 = arith.subi %sign3A_139, %sign3A_142 : i32
      %ne3A = arith.cmpi ne, %sign3A_136, %sign3A_143 : i32
      %rem3A = arith.remsi %add3A_130, %jit3A : i32
      %ne3A_144 = arith.constant 0 : i32
      %ne3A_145 = arith.cmpi ne, %rem3A, %ne3A_144 : i32
      %and3A = arith.andi %ne3A, %ne3A_145 : i1
      %sub3A = arith.constant 1 : i32
      %sub3A_146 = arith.subi %div3A, %sub3A : i32
      %select_n3A = arith.select %and3A, %sub3A_146, %div3A : i32
      %add3A_147 = arith.constant 0 : i32
      %add3A_148 = arith.addi %add3A_147, %select_n3A : i32
      %mul3A_149 = arith.constant 4096 : i32
      %mul3A_150 = arith.muli %add3A_148, %mul3A_149 : i32
      %add3A_151 = vector.broadcast %mul3A_150 : i32 to vector<16xi32>
      %add3A_152 = arith.addi %iota3A, %add3A_151 : vector<16xi32>
      %parallel_loop3A_153 = arith.constant 0 : i32
      %parallel_loop3A_154 = arith.constant 64 : i32
      %parallel_loop3A_155 = arith.constant 1 : i32
      scf.for %parallel_loop3A_302 = %parallel_loop3A_153 to %parallel_loop3A_154 step %parallel_loop3A_155  : i32 {
        %parallel_loop3A_303 = arith.constant 0 : i32
        %parallel_loop3A_304 = arith.constant 512 : i32
        %parallel_loop3A_305 = arith.constant 16 : i32
        scf.for %parallel_loop3A_306 = %parallel_loop3A_303 to %parallel_loop3A_304 step %parallel_loop3A_305  : i32 {
          %parallel_loop3A_307 = arith.index_cast %parallel_loop3A_302 : i32 to index
          %parallel_loop3A_308 = arith.index_cast %parallel_loop3A_306 : i32 to index
          %parallel_loop3A_309 = tpu.vector_load %arg5[%parallel_loop3A_307, %parallel_loop3A_308] {strides = array<i32>} : memref<64x512xf32, #tpu.memory_space<vmem>>, vector<16xf32>,
          %parallel_loop3A_310 = arith.constant 2.550000e+02 : f32
          %parallel_loop3A_311 = vector.broadcast %parallel_loop3A_310 : f32 to vector<16xf32>
          %parallel_loop3A_312 = arith.mulf %parallel_loop3A_309, %parallel_loop3A_311 : vector<16xf32>
          %parallel_loop3A_313 = arith.fptosi %parallel_loop3A_312 : vector<16xf32> to vector<16xi32>
          %parallel_loop3A_314 = arith.constant 4 : i32
          %parallel_loop3A_315 = vector.broadcast %parallel_loop3A_314 : i32 to vector<16xi32>
          %parallel_loop3A_316 = arith.shli %parallel_loop3A_313, %parallel_loop3A_315 : vector<16xi32>
          %parallel_loop3A_317 = arith.addi %parallel_loop3A_316, %add3A_152 : vector<16xi32>
          tpu.vector_store_idx %arg7[%parallel_loop3A_317], %broadcast_in_dim3A_1 {add = true} : memref<24576xf32, #tpu.memory_space<vmem>>[vector<16xi32>], vector<16xf32>,
        } {sc.loop_unroll_factor = 32 : i64, sc.parallel_access}
      } {sc.loop_unroll_factor = 1 : i64, sc.parallel_access}
      %add3A_156 = arith.constant 2 : i32
      %add3A_157 = arith.addi %mul3A_119, %add3A_156 : i32
      %add3A_158 = arith.constant 0 : i32
      %add3A_159 = arith.addi %add3A_157, %add3A_158 : i32
      %jit3A_160 = arith.constant 8 : i32
      %div3A_161 = arith.divsi %add3A_159, %jit3A_160 : i32
      %sign3A_162 = arith.constant 0 : i32
      %sign3A_163 = arith.cmpi sgt, %add3A_159, %sign3A_162 : i32
      %sign3A_164 = arith.extui %sign3A_163 : i1 to i32
      %sign3A_165 = arith.constant 0 : i32
      %sign3A_166 = arith.cmpi slt, %add3A_159, %sign3A_165 : i32
      %sign3A_167 = arith.extui %sign3A_166 : i1 to i32
      %sign3A_168 = arith.subi %sign3A_164, %sign3A_167 : i32
      %sign3A_169 = arith.constant 0 : i32
      %sign3A_170 = arith.cmpi sgt, %jit3A_160, %sign3A_169 : i32
      %sign3A_171 = arith.extui %sign3A_170 : i1 to i32
      %sign3A_172 = arith.constant 0 : i32
      %sign3A_173 = arith.cmpi slt, %jit3A_160, %sign3A_172 : i32
      %sign3A_174 = arith.extui %sign3A_173 : i1 to i32
      %sign3A_175 = arith.subi %sign3A_171, %sign3A_174 : i32
      %ne3A_176 = arith.cmpi ne, %sign3A_168, %sign3A_175 : i32
      %rem3A_177 = arith.remsi %add3A_159, %jit3A_160 : i32
      %ne3A_178 = arith.constant 0 : i32
      %ne3A_179 = arith.cmpi ne, %rem3A_177, %ne3A_178 : i32
      %and3A_180 = arith.andi %ne3A_176, %ne3A_179 : i1
      %sub3A_181 = arith.constant 1 : i32
      %sub3A_182 = arith.subi %div3A_161, %sub3A_181 : i32
      %select_n3A_183 = arith.select %and3A_180, %sub3A_182, %div3A_161 : i32
      %jit3A_184 = arith.constant 8 : i32
      %eq3A = arith.constant 0 : i32
      %eq3A_185 = arith.cmpi eq, %jit3A_184, %eq3A : i32
      %jit3A_186 = arith.constant 1 : i32
      %select_n3A_187 = arith.select %eq3A_185, %jit3A_186, %jit3A_184 : i32
      %rem3A_188 = arith.remsi %add3A_159, %select_n3A_187 : i32
      %ne3A_189 = arith.constant 0 : i32
      %ne3A_190 = arith.cmpi ne, %rem3A_188, %ne3A_189 : i32
      %lt3A = arith.constant 0 : i32
      %lt3A_191 = arith.cmpi slt, %rem3A_188, %lt3A : i32
      %lt3A_192 = arith.constant 0 : i32
      %lt3A_193 = arith.cmpi slt, %select_n3A_187, %lt3A_192 : i32
      %ne3A_194 = arith.xori %lt3A_191, %lt3A_193 : i1
      %and3A_195 = arith.andi %ne3A_194, %ne3A_190 : i1
      %add3A_196 = arith.addi %rem3A_188, %select_n3A_187 : i32
      %select_n3A_197 = arith.select %and3A_195, %add3A_196, %rem3A_188 : i32
      %mul3A_198 = arith.constant 64 : i32
      %mul3A_199 = arith.muli %select_n3A_197, %mul3A_198 : i32
      %dma_start3A_200 = arith.constant 0 : i32
      %dma_start3A_201 = tpu.memref_slice %arg2[%add3A, %select_n3A_183, %mul3A_199, %dma_start3A_200] : memref<32x3x512x512xf32, #tpu.memory_space<hbm>> -> memref<1x1x64x512xf32, #tpu.memory_space<hbm>>
      %dma_start3A_202 = tpu.memref_squeeze %dma_start3A_201 : memref<1x1x64x512xf32, #tpu.memory_space<hbm>> -> memref<64x512xf32, #tpu.memory_space<hbm>>
      %dma_start3A_203 = arith.constant 0 : i32
      %dma_start3A_204 = tpu.memref_slice %arg2[%add3A, %select_n3A_183, %mul3A_199, %dma_start3A_203] : memref<32x3x512x512xf32, #tpu.memory_space<hbm>> -> memref<1x1x64x512xf32, #tpu.memory_space<hbm>>
      %dma_start3A_205 = tpu.memref_squeeze %dma_start3A_204 : memref<1x1x64x512xf32, #tpu.memory_space<hbm>> -> memref<64x512xf32, #tpu.memory_space<hbm>>
      tpu.enqueue_dma source(%dma_start3A_205 : memref<64x512xf32, #tpu.memory_space<hbm>>) target(%arg5 : memref<64x512xf32, #tpu.memory_space<vmem>>) target_semaphore(%arg9 : memref<!tpu.dma_semaphore, #tpu.memory_space<semaphore_mem>>)
      %dma_wait3A_206 = arith.constant 0 : i32
      %dma_wait3A_207 = arith.constant 0 : i32
      %dma_wait3A_208 = arith.constant 0 : i32
      %dma_wait3A_209 = tpu.memref_slice %arg2[%add3A, %dma_wait3A_206, %dma_wait3A_207, %dma_wait3A_208] : memref<32x3x512x512xf32, #tpu.memory_space<hbm>> -> memref<1x1x64x512xf32, #tpu.memory_space<hbm>>
      %dma_wait3A_210 = tpu.memref_squeeze %dma_wait3A_209 : memref<1x1x64x512xf32, #tpu.memory_space<hbm>> -> memref<64x512xf32, #tpu.memory_space<hbm>>
      %dma_wait3A_211 = arith.constant 0 : i32
      %dma_wait3A_212 = arith.constant 0 : i32
      %dma_wait3A_213 = tpu.memref_slice %arg2[%add3A, %dma_wait3A_206, %dma_wait3A_211, %dma_wait3A_212] : memref<32x3x512x512xf32, #tpu.memory_space<hbm>> -> memref<1x1x64x512xf32, #tpu.memory_space<hbm>>
      %dma_wait3A_214 = tpu.memref_squeeze %dma_wait3A_213 : memref<1x1x64x512xf32, #tpu.memory_space<hbm>> -> memref<64x512xf32, #tpu.memory_space<hbm>>
      tpu.wait_dma2 semaphore(%arg10 : memref<!tpu.dma_semaphore, #tpu.memory_space<semaphore_mem>>) src(%dma_wait3A_214 : memref<64x512xf32, #tpu.memory_space<hbm>>) dst(%arg6 : memref<64x512xf32, #tpu.memory_space<vmem>>)
      %add3A_215 = arith.constant 1 : i32
      %add3A_216 = arith.addi %mul3A_119, %add3A_215 : i32
      %jit3A_217 = arith.constant 8 : i32
      %div3A_218 = arith.divsi %add3A_216, %jit3A_217 : i32
      %sign3A_219 = arith.constant 0 : i32
      %sign3A_220 = arith.cmpi sgt, %add3A_216, %sign3A_219 : i32
      %sign3A_221 = arith.extui %sign3A_220 : i1 to i32
      %sign3A_222 = arith.constant 0 : i32
      %sign3A_223 = arith.cmpi slt, %add3A_216, %sign3A_222 : i32
      %sign3A_224 = arith.extui %sign3A_223 : i1 to i32
      %sign3A_225 = arith.subi %sign3A_221, %sign3A_224 : i32
      %sign3A_226 = arith.constant 0 : i32
      %sign3A_227 = arith.cmpi sgt, %jit3A_217, %sign3A_226 : i32
      %sign3A_228 = arith.extui %sign3A_227 : i1 to i32
      %sign3A_229 = arith.constant 0 : i32
      %sign3A_230 = arith.cmpi slt, %jit3A_217, %sign3A_229 : i32
      %sign3A_231 = arith.extui %sign3A_230 : i1 to i32
      %sign3A_232 = arith.subi %sign3A_228, %sign3A_231 : i32
      %ne3A_233 = arith.cmpi ne, %sign3A_225, %sign3A_232 : i32
      %rem3A_234 = arith.remsi %add3A_216, %jit3A_217 : i32
      %ne3A_235 = arith.constant 0 : i32
      %ne3A_236 = arith.cmpi ne, %rem3A_234, %ne3A_235 : i32
      %and3A_237 = arith.andi %ne3A_233, %ne3A_236 : i1
      %sub3A_238 = arith.constant 1 : i32
      %sub3A_239 = arith.subi %div3A_218, %sub3A_238 : i32
      %select_n3A_240 = arith.select %and3A_237, %sub3A_239, %div3A_218 : i32
      %add3A_241 = arith.constant 0 : i32
      %add3A_242 = arith.addi %add3A_241, %select_n3A_240 : i32
      %mul3A_243 = arith.constant 4096 : i32
      %mul3A_244 = arith.muli %add3A_242, %mul3A_243 : i32
      %add3A_245 = vector.broadcast %mul3A_244 : i32 to vector<16xi32>
      %add3A_246 = arith.addi %iota3A, %add3A_245 : vector<16xi32>
      %parallel_loop3A_247 = arith.constant 0 : i32
      %parallel_loop3A_248 = arith.constant 64 : i32
      %parallel_loop3A_249 = arith.constant 1 : i32
      scf.for %parallel_loop3A_302 = %parallel_loop3A_247 to %parallel_loop3A_248 step %parallel_loop3A_249  : i32 {
        %parallel_loop3A_303 = arith.constant 0 : i32
        %parallel_loop3A_304 = arith.constant 512 : i32
        %parallel_loop3A_305 = arith.constant 16 : i32
        scf.for %parallel_loop3A_306 = %parallel_loop3A_303 to %parallel_loop3A_304 step %parallel_loop3A_305  : i32 {
          %parallel_loop3A_307 = arith.index_cast %parallel_loop3A_302 : i32 to index
          %parallel_loop3A_308 = arith.index_cast %parallel_loop3A_306 : i32 to index
          %parallel_loop3A_309 = tpu.vector_load %arg6[%parallel_loop3A_307, %parallel_loop3A_308] {strides = array<i32>} : memref<64x512xf32, #tpu.memory_space<vmem>>, vector<16xf32>,
          %parallel_loop3A_310 = arith.constant 2.550000e+02 : f32
          %parallel_loop3A_311 = vector.broadcast %parallel_loop3A_310 : f32 to vector<16xf32>
          %parallel_loop3A_312 = arith.mulf %parallel_loop3A_309, %parallel_loop3A_311 : vector<16xf32>
          %parallel_loop3A_313 = arith.fptosi %parallel_loop3A_312 : vector<16xf32> to vector<16xi32>
          %parallel_loop3A_314 = arith.constant 4 : i32
          %parallel_loop3A_315 = vector.broadcast %parallel_loop3A_314 : i32 to vector<16xi32>
          %parallel_loop3A_316 = arith.shli %parallel_loop3A_313, %parallel_loop3A_315 : vector<16xi32>
          %parallel_loop3A_317 = arith.addi %parallel_loop3A_316, %add3A_246 : vector<16xi32>
          tpu.vector_store_idx %arg7[%parallel_loop3A_317], %broadcast_in_dim3A_1 {add = true} : memref<24576xf32, #tpu.memory_space<vmem>>[vector<16xi32>], vector<16xf32>,
        } {sc.loop_unroll_factor = 32 : i64, sc.parallel_access}
      } {sc.loop_unroll_factor = 1 : i64, sc.parallel_access}
      %add3A_250 = arith.constant 2 : i32
      %add3A_251 = arith.addi %mul3A_119, %add3A_250 : i32
      %add3A_252 = arith.constant 1 : i32
      %add3A_253 = arith.addi %add3A_251, %add3A_252 : i32
      %jit3A_254 = arith.constant 8 : i32
      %div3A_255 = arith.divsi %add3A_253, %jit3A_254 : i32
      %sign3A_256 = arith.constant 0 : i32
      %sign3A_257 = arith.cmpi sgt, %add3A_253, %sign3A_256 : i32
      %sign3A_258 = arith.extui %sign3A_257 : i1 to i32
      %sign3A_259 = arith.constant 0 : i32
      %sign3A_260 = arith.cmpi slt, %add3A_253, %sign3A_259 : i32
      %sign3A_261 = arith.extui %sign3A_260 : i1 to i32
      %sign3A_262 = arith.subi %sign3A_258, %sign3A_261 : i32
      %sign3A_263 = arith.constant 0 : i32
      %sign3A_264 = arith.cmpi sgt, %jit3A_254, %sign3A_263 : i32
      %sign3A_265 = arith.extui %sign3A_264 : i1 to i32
      %sign3A_266 = arith.constant 0 : i32
      %sign3A_267 = arith.cmpi slt, %jit3A_254, %sign3A_266 : i32
      %sign3A_268 = arith.extui %sign3A_267 : i1 to i32
      %sign3A_269 = arith.subi %sign3A_265, %sign3A_268 : i32
      %ne3A_270 = arith.cmpi ne, %sign3A_262, %sign3A_269 : i32
      %rem3A_271 = arith.remsi %add3A_253, %jit3A_254 : i32
      %ne3A_272 = arith.constant 0 : i32
      %ne3A_273 = arith.cmpi ne, %rem3A_271, %ne3A_272 : i32
      %and3A_274 = arith.andi %ne3A_270, %ne3A_273 : i1
      %sub3A_275 = arith.constant 1 : i32
      %sub3A_276 = arith.subi %div3A_255, %sub3A_275 : i32
      %select_n3A_277 = arith.select %and3A_274, %sub3A_276, %div3A_255 : i32
      %jit3A_278 = arith.constant 8 : i32
      %eq3A_279 = arith.constant 0 : i32
      %eq3A_280 = arith.cmpi eq, %jit3A_278, %eq3A_279 : i32
      %jit3A_281 = arith.constant 1 : i32
      %select_n3A_282 = arith.select %eq3A_280, %jit3A_281, %jit3A_278 : i32
      %rem3A_283 = arith.remsi %add3A_253, %select_n3A_282 : i32
      %ne3A_284 = arith.constant 0 : i32
      %ne3A_285 = arith.cmpi ne, %rem3A_283, %ne3A_284 : i32
      %lt3A_286 = arith.constant 0 : i32
      %lt3A_287 = arith.cmpi slt, %rem3A_283, %lt3A_286 : i32
      %lt3A_288 = arith.constant 0 : i32
      %lt3A_289 = arith.cmpi slt, %select_n3A_282, %lt3A_288 : i32
      %ne3A_290 = arith.xori %lt3A_287, %lt3A_289 : i1
      %and3A_291 = arith.andi %ne3A_290, %ne3A_285 : i1
      %add3A_292 = arith.addi %rem3A_283, %select_n3A_282 : i32
      %select_n3A_293 = arith.select %and3A_291, %add3A_292, %rem3A_283 : i32
      %mul3A_294 = arith.constant 64 : i32
      %mul3A_295 = arith.muli %select_n3A_293, %mul3A_294 : i32
      %dma_start3A_296 = arith.constant 0 : i32
      %dma_start3A_297 = tpu.memref_slice %arg2[%add3A, %select_n3A_277, %mul3A_295, %dma_start3A_296] : memref<32x3x512x512xf32, #tpu.memory_space<hbm>> -> memref<1x1x64x512xf32, #tpu.memory_space<hbm>>
      %dma_start3A_298 = tpu.memref_squeeze %dma_start3A_297 : memref<1x1x64x512xf32, #tpu.memory_space<hbm>> -> memref<64x512xf32, #tpu.memory_space<hbm>>
      %dma_start3A_299 = arith.constant 0 : i32
      %dma_start3A_300 = tpu.memref_slice %arg2[%add3A, %select_n3A_277, %mul3A_295, %dma_start3A_299] : memref<32x3x512x512xf32, #tpu.memory_space<hbm>> -> memref<1x1x64x512xf32, #tpu.memory_space<hbm>>
      %dma_start3A_301 = tpu.memref_squeeze %dma_start3A_300 : memref<1x1x64x512xf32, #tpu.memory_space<hbm>> -> memref<64x512xf32, #tpu.memory_space<hbm>>
      tpu.enqueue_dma source(%dma_start3A_301 : memref<64x512xf32, #tpu.memory_space<hbm>>) target(%arg6 : memref<64x512xf32, #tpu.memory_space<vmem>>) target_semaphore(%arg10 : memref<!tpu.dma_semaphore, #tpu.memory_space<semaphore_mem>>)
    }
    %scan3A_24 = arith.constant 11 : i32
    %dma_wait3A = arith.constant 0 : i32
    %dma_wait3A_25 = arith.constant 0 : i32
    %dma_wait3A_26 = arith.constant 0 : i32
    %dma_wait3A_27 = tpu.memref_slice %arg2[%add3A, %dma_wait3A, %dma_wait3A_25, %dma_wait3A_26] : memref<32x3x512x512xf32, #tpu.memory_space<hbm>> -> memref<1x1x64x512xf32, #tpu.memory_space<hbm>>
    %dma_wait3A_28 = tpu.memref_squeeze %dma_wait3A_27 : memref<1x1x64x512xf32, #tpu.memory_space<hbm>> -> memref<64x512xf32, #tpu.memory_space<hbm>>
    %dma_wait3A_29 = arith.constant 0 : i32
    %dma_wait3A_30 = arith.constant 0 : i32
    %dma_wait3A_31 = tpu.memref_slice %arg2[%add3A, %dma_wait3A, %dma_wait3A_29, %dma_wait3A_30] : memref<32x3x512x512xf32, #tpu.memory_space<hbm>> -> memref<1x1x64x512xf32, #tpu.memory_space<hbm>>
    %dma_wait3A_32 = tpu.memref_squeeze %dma_wait3A_31 : memref<1x1x64x512xf32, #tpu.memory_space<hbm>> -> memref<64x512xf32, #tpu.memory_space<hbm>>
    tpu.wait_dma2 semaphore(%arg9 : memref<!tpu.dma_semaphore, #tpu.memory_space<semaphore_mem>>) src(%dma_wait3A_32 : memref<64x512xf32, #tpu.memory_space<hbm>>) dst(%arg5 : memref<64x512xf32, #tpu.memory_space<vmem>>)
    %add3A_33 = arith.constant 8192 : i32
    %add3A_34 = vector.broadcast %add3A_33 : i32 to vector<16xi32>
    %add3A_35 = arith.addi %iota3A, %add3A_34 : vector<16xi32>
    %parallel_loop3A_36 = arith.constant 0 : i32
    %parallel_loop3A_37 = arith.constant 64 : i32
    %parallel_loop3A_38 = arith.constant 1 : i32
    scf.for %parallel_loop3A_113 = %parallel_loop3A_36 to %parallel_loop3A_37 step %parallel_loop3A_38  : i32 {
      %parallel_loop3A_114 = arith.constant 0 : i32
      %parallel_loop3A_115 = arith.constant 512 : i32
      %parallel_loop3A_116 = arith.constant 16 : i32
      scf.for %parallel_loop3A_117 = %parallel_loop3A_114 to %parallel_loop3A_115 step %parallel_loop3A_116  : i32 {
        %parallel_loop3A_118 = arith.index_cast %parallel_loop3A_113 : i32 to index
        %parallel_loop3A_119 = arith.index_cast %parallel_loop3A_117 : i32 to index
        %parallel_loop3A_120 = tpu.vector_load %arg5[%parallel_loop3A_118, %parallel_loop3A_119] {strides = array<i32>} : memref<64x512xf32, #tpu.memory_space<vmem>>, vector<16xf32>,
        %parallel_loop3A_121 = arith.constant 2.550000e+02 : f32
        %parallel_loop3A_122 = vector.broadcast %parallel_loop3A_121 : f32 to vector<16xf32>
        %parallel_loop3A_123 = arith.mulf %parallel_loop3A_120, %parallel_loop3A_122 : vector<16xf32>
        %parallel_loop3A_124 = arith.fptosi %parallel_loop3A_123 : vector<16xf32> to vector<16xi32>
        %parallel_loop3A_125 = arith.constant 4 : i32
        %parallel_loop3A_126 = vector.broadcast %parallel_loop3A_125 : i32 to vector<16xi32>
        %parallel_loop3A_127 = arith.shli %parallel_loop3A_124, %parallel_loop3A_126 : vector<16xi32>
        %parallel_loop3A_128 = arith.addi %parallel_loop3A_127, %add3A_35 : vector<16xi32>
        tpu.vector_store_idx %arg7[%parallel_loop3A_128], %broadcast_in_dim3A_1 {add = true} : memref<24576xf32, #tpu.memory_space<vmem>>[vector<16xi32>], vector<16xf32>,
      } {sc.loop_unroll_factor = 32 : i64, sc.parallel_access}
    } {sc.loop_unroll_factor = 1 : i64, sc.parallel_access}
    %dma_start3A_39 = arith.constant 0 : i32
    %dma_start3A_40 = arith.constant 0 : i32
    %dma_start3A_41 = arith.constant 0 : i32
    %dma_start3A_42 = tpu.memref_slice %arg3[%add3A, %dma_start3A_39, %dma_start3A_40, %dma_start3A_41] : memref<32x3x512x512xf32, #tpu.memory_space<hbm>> -> memref<1x1x64x512xf32, #tpu.memory_space<hbm>>
    %dma_start3A_43 = tpu.memref_squeeze %dma_start3A_42 : memref<1x1x64x512xf32, #tpu.memory_space<hbm>> -> memref<64x512xf32, #tpu.memory_space<hbm>>
    %dma_start3A_44 = arith.constant 0 : i32
    %dma_start3A_45 = arith.constant 0 : i32
    %dma_start3A_46 = tpu.memref_slice %arg3[%add3A, %dma_start3A_39, %dma_start3A_44, %dma_start3A_45] : memref<32x3x512x512xf32, #tpu.memory_space<hbm>> -> memref<1x1x64x512xf32, #tpu.memory_space<hbm>>
    %dma_start3A_47 = tpu.memref_squeeze %dma_start3A_46 : memref<1x1x64x512xf32, #tpu.memory_space<hbm>> -> memref<64x512xf32, #tpu.memory_space<hbm>>
    tpu.enqueue_dma source(%dma_start3A_47 : memref<64x512xf32, #tpu.memory_space<hbm>>) target(%arg5 : memref<64x512xf32, #tpu.memory_space<vmem>>) target_semaphore(%arg9 : memref<!tpu.dma_semaphore, #tpu.memory_space<semaphore_mem>>)
    %dma_wait3A_48 = arith.constant 0 : i32
    %dma_wait3A_49 = arith.constant 0 : i32
    %dma_wait3A_50 = arith.constant 0 : i32
    %dma_wait3A_51 = tpu.memref_slice %arg2[%add3A, %dma_wait3A_48, %dma_wait3A_49, %dma_wait3A_50] : memref<32x3x512x512xf32, #tpu.memory_space<hbm>> -> memref<1x1x64x512xf32, #tpu.memory_space<hbm>>
    %dma_wait3A_52 = tpu.memref_squeeze %dma_wait3A_51 : memref<1x1x64x512xf32, #tpu.memory_space<hbm>> -> memref<64x512xf32, #tpu.memory_space<hbm>>
    %dma_wait3A_53 = arith.constant 0 : i32
    %dma_wait3A_54 = arith.constant 0 : i32
    %dma_wait3A_55 = tpu.memref_slice %arg2[%add3A, %dma_wait3A_48, %dma_wait3A_53, %dma_wait3A_54] : memref<32x3x512x512xf32, #tpu.memory_space<hbm>> -> memref<1x1x64x512xf32, #tpu.memory_space<hbm>>
    %dma_wait3A_56 = tpu.memref_squeeze %dma_wait3A_55 : memref<1x1x64x512xf32, #tpu.memory_space<hbm>> -> memref<64x512xf32, #tpu.memory_space<hbm>>
    tpu.wait_dma2 semaphore(%arg10 : memref<!tpu.dma_semaphore, #tpu.memory_space<semaphore_mem>>) src(%dma_wait3A_56 : memref<64x512xf32, #tpu.memory_space<hbm>>) dst(%arg6 : memref<64x512xf32, #tpu.memory_space<vmem>>)
    %add3A_57 = arith.constant 8192 : i32
    %add3A_58 = vector.broadcast %add3A_57 : i32 to vector<16xi32>
    %add3A_59 = arith.addi %iota3A, %add3A_58 : vector<16xi32>
    %parallel_loop3A_60 = arith.constant 0 : i32
    %parallel_loop3A_61 = arith.constant 64 : i32
    %parallel_loop3A_62 = arith.constant 1 : i32
    scf.for %parallel_loop3A_113 = %parallel_loop3A_60 to %parallel_loop3A_61 step %parallel_loop3A_62  : i32 {
      %parallel_loop3A_114 = arith.constant 0 : i32
      %parallel_loop3A_115 = arith.constant 512 : i32
      %parallel_loop3A_116 = arith.constant 16 : i32
      scf.for %parallel_loop3A_117 = %parallel_loop3A_114 to %parallel_loop3A_115 step %parallel_loop3A_116  : i32 {
        %parallel_loop3A_118 = arith.index_cast %parallel_loop3A_113 : i32 to index
        %parallel_loop3A_119 = arith.index_cast %parallel_loop3A_117 : i32 to index
        %parallel_loop3A_120 = tpu.vector_load %arg6[%parallel_loop3A_118, %parallel_loop3A_119] {strides = array<i32>} : memref<64x512xf32, #tpu.memory_space<vmem>>, vector<16xf32>,
        %parallel_loop3A_121 = arith.constant 2.550000e+02 : f32
        %parallel_loop3A_122 = vector.broadcast %parallel_loop3A_121 : f32 to vector<16xf32>
        %parallel_loop3A_123 = arith.mulf %parallel_loop3A_120, %parallel_loop3A_122 : vector<16xf32>
        %parallel_loop3A_124 = arith.fptosi %parallel_loop3A_123 : vector<16xf32> to vector<16xi32>
        %parallel_loop3A_125 = arith.constant 4 : i32
        %parallel_loop3A_126 = vector.broadcast %parallel_loop3A_125 : i32 to vector<16xi32>
        %parallel_loop3A_127 = arith.shli %parallel_loop3A_124, %parallel_loop3A_126 : vector<16xi32>
        %parallel_loop3A_128 = arith.addi %parallel_loop3A_127, %add3A_59 : vector<16xi32>
        tpu.vector_store_idx %arg7[%parallel_loop3A_128], %broadcast_in_dim3A_1 {add = true} : memref<24576xf32, #tpu.memory_space<vmem>>[vector<16xi32>], vector<16xf32>,
      } {sc.loop_unroll_factor = 32 : i64, sc.parallel_access}
    } {sc.loop_unroll_factor = 1 : i64, sc.parallel_access}
    %dma_start3A_63 = arith.constant 0 : i32
    %dma_start3A_64 = arith.constant 64 : i32
    %dma_start3A_65 = arith.constant 0 : i32
    %dma_start3A_66 = tpu.memref_slice %arg3[%add3A, %dma_start3A_63, %dma_start3A_64, %dma_start3A_65] : memref<32x3x512x512xf32, #tpu.memory_space<hbm>> -> memref<1x1x64x512xf32, #tpu.memory_space<hbm>>
    %dma_start3A_67 = tpu.memref_squeeze %dma_start3A_66 : memref<1x1x64x512xf32, #tpu.memory_space<hbm>> -> memref<64x512xf32, #tpu.memory_space<hbm>>
    %dma_start3A_68 = arith.constant 64 : i32
    %dma_start3A_69 = arith.constant 0 : i32
    %dma_start3A_70 = tpu.memref_slice %arg3[%add3A, %dma_start3A_63, %dma_start3A_68, %dma_start3A_69] : memref<32x3x512x512xf32, #tpu.memory_space<hbm>> -> memref<1x1x64x512xf32, #tpu.memory_space<hbm>>
    %dma_start3A_71 = tpu.memref_squeeze %dma_start3A_70 : memref<1x1x64x512xf32, #tpu.memory_space<hbm>> -> memref<64x512xf32, #tpu.memory_space<hbm>>
    tpu.enqueue_dma source(%dma_start3A_71 : memref<64x512xf32, #tpu.memory_space<hbm>>) target(%arg6 : memref<64x512xf32, #tpu.memory_space<vmem>>) target_semaphore(%arg10 : memref<!tpu.dma_semaphore, #tpu.memory_space<semaphore_mem>>)
    %scan3A_72 = arith.constant 0 : i32
    %scan3A_73 = arith.constant 11 : i32
    %scan3A_74 = arith.addi %scan3A_72, %scan3A_73 : i32
    %scan3A_75 = arith.constant 1 : i32
    scf.for %scan3A_113 = %scan3A_72 to %scan3A_74 step %scan3A_75  : i32 {
      %mul3A_114 = arith.constant 1 : i32
      %mul3A_115 = arith.muli %scan3A_113, %mul3A_114 : i32
      %add3A_116 = arith.constant 0 : i32
      %add3A_117 = arith.addi %add3A_116, %mul3A_115 : i32
      %mul3A_118 = arith.constant 2 : i32
      %mul3A_119 = arith.muli %mul3A_118, %add3A_117 : i32
      %dma_wait3A_120 = arith.constant 0 : i32
      %dma_wait3A_121 = arith.constant 0 : i32
      %dma_wait3A_122 = arith.constant 0 : i32
      %dma_wait3A_123 = tpu.memref_slice %arg3[%add3A, %dma_wait3A_120, %dma_wait3A_121, %dma_wait3A_122] : memref<32x3x512x512xf32, #tpu.memory_space<hbm>> -> memref<1x1x64x512xf32, #tpu.memory_space<hbm>>
      %dma_wait3A_124 = tpu.memref_squeeze %dma_wait3A_123 : memref<1x1x64x512xf32, #tpu.memory_space<hbm>> -> memref<64x512xf32, #tpu.memory_space<hbm>>
      %dma_wait3A_125 = arith.constant 0 : i32
      %dma_wait3A_126 = arith.constant 0 : i32
      %dma_wait3A_127 = tpu.memref_slice %arg3[%add3A, %dma_wait3A_120, %dma_wait3A_125, %dma_wait3A_126] : memref<32x3x512x512xf32, #tpu.memory_space<hbm>> -> memref<1x1x64x512xf32, #tpu.memory_space<hbm>>
      %dma_wait3A_128 = tpu.memref_squeeze %dma_wait3A_127 : memref<1x1x64x512xf32, #tpu.memory_space<hbm>> -> memref<64x512xf32, #tpu.memory_space<hbm>>
      tpu.wait_dma2 semaphore(%arg9 : memref<!tpu.dma_semaphore, #tpu.memory_space<semaphore_mem>>) src(%dma_wait3A_128 : memref<64x512xf32, #tpu.memory_space<hbm>>) dst(%arg5 : memref<64x512xf32, #tpu.memory_space<vmem>>)
      %add3A_129 = arith.constant 0 : i32
      %add3A_130 = arith.addi %mul3A_119, %add3A_129 : i32
      %jit3A = arith.constant 8 : i32
      %div3A = arith.divsi %add3A_130, %jit3A : i32
      %sign3A = arith.constant 0 : i32
      %sign3A_131 = arith.cmpi sgt, %add3A_130, %sign3A : i32
      %sign3A_132 = arith.extui %sign3A_131 : i1 to i32
      %sign3A_133 = arith.constant 0 : i32
      %sign3A_134 = arith.cmpi slt, %add3A_130, %sign3A_133 : i32
      %sign3A_135 = arith.extui %sign3A_134 : i1 to i32
      %sign3A_136 = arith.subi %sign3A_132, %sign3A_135 : i32
      %sign3A_137 = arith.constant 0 : i32
      %sign3A_138 = arith.cmpi sgt, %jit3A, %sign3A_137 : i32
      %sign3A_139 = arith.extui %sign3A_138 : i1 to i32
      %sign3A_140 = arith.constant 0 : i32
      %sign3A_141 = arith.cmpi slt, %jit3A, %sign3A_140 : i32
      %sign3A_142 = arith.extui %sign3A_141 : i1 to i32
      %sign3A_143 = arith.subi %sign3A_139, %sign3A_142 : i32
      %ne3A = arith.cmpi ne, %sign3A_136, %sign3A_143 : i32
      %rem3A = arith.remsi %add3A_130, %jit3A : i32
      %ne3A_144 = arith.constant 0 : i32
      %ne3A_145 = arith.cmpi ne, %rem3A, %ne3A_144 : i32
      %and3A = arith.andi %ne3A, %ne3A_145 : i1
      %sub3A = arith.constant 1 : i32
      %sub3A_146 = arith.subi %div3A, %sub3A : i32
      %select_n3A = arith.select %and3A, %sub3A_146, %div3A : i32
      %add3A_147 = arith.constant 3 : i32
      %add3A_148 = arith.addi %add3A_147, %select_n3A : i32
      %mul3A_149 = arith.constant 4096 : i32
      %mul3A_150 = arith.muli %add3A_148, %mul3A_149 : i32
      %add3A_151 = vector.broadcast %mul3A_150 : i32 to vector<16xi32>
      %add3A_152 = arith.addi %iota3A, %add3A_151 : vector<16xi32>
      %parallel_loop3A_153 = arith.constant 0 : i32
      %parallel_loop3A_154 = arith.constant 64 : i32
      %parallel_loop3A_155 = arith.constant 1 : i32
      scf.for %parallel_loop3A_302 = %parallel_loop3A_153 to %parallel_loop3A_154 step %parallel_loop3A_155  : i32 {
        %parallel_loop3A_303 = arith.constant 0 : i32
        %parallel_loop3A_304 = arith.constant 512 : i32
        %parallel_loop3A_305 = arith.constant 16 : i32
        scf.for %parallel_loop3A_306 = %parallel_loop3A_303 to %parallel_loop3A_304 step %parallel_loop3A_305  : i32 {
          %parallel_loop3A_307 = arith.index_cast %parallel_loop3A_302 : i32 to index
          %parallel_loop3A_308 = arith.index_cast %parallel_loop3A_306 : i32 to index
          %parallel_loop3A_309 = tpu.vector_load %arg5[%parallel_loop3A_307, %parallel_loop3A_308] {strides = array<i32>} : memref<64x512xf32, #tpu.memory_space<vmem>>, vector<16xf32>,
          %parallel_loop3A_310 = arith.constant 2.550000e+02 : f32
          %parallel_loop3A_311 = vector.broadcast %parallel_loop3A_310 : f32 to vector<16xf32>
          %parallel_loop3A_312 = arith.mulf %parallel_loop3A_309, %parallel_loop3A_311 : vector<16xf32>
          %parallel_loop3A_313 = arith.fptosi %parallel_loop3A_312 : vector<16xf32> to vector<16xi32>
          %parallel_loop3A_314 = arith.constant 4 : i32
          %parallel_loop3A_315 = vector.broadcast %parallel_loop3A_314 : i32 to vector<16xi32>
          %parallel_loop3A_316 = arith.shli %parallel_loop3A_313, %parallel_loop3A_315 : vector<16xi32>
          %parallel_loop3A_317 = arith.addi %parallel_loop3A_316, %add3A_152 : vector<16xi32>
          tpu.vector_store_idx %arg7[%parallel_loop3A_317], %broadcast_in_dim3A_1 {add = true} : memref<24576xf32, #tpu.memory_space<vmem>>[vector<16xi32>], vector<16xf32>,
        } {sc.loop_unroll_factor = 32 : i64, sc.parallel_access}
      } {sc.loop_unroll_factor = 1 : i64, sc.parallel_access}
      %add3A_156 = arith.constant 2 : i32
      %add3A_157 = arith.addi %mul3A_119, %add3A_156 : i32
      %add3A_158 = arith.constant 0 : i32
      %add3A_159 = arith.addi %add3A_157, %add3A_158 : i32
      %jit3A_160 = arith.constant 8 : i32
      %div3A_161 = arith.divsi %add3A_159, %jit3A_160 : i32
      %sign3A_162 = arith.constant 0 : i32
      %sign3A_163 = arith.cmpi sgt, %add3A_159, %sign3A_162 : i32
      %sign3A_164 = arith.extui %sign3A_163 : i1 to i32
      %sign3A_165 = arith.constant 0 : i32
      %sign3A_166 = arith.cmpi slt, %add3A_159, %sign3A_165 : i32
      %sign3A_167 = arith.extui %sign3A_166 : i1 to i32
      %sign3A_168 = arith.subi %sign3A_164, %sign3A_167 : i32
      %sign3A_169 = arith.constant 0 : i32
      %sign3A_170 = arith.cmpi sgt, %jit3A_160, %sign3A_169 : i32
      %sign3A_171 = arith.extui %sign3A_170 : i1 to i32
      %sign3A_172 = arith.constant 0 : i32
      %sign3A_173 = arith.cmpi slt, %jit3A_160, %sign3A_172 : i32
      %sign3A_174 = arith.extui %sign3A_173 : i1 to i32
      %sign3A_175 = arith.subi %sign3A_171, %sign3A_174 : i32
      %ne3A_176 = arith.cmpi ne, %sign3A_168, %sign3A_175 : i32
      %rem3A_177 = arith.remsi %add3A_159, %jit3A_160 : i32
      %ne3A_178 = arith.constant 0 : i32
      %ne3A_179 = arith.cmpi ne, %rem3A_177, %ne3A_178 : i32
      %and3A_180 = arith.andi %ne3A_176, %ne3A_179 : i1
      %sub3A_181 = arith.constant 1 : i32
      %sub3A_182 = arith.subi %div3A_161, %sub3A_181 : i32
      %select_n3A_183 = arith.select %and3A_180, %sub3A_182, %div3A_161 : i32
      %jit3A_184 = arith.constant 8 : i32
      %eq3A = arith.constant 0 : i32
      %eq3A_185 = arith.cmpi eq, %jit3A_184, %eq3A : i32
      %jit3A_186 = arith.constant 1 : i32
      %select_n3A_187 = arith.select %eq3A_185, %jit3A_186, %jit3A_184 : i32
      %rem3A_188 = arith.remsi %add3A_159, %select_n3A_187 : i32
      %ne3A_189 = arith.constant 0 : i32
      %ne3A_190 = arith.cmpi ne, %rem3A_188, %ne3A_189 : i32
      %lt3A = arith.constant 0 : i32
      %lt3A_191 = arith.cmpi slt, %rem3A_188, %lt3A : i32
      %lt3A_192 = arith.constant 0 : i32
      %lt3A_193 = arith.cmpi slt, %select_n3A_187, %lt3A_192 : i32
      %ne3A_194 = arith.xori %lt3A_191, %lt3A_193 : i1
      %and3A_195 = arith.andi %ne3A_194, %ne3A_190 : i1
      %add3A_196 = arith.addi %rem3A_188, %select_n3A_187 : i32
      %select_n3A_197 = arith.select %and3A_195, %add3A_196, %rem3A_188 : i32
      %mul3A_198 = arith.constant 64 : i32
      %mul3A_199 = arith.muli %select_n3A_197, %mul3A_198 : i32
      %dma_start3A_200 = arith.constant 0 : i32
      %dma_start3A_201 = tpu.memref_slice %arg3[%add3A, %select_n3A_183, %mul3A_199, %dma_start3A_200] : memref<32x3x512x512xf32, #tpu.memory_space<hbm>> -> memref<1x1x64x512xf32, #tpu.memory_space<hbm>>
      %dma_start3A_202 = tpu.memref_squeeze %dma_start3A_201 : memref<1x1x64x512xf32, #tpu.memory_space<hbm>> -> memref<64x512xf32, #tpu.memory_space<hbm>>
      %dma_start3A_203 = arith.constant 0 : i32
      %dma_start3A_204 = tpu.memref_slice %arg3[%add3A, %select_n3A_183, %mul3A_199, %dma_start3A_203] : memref<32x3x512x512xf32, #tpu.memory_space<hbm>> -> memref<1x1x64x512xf32, #tpu.memory_space<hbm>>
      %dma_start3A_205 = tpu.memref_squeeze %dma_start3A_204 : memref<1x1x64x512xf32, #tpu.memory_space<hbm>> -> memref<64x512xf32, #tpu.memory_space<hbm>>
      tpu.enqueue_dma source(%dma_start3A_205 : memref<64x512xf32, #tpu.memory_space<hbm>>) target(%arg5 : memref<64x512xf32, #tpu.memory_space<vmem>>) target_semaphore(%arg9 : memref<!tpu.dma_semaphore, #tpu.memory_space<semaphore_mem>>)
      %dma_wait3A_206 = arith.constant 0 : i32
      %dma_wait3A_207 = arith.constant 0 : i32
      %dma_wait3A_208 = arith.constant 0 : i32
      %dma_wait3A_209 = tpu.memref_slice %arg3[%add3A, %dma_wait3A_206, %dma_wait3A_207, %dma_wait3A_208] : memref<32x3x512x512xf32, #tpu.memory_space<hbm>> -> memref<1x1x64x512xf32, #tpu.memory_space<hbm>>
      %dma_wait3A_210 = tpu.memref_squeeze %dma_wait3A_209 : memref<1x1x64x512xf32, #tpu.memory_space<hbm>> -> memref<64x512xf32, #tpu.memory_space<hbm>>
      %dma_wait3A_211 = arith.constant 0 : i32
      %dma_wait3A_212 = arith.constant 0 : i32
      %dma_wait3A_213 = tpu.memref_slice %arg3[%add3A, %dma_wait3A_206, %dma_wait3A_211, %dma_wait3A_212] : memref<32x3x512x512xf32, #tpu.memory_space<hbm>> -> memref<1x1x64x512xf32, #tpu.memory_space<hbm>>
      %dma_wait3A_214 = tpu.memref_squeeze %dma_wait3A_213 : memref<1x1x64x512xf32, #tpu.memory_space<hbm>> -> memref<64x512xf32, #tpu.memory_space<hbm>>
      tpu.wait_dma2 semaphore(%arg10 : memref<!tpu.dma_semaphore, #tpu.memory_space<semaphore_mem>>) src(%dma_wait3A_214 : memref<64x512xf32, #tpu.memory_space<hbm>>) dst(%arg6 : memref<64x512xf32, #tpu.memory_space<vmem>>)
      %add3A_215 = arith.constant 1 : i32
      %add3A_216 = arith.addi %mul3A_119, %add3A_215 : i32
      %jit3A_217 = arith.constant 8 : i32
      %div3A_218 = arith.divsi %add3A_216, %jit3A_217 : i32
      %sign3A_219 = arith.constant 0 : i32
      %sign3A_220 = arith.cmpi sgt, %add3A_216, %sign3A_219 : i32
      %sign3A_221 = arith.extui %sign3A_220 : i1 to i32
      %sign3A_222 = arith.constant 0 : i32
      %sign3A_223 = arith.cmpi slt, %add3A_216, %sign3A_222 : i32
      %sign3A_224 = arith.extui %sign3A_223 : i1 to i32
      %sign3A_225 = arith.subi %sign3A_221, %sign3A_224 : i32
      %sign3A_226 = arith.constant 0 : i32
      %sign3A_227 = arith.cmpi sgt, %jit3A_217, %sign3A_226 : i32
      %sign3A_228 = arith.extui %sign3A_227 : i1 to i32
      %sign3A_229 = arith.constant 0 : i32
      %sign3A_230 = arith.cmpi slt, %jit3A_217, %sign3A_229 : i32
      %sign3A_231 = arith.extui %sign3A_230 : i1 to i32
      %sign3A_232 = arith.subi %sign3A_228, %sign3A_231 : i32
      %ne3A_233 = arith.cmpi ne, %sign3A_225, %sign3A_232 : i32
      %rem3A_234 = arith.remsi %add3A_216, %jit3A_217 : i32
      %ne3A_235 = arith.constant 0 : i32
      %ne3A_236 = arith.cmpi ne, %rem3A_234, %ne3A_235 : i32
      %and3A_237 = arith.andi %ne3A_233, %ne3A_236 : i1
      %sub3A_238 = arith.constant 1 : i32
      %sub3A_239 = arith.subi %div3A_218, %sub3A_238 : i32
      %select_n3A_240 = arith.select %and3A_237, %sub3A_239, %div3A_218 : i32
      %add3A_241 = arith.constant 3 : i32
      %add3A_242 = arith.addi %add3A_241, %select_n3A_240 : i32
      %mul3A_243 = arith.constant 4096 : i32
      %mul3A_244 = arith.muli %add3A_242, %mul3A_243 : i32
      %add3A_245 = vector.broadcast %mul3A_244 : i32 to vector<16xi32>
      %add3A_246 = arith.addi %iota3A, %add3A_245 : vector<16xi32>
      %parallel_loop3A_247 = arith.constant 0 : i32
      %parallel_loop3A_248 = arith.constant 64 : i32
      %parallel_loop3A_249 = arith.constant 1 : i32
      scf.for %parallel_loop3A_302 = %parallel_loop3A_247 to %parallel_loop3A_248 step %parallel_loop3A_249  : i32 {
        %parallel_loop3A_303 = arith.constant 0 : i32
        %parallel_loop3A_304 = arith.constant 512 : i32
        %parallel_loop3A_305 = arith.constant 16 : i32
        scf.for %parallel_loop3A_306 = %parallel_loop3A_303 to %parallel_loop3A_304 step %parallel_loop3A_305  : i32 {
          %parallel_loop3A_307 = arith.index_cast %parallel_loop3A_302 : i32 to index
          %parallel_loop3A_308 = arith.index_cast %parallel_loop3A_306 : i32 to index
          %parallel_loop3A_309 = tpu.vector_load %arg6[%parallel_loop3A_307, %parallel_loop3A_308] {strides = array<i32>} : memref<64x512xf32, #tpu.memory_space<vmem>>, vector<16xf32>,
          %parallel_loop3A_310 = arith.constant 2.550000e+02 : f32
          %parallel_loop3A_311 = vector.broadcast %parallel_loop3A_310 : f32 to vector<16xf32>
          %parallel_loop3A_312 = arith.mulf %parallel_loop3A_309, %parallel_loop3A_311 : vector<16xf32>
          %parallel_loop3A_313 = arith.fptosi %parallel_loop3A_312 : vector<16xf32> to vector<16xi32>
          %parallel_loop3A_314 = arith.constant 4 : i32
          %parallel_loop3A_315 = vector.broadcast %parallel_loop3A_314 : i32 to vector<16xi32>
          %parallel_loop3A_316 = arith.shli %parallel_loop3A_313, %parallel_loop3A_315 : vector<16xi32>
          %parallel_loop3A_317 = arith.addi %parallel_loop3A_316, %add3A_246 : vector<16xi32>
          tpu.vector_store_idx %arg7[%parallel_loop3A_317], %broadcast_in_dim3A_1 {add = true} : memref<24576xf32, #tpu.memory_space<vmem>>[vector<16xi32>], vector<16xf32>,
        } {sc.loop_unroll_factor = 32 : i64, sc.parallel_access}
      } {sc.loop_unroll_factor = 1 : i64, sc.parallel_access}
      %add3A_250 = arith.constant 2 : i32
      %add3A_251 = arith.addi %mul3A_119, %add3A_250 : i32
      %add3A_252 = arith.constant 1 : i32
      %add3A_253 = arith.addi %add3A_251, %add3A_252 : i32
      %jit3A_254 = arith.constant 8 : i32
      %div3A_255 = arith.divsi %add3A_253, %jit3A_254 : i32
      %sign3A_256 = arith.constant 0 : i32
      %sign3A_257 = arith.cmpi sgt, %add3A_253, %sign3A_256 : i32
      %sign3A_258 = arith.extui %sign3A_257 : i1 to i32
      %sign3A_259 = arith.constant 0 : i32
      %sign3A_260 = arith.cmpi slt, %add3A_253, %sign3A_259 : i32
      %sign3A_261 = arith.extui %sign3A_260 : i1 to i32
      %sign3A_262 = arith.subi %sign3A_258, %sign3A_261 : i32
      %sign3A_263 = arith.constant 0 : i32
      %sign3A_264 = arith.cmpi sgt, %jit3A_254, %sign3A_263 : i32
      %sign3A_265 = arith.extui %sign3A_264 : i1 to i32
      %sign3A_266 = arith.constant 0 : i32
      %sign3A_267 = arith.cmpi slt, %jit3A_254, %sign3A_266 : i32
      %sign3A_268 = arith.extui %sign3A_267 : i1 to i32
      %sign3A_269 = arith.subi %sign3A_265, %sign3A_268 : i32
      %ne3A_270 = arith.cmpi ne, %sign3A_262, %sign3A_269 : i32
      %rem3A_271 = arith.remsi %add3A_253, %jit3A_254 : i32
      %ne3A_272 = arith.constant 0 : i32
      %ne3A_273 = arith.cmpi ne, %rem3A_271, %ne3A_272 : i32
      %and3A_274 = arith.andi %ne3A_270, %ne3A_273 : i1
      %sub3A_275 = arith.constant 1 : i32
      %sub3A_276 = arith.subi %div3A_255, %sub3A_275 : i32
      %select_n3A_277 = arith.select %and3A_274, %sub3A_276, %div3A_255 : i32
      %jit3A_278 = arith.constant 8 : i32
      %eq3A_279 = arith.constant 0 : i32
      %eq3A_280 = arith.cmpi eq, %jit3A_278, %eq3A_279 : i32
      %jit3A_281 = arith.constant 1 : i32
      %select_n3A_282 = arith.select %eq3A_280, %jit3A_281, %jit3A_278 : i32
      %rem3A_283 = arith.remsi %add3A_253, %select_n3A_282 : i32
      %ne3A_284 = arith.constant 0 : i32
      %ne3A_285 = arith.cmpi ne, %rem3A_283, %ne3A_284 : i32
      %lt3A_286 = arith.constant 0 : i32
      %lt3A_287 = arith.cmpi slt, %rem3A_283, %lt3A_286 : i32
      %lt3A_288 = arith.constant 0 : i32
      %lt3A_289 = arith.cmpi slt, %select_n3A_282, %lt3A_288 : i32
      %ne3A_290 = arith.xori %lt3A_287, %lt3A_289 : i1
      %and3A_291 = arith.andi %ne3A_290, %ne3A_285 : i1
      %add3A_292 = arith.addi %rem3A_283, %select_n3A_282 : i32
      %select_n3A_293 = arith.select %and3A_291, %add3A_292, %rem3A_283 : i32
      %mul3A_294 = arith.constant 64 : i32
      %mul3A_295 = arith.muli %select_n3A_293, %mul3A_294 : i32
      %dma_start3A_296 = arith.constant 0 : i32
      %dma_start3A_297 = tpu.memref_slice %arg3[%add3A, %select_n3A_277, %mul3A_295, %dma_start3A_296] : memref<32x3x512x512xf32, #tpu.memory_space<hbm>> -> memref<1x1x64x512xf32, #tpu.memory_space<hbm>>
      %dma_start3A_298 = tpu.memref_squeeze %dma_start3A_297 : memref<1x1x64x512xf32, #tpu.memory_space<hbm>> -> memref<64x512xf32, #tpu.memory_space<hbm>>
      %dma_start3A_299 = arith.constant 0 : i32
      %dma_start3A_300 = tpu.memref_slice %arg3[%add3A, %select_n3A_277, %mul3A_295, %dma_start3A_299] : memref<32x3x512x512xf32, #tpu.memory_space<hbm>> -> memref<1x1x64x512xf32, #tpu.memory_space<hbm>>
      %dma_start3A_301 = tpu.memref_squeeze %dma_start3A_300 : memref<1x1x64x512xf32, #tpu.memory_space<hbm>> -> memref<64x512xf32, #tpu.memory_space<hbm>>
      tpu.enqueue_dma source(%dma_start3A_301 : memref<64x512xf32, #tpu.memory_space<hbm>>) target(%arg6 : memref<64x512xf32, #tpu.memory_space<vmem>>) target_semaphore(%arg10 : memref<!tpu.dma_semaphore, #tpu.memory_space<semaphore_mem>>)
    }
    %scan3A_76 = arith.constant 11 : i32
    %dma_wait3A_77 = arith.constant 0 : i32
    %dma_wait3A_78 = arith.constant 0 : i32
    %dma_wait3A_79 = arith.constant 0 : i32
    %dma_wait3A_80 = tpu.memref_slice %arg3[%add3A, %dma_wait3A_77, %dma_wait3A_78, %dma_wait3A_79] : memref<32x3x512x512xf32, #tpu.memory_space<hbm>> -> memref<1x1x64x512xf32, #tpu.memory_space<hbm>>
    %dma_wait3A_81 = tpu.memref_squeeze %dma_wait3A_80 : memref<1x1x64x512xf32, #tpu.memory_space<hbm>> -> memref<64x512xf32, #tpu.memory_space<hbm>>
    %dma_wait3A_82 = arith.constant 0 : i32
    %dma_wait3A_83 = arith.constant 0 : i32
    %dma_wait3A_84 = tpu.memref_slice %arg3[%add3A, %dma_wait3A_77, %dma_wait3A_82, %dma_wait3A_83] : memref<32x3x512x512xf32, #tpu.memory_space<hbm>> -> memref<1x1x64x512xf32, #tpu.memory_space<hbm>>
    %dma_wait3A_85 = tpu.memref_squeeze %dma_wait3A_84 : memref<1x1x64x512xf32, #tpu.memory_space<hbm>> -> memref<64x512xf32, #tpu.memory_space<hbm>>
    tpu.wait_dma2 semaphore(%arg9 : memref<!tpu.dma_semaphore, #tpu.memory_space<semaphore_mem>>) src(%dma_wait3A_85 : memref<64x512xf32, #tpu.memory_space<hbm>>) dst(%arg5 : memref<64x512xf32, #tpu.memory_space<vmem>>)
    %add3A_86 = arith.constant 20480 : i32
    %add3A_87 = vector.broadcast %add3A_86 : i32 to vector<16xi32>
    %add3A_88 = arith.addi %iota3A, %add3A_87 : vector<16xi32>
    %parallel_loop3A_89 = arith.constant 0 : i32
    %parallel_loop3A_90 = arith.constant 64 : i32
    %parallel_loop3A_91 = arith.constant 1 : i32
    scf.for %parallel_loop3A_113 = %parallel_loop3A_89 to %parallel_loop3A_90 step %parallel_loop3A_91  : i32 {
      %parallel_loop3A_114 = arith.constant 0 : i32
      %parallel_loop3A_115 = arith.constant 512 : i32
      %parallel_loop3A_116 = arith.constant 16 : i32
      scf.for %parallel_loop3A_117 = %parallel_loop3A_114 to %parallel_loop3A_115 step %parallel_loop3A_116  : i32 {
        %parallel_loop3A_118 = arith.index_cast %parallel_loop3A_113 : i32 to index
        %parallel_loop3A_119 = arith.index_cast %parallel_loop3A_117 : i32 to index
        %parallel_loop3A_120 = tpu.vector_load %arg5[%parallel_loop3A_118, %parallel_loop3A_119] {strides = array<i32>} : memref<64x512xf32, #tpu.memory_space<vmem>>, vector<16xf32>,
        %parallel_loop3A_121 = arith.constant 2.550000e+02 : f32
        %parallel_loop3A_122 = vector.broadcast %parallel_loop3A_121 : f32 to vector<16xf32>
        %parallel_loop3A_123 = arith.mulf %parallel_loop3A_120, %parallel_loop3A_122 : vector<16xf32>
        %parallel_loop3A_124 = arith.fptosi %parallel_loop3A_123 : vector<16xf32> to vector<16xi32>
        %parallel_loop3A_125 = arith.constant 4 : i32
        %parallel_loop3A_126 = vector.broadcast %parallel_loop3A_125 : i32 to vector<16xi32>
        %parallel_loop3A_127 = arith.shli %parallel_loop3A_124, %parallel_loop3A_126 : vector<16xi32>
        %parallel_loop3A_128 = arith.addi %parallel_loop3A_127, %add3A_88 : vector<16xi32>
        tpu.vector_store_idx %arg7[%parallel_loop3A_128], %broadcast_in_dim3A_1 {add = true} : memref<24576xf32, #tpu.memory_space<vmem>>[vector<16xi32>], vector<16xf32>,
      } {sc.loop_unroll_factor = 32 : i64, sc.parallel_access}
    } {sc.loop_unroll_factor = 1 : i64, sc.parallel_access}
    %dma_wait3A_92 = arith.constant 0 : i32
    %dma_wait3A_93 = arith.constant 0 : i32
    %dma_wait3A_94 = arith.constant 0 : i32
    %dma_wait3A_95 = tpu.memref_slice %arg3[%add3A, %dma_wait3A_92, %dma_wait3A_93, %dma_wait3A_94] : memref<32x3x512x512xf32, #tpu.memory_space<hbm>> -> memref<1x1x64x512xf32, #tpu.memory_space<hbm>>
    %dma_wait3A_96 = tpu.memref_squeeze %dma_wait3A_95 : memref<1x1x64x512xf32, #tpu.memory_space<hbm>> -> memref<64x512xf32, #tpu.memory_space<hbm>>
    %dma_wait3A_97 = arith.constant 0 : i32
    %dma_wait3A_98 = arith.constant 0 : i32
    %dma_wait3A_99 = tpu.memref_slice %arg3[%add3A, %dma_wait3A_92, %dma_wait3A_97, %dma_wait3A_98] : memref<32x3x512x512xf32, #tpu.memory_space<hbm>> -> memref<1x1x64x512xf32, #tpu.memory_space<hbm>>
    %dma_wait3A_100 = tpu.memref_squeeze %dma_wait3A_99 : memref<1x1x64x512xf32, #tpu.memory_space<hbm>> -> memref<64x512xf32, #tpu.memory_space<hbm>>
    tpu.wait_dma2 semaphore(%arg10 : memref<!tpu.dma_semaphore, #tpu.memory_space<semaphore_mem>>) src(%dma_wait3A_100 : memref<64x512xf32, #tpu.memory_space<hbm>>) dst(%arg6 : memref<64x512xf32, #tpu.memory_space<vmem>>)
    %add3A_101 = arith.constant 20480 : i32
    %add3A_102 = vector.broadcast %add3A_101 : i32 to vector<16xi32>
    %add3A_103 = arith.addi %iota3A, %add3A_102 : vector<16xi32>
    %parallel_loop3A_104 = arith.constant 0 : i32
    %parallel_loop3A_105 = arith.constant 64 : i32
    %parallel_loop3A_106 = arith.constant 1 : i32
    scf.for %parallel_loop3A_113 = %parallel_loop3A_104 to %parallel_loop3A_105 step %parallel_loop3A_106  : i32 {
      %parallel_loop3A_114 = arith.constant 0 : i32
      %parallel_loop3A_115 = arith.constant 512 : i32
      %parallel_loop3A_116 = arith.constant 16 : i32
      scf.for %parallel_loop3A_117 = %parallel_loop3A_114 to %parallel_loop3A_115 step %parallel_loop3A_116  : i32 {
        %parallel_loop3A_118 = arith.index_cast %parallel_loop3A_113 : i32 to index
        %parallel_loop3A_119 = arith.index_cast %parallel_loop3A_117 : i32 to index
        %parallel_loop3A_120 = tpu.vector_load %arg6[%parallel_loop3A_118, %parallel_loop3A_119] {strides = array<i32>} : memref<64x512xf32, #tpu.memory_space<vmem>>, vector<16xf32>,
        %parallel_loop3A_121 = arith.constant 2.550000e+02 : f32
        %parallel_loop3A_122 = vector.broadcast %parallel_loop3A_121 : f32 to vector<16xf32>
        %parallel_loop3A_123 = arith.mulf %parallel_loop3A_120, %parallel_loop3A_122 : vector<16xf32>
        %parallel_loop3A_124 = arith.fptosi %parallel_loop3A_123 : vector<16xf32> to vector<16xi32>
        %parallel_loop3A_125 = arith.constant 4 : i32
        %parallel_loop3A_126 = vector.broadcast %parallel_loop3A_125 : i32 to vector<16xi32>
        %parallel_loop3A_127 = arith.shli %parallel_loop3A_124, %parallel_loop3A_126 : vector<16xi32>
        %parallel_loop3A_128 = arith.addi %parallel_loop3A_127, %add3A_103 : vector<16xi32>
        tpu.vector_store_idx %arg7[%parallel_loop3A_128], %broadcast_in_dim3A_1 {add = true} : memref<24576xf32, #tpu.memory_space<vmem>>[vector<16xi32>], vector<16xf32>,
      } {sc.loop_unroll_factor = 32 : i64, sc.parallel_access}
    } {sc.loop_unroll_factor = 1 : i64, sc.parallel_access}
    %mul3A_107 = arith.constant 16 : i32
    %mul3A_108 = vector.broadcast %mul3A_107 : i32 to vector<16xi32>
    %mul3A_109 = arith.muli %iota3A, %mul3A_108 : vector<16xi32>
    %parallel_loop3A_110 = arith.constant 0 : i32
    %parallel_loop3A_111 = arith.constant 96 : i32
    %parallel_loop3A_112 = arith.constant 1 : i32
    scf.for %parallel_loop3A_113 = %parallel_loop3A_110 to %parallel_loop3A_111 step %parallel_loop3A_112  : i32 {
      %parallel_loop3A_114 = arith.constant 256 : i32
      %parallel_loop3A_115 = arith.muli %parallel_loop3A_113, %parallel_loop3A_114 : i32
      %parallel_loop3A_116 = arith.constant 0.000000e+00 : f32
      %parallel_loop3A_117 = vector.broadcast %parallel_loop3A_116 : f32 to vector<16xf32>
      %parallel_loop3A_118 = arith.constant 0 : i32
      %parallel_loop3A_119 = arith.addi %parallel_loop3A_115, %parallel_loop3A_118 : i32
      %parallel_loop3A_120 = vector.broadcast %parallel_loop3A_119 : i32 to vector<16xi32>
      %parallel_loop3A_121 = arith.addi %mul3A_109, %parallel_loop3A_120 : vector<16xi32>
      %parallel_loop3A_122 = tpu.vector_load_idx %arg7[%parallel_loop3A_121] : memref<24576xf32, #tpu.memory_space<vmem>>[vector<16xi32>], vector<16xf32>,
      %parallel_loop3A_123 = arith.addf %parallel_loop3A_117, %parallel_loop3A_122 : vector<16xf32>
      %parallel_loop3A_124 = arith.constant 1 : i32
      %parallel_loop3A_125 = arith.addi %parallel_loop3A_115, %parallel_loop3A_124 : i32
      %parallel_loop3A_126 = vector.broadcast %parallel_loop3A_125 : i32 to vector<16xi32>
      %parallel_loop3A_127 = arith.addi %mul3A_109, %parallel_loop3A_126 : vector<16xi32>
      %parallel_loop3A_128 = tpu.vector_load_idx %arg7[%parallel_loop3A_127] : memref<24576xf32, #tpu.memory_space<vmem>>[vector<16xi32>], vector<16xf32>,
      %parallel_loop3A_129 = arith.addf %parallel_loop3A_123, %parallel_loop3A_128 : vector<16xf32>
      %parallel_loop3A_130 = arith.constant 2 : i32
      %parallel_loop3A_131 = arith.addi %parallel_loop3A_115, %parallel_loop3A_130 : i32
      %parallel_loop3A_132 = vector.broadcast %parallel_loop3A_131 : i32 to vector<16xi32>
      %parallel_loop3A_133 = arith.addi %mul3A_109, %parallel_loop3A_132 : vector<16xi32>
      %parallel_loop3A_134 = tpu.vector_load_idx %arg7[%parallel_loop3A_133] : memref<24576xf32, #tpu.memory_space<vmem>>[vector<16xi32>], vector<16xf32>,
      %parallel_loop3A_135 = arith.addf %parallel_loop3A_129, %parallel_loop3A_134 : vector<16xf32>
      %parallel_loop3A_136 = arith.constant 3 : i32
      %parallel_loop3A_137 = arith.addi %parallel_loop3A_115, %parallel_loop3A_136 : i32
      %parallel_loop3A_138 = vector.broadcast %parallel_loop3A_137 : i32 to vector<16xi32>
      %parallel_loop3A_139 = arith.addi %mul3A_109, %parallel_loop3A_138 : vector<16xi32>
      %parallel_loop3A_140 = tpu.vector_load_idx %arg7[%parallel_loop3A_139] : memref<24576xf32, #tpu.memory_space<vmem>>[vector<16xi32>], vector<16xf32>,
      %parallel_loop3A_141 = arith.addf %parallel_loop3A_135, %parallel_loop3A_140 : vector<16xf32>
      %parallel_loop3A_142 = arith.constant 4 : i32
      %parallel_loop3A_143 = arith.addi %parallel_loop3A_115, %parallel_loop3A_142 : i32
      %parallel_loop3A_144 = vector.broadcast %parallel_loop3A_143 : i32 to vector<16xi32>
      %parallel_loop3A_145 = arith.addi %mul3A_109, %parallel_loop3A_144 : vector<16xi32>
      %parallel_loop3A_146 = tpu.vector_load_idx %arg7[%parallel_loop3A_145] : memref<24576xf32, #tpu.memory_space<vmem>>[vector<16xi32>], vector<16xf32>,
      %parallel_loop3A_147 = arith.addf %parallel_loop3A_141, %parallel_loop3A_146 : vector<16xf32>
      %parallel_loop3A_148 = arith.constant 5 : i32
      %parallel_loop3A_149 = arith.addi %parallel_loop3A_115, %parallel_loop3A_148 : i32
      %parallel_loop3A_150 = vector.broadcast %parallel_loop3A_149 : i32 to vector<16xi32>
      %parallel_loop3A_151 = arith.addi %mul3A_109, %parallel_loop3A_150 : vector<16xi32>
      %parallel_loop3A_152 = tpu.vector_load_idx %arg7[%parallel_loop3A_151] : memref<24576xf32, #tpu.memory_space<vmem>>[vector<16xi32>], vector<16xf32>,
      %parallel_loop3A_153 = arith.addf %parallel_loop3A_147, %parallel_loop3A_152 : vector<16xf32>
      %parallel_loop3A_154 = arith.constant 6 : i32
      %parallel_loop3A_155 = arith.addi %parallel_loop3A_115, %parallel_loop3A_154 : i32
      %parallel_loop3A_156 = vector.broadcast %parallel_loop3A_155 : i32 to vector<16xi32>
      %parallel_loop3A_157 = arith.addi %mul3A_109, %parallel_loop3A_156 : vector<16xi32>
      %parallel_loop3A_158 = tpu.vector_load_idx %arg7[%parallel_loop3A_157] : memref<24576xf32, #tpu.memory_space<vmem>>[vector<16xi32>], vector<16xf32>,
      %parallel_loop3A_159 = arith.addf %parallel_loop3A_153, %parallel_loop3A_158 : vector<16xf32>
      %parallel_loop3A_160 = arith.constant 7 : i32
      %parallel_loop3A_161 = arith.addi %parallel_loop3A_115, %parallel_loop3A_160 : i32
      %parallel_loop3A_162 = vector.broadcast %parallel_loop3A_161 : i32 to vector<16xi32>
      %parallel_loop3A_163 = arith.addi %mul3A_109, %parallel_loop3A_162 : vector<16xi32>
      %parallel_loop3A_164 = tpu.vector_load_idx %arg7[%parallel_loop3A_163] : memref<24576xf32, #tpu.memory_space<vmem>>[vector<16xi32>], vector<16xf32>,
      %parallel_loop3A_165 = arith.addf %parallel_loop3A_159, %parallel_loop3A_164 : vector<16xf32>
      %parallel_loop3A_166 = arith.constant 8 : i32
      %parallel_loop3A_167 = arith.addi %parallel_loop3A_115, %parallel_loop3A_166 : i32
      %parallel_loop3A_168 = vector.broadcast %parallel_loop3A_167 : i32 to vector<16xi32>
      %parallel_loop3A_169 = arith.addi %mul3A_109, %parallel_loop3A_168 : vector<16xi32>
      %parallel_loop3A_170 = tpu.vector_load_idx %arg7[%parallel_loop3A_169] : memref<24576xf32, #tpu.memory_space<vmem>>[vector<16xi32>], vector<16xf32>,
      %parallel_loop3A_171 = arith.addf %parallel_loop3A_165, %parallel_loop3A_170 : vector<16xf32>
      %parallel_loop3A_172 = arith.constant 9 : i32
      %parallel_loop3A_173 = arith.addi %parallel_loop3A_115, %parallel_loop3A_172 : i32
      %parallel_loop3A_174 = vector.broadcast %parallel_loop3A_173 : i32 to vector<16xi32>
      %parallel_loop3A_175 = arith.addi %mul3A_109, %parallel_loop3A_174 : vector<16xi32>
      %parallel_loop3A_176 = tpu.vector_load_idx %arg7[%parallel_loop3A_175] : memref<24576xf32, #tpu.memory_space<vmem>>[vector<16xi32>], vector<16xf32>,
      %parallel_loop3A_177 = arith.addf %parallel_loop3A_171, %parallel_loop3A_176 : vector<16xf32>
      %parallel_loop3A_178 = arith.constant 10 : i32
      %parallel_loop3A_179 = arith.addi %parallel_loop3A_115, %parallel_loop3A_178 : i32
      %parallel_loop3A_180 = vector.broadcast %parallel_loop3A_179 : i32 to vector<16xi32>
      %parallel_loop3A_181 = arith.addi %mul3A_109, %parallel_loop3A_180 : vector<16xi32>
      %parallel_loop3A_182 = tpu.vector_load_idx %arg7[%parallel_loop3A_181] : memref<24576xf32, #tpu.memory_space<vmem>>[vector<16xi32>], vector<16xf32>,
      %parallel_loop3A_183 = arith.addf %parallel_loop3A_177, %parallel_loop3A_182 : vector<16xf32>
      %parallel_loop3A_184 = arith.constant 11 : i32
      %parallel_loop3A_185 = arith.addi %parallel_loop3A_115, %parallel_loop3A_184 : i32
      %parallel_loop3A_186 = vector.broadcast %parallel_loop3A_185 : i32 to vector<16xi32>
      %parallel_loop3A_187 = arith.addi %mul3A_109, %parallel_loop3A_186 : vector<16xi32>
      %parallel_loop3A_188 = tpu.vector_load_idx %arg7[%parallel_loop3A_187] : memref<24576xf32, #tpu.memory_space<vmem>>[vector<16xi32>], vector<16xf32>,
      %parallel_loop3A_189 = arith.addf %parallel_loop3A_183, %parallel_loop3A_188 : vector<16xf32>
      %parallel_loop3A_190 = arith.constant 12 : i32
      %parallel_loop3A_191 = arith.addi %parallel_loop3A_115, %parallel_loop3A_190 : i32
      %parallel_loop3A_192 = vector.broadcast %parallel_loop3A_191 : i32 to vector<16xi32>
      %parallel_loop3A_193 = arith.addi %mul3A_109, %parallel_loop3A_192 : vector<16xi32>
      %parallel_loop3A_194 = tpu.vector_load_idx %arg7[%parallel_loop3A_193] : memref<24576xf32, #tpu.memory_space<vmem>>[vector<16xi32>], vector<16xf32>,
      %parallel_loop3A_195 = arith.addf %parallel_loop3A_189, %parallel_loop3A_194 : vector<16xf32>
      %parallel_loop3A_196 = arith.constant 13 : i32
      %parallel_loop3A_197 = arith.addi %parallel_loop3A_115, %parallel_loop3A_196 : i32
      %parallel_loop3A_198 = vector.broadcast %parallel_loop3A_197 : i32 to vector<16xi32>
      %parallel_loop3A_199 = arith.addi %mul3A_109, %parallel_loop3A_198 : vector<16xi32>
      %parallel_loop3A_200 = tpu.vector_load_idx %arg7[%parallel_loop3A_199] : memref<24576xf32, #tpu.memory_space<vmem>>[vector<16xi32>], vector<16xf32>,
      %parallel_loop3A_201 = arith.addf %parallel_loop3A_195, %parallel_loop3A_200 : vector<16xf32>
      %parallel_loop3A_202 = arith.constant 14 : i32
      %parallel_loop3A_203 = arith.addi %parallel_loop3A_115, %parallel_loop3A_202 : i32
      %parallel_loop3A_204 = vector.broadcast %parallel_loop3A_203 : i32 to vector<16xi32>
      %parallel_loop3A_205 = arith.addi %mul3A_109, %parallel_loop3A_204 : vector<16xi32>
      %parallel_loop3A_206 = tpu.vector_load_idx %arg7[%parallel_loop3A_205] : memref<24576xf32, #tpu.memory_space<vmem>>[vector<16xi32>], vector<16xf32>,
      %parallel_loop3A_207 = arith.addf %parallel_loop3A_201, %parallel_loop3A_206 : vector<16xf32>
      %parallel_loop3A_208 = arith.constant 15 : i32
      %parallel_loop3A_209 = arith.addi %parallel_loop3A_115, %parallel_loop3A_208 : i32
      %parallel_loop3A_210 = vector.broadcast %parallel_loop3A_209 : i32 to vector<16xi32>
      %parallel_loop3A_211 = arith.addi %mul3A_109, %parallel_loop3A_210 : vector<16xi32>
      %parallel_loop3A_212 = tpu.vector_load_idx %arg7[%parallel_loop3A_211] : memref<24576xf32, #tpu.memory_space<vmem>>[vector<16xi32>], vector<16xf32>,
      %parallel_loop3A_213 = arith.addf %parallel_loop3A_207, %parallel_loop3A_212 : vector<16xf32>
      %parallel_loop3A_214 = arith.constant 16 : i32
      %parallel_loop3A_215 = arith.muli %parallel_loop3A_113, %parallel_loop3A_214 : i32
      %parallel_loop3A_216 = arith.index_cast %parallel_loop3A_215 : i32 to index
      %parallel_loop3A_217 = tpu.vector_load %arg8[%parallel_loop3A_216] {strides = array<i32>} : memref<1536xf32, #tpu.memory_space<vmem>>, vector<16xf32>,
      tpu.vector_store %arg8[%parallel_loop3A_216], %parallel_loop3A_213 {strides = array<i32>} : memref<1536xf32, #tpu.memory_space<vmem>>, vector<16xf32>,
    } {sc.loop_unroll_factor = 2 : i64, sc.parallel_access}
    "tpu.region"() ({
      %run_scoped3A = tpu.sem_alloc : memref<!tpu.dma_semaphore, #tpu.memory_space<semaphore_mem>>
      %dma_start3A_113 = arith.constant 0 : i32
      %dma_start3A_114 = tpu.memref_slice %arg4[%add3A, %dma_start3A_113] : memref<32x1536xf32, #tpu.memory_space<hbm>> -> memref<1x1536xf32, #tpu.memory_space<hbm>>
      %dma_start3A_115 = tpu.memref_squeeze %dma_start3A_114 : memref<1x1536xf32, #tpu.memory_space<hbm>> -> memref<1536xf32, #tpu.memory_space<hbm>>
      %dma_start3A_116 = arith.constant 0 : i32
      %dma_start3A_117 = tpu.memref_slice %arg4[%add3A, %dma_start3A_116] : memref<32x1536xf32, #tpu.memory_space<hbm>> -> memref<1x1536xf32, #tpu.memory_space<hbm>>
      %dma_start3A_118 = tpu.memref_squeeze %dma_start3A_117 : memref<1x1536xf32, #tpu.memory_space<hbm>> -> memref<1536xf32, #tpu.memory_space<hbm>>
      tpu.enqueue_dma source(%arg8 : memref<1536xf32, #tpu.memory_space<vmem>>) target(%dma_start3A_118 : memref<1536xf32, #tpu.memory_space<hbm>>) target_semaphore(%run_scoped3A : memref<!tpu.dma_semaphore, #tpu.memory_space<semaphore_mem>>)
      %dma_wait3A_119 = arith.constant 0 : i32
      %dma_wait3A_120 = tpu.memref_slice %arg4[%add3A, %dma_wait3A_119] : memref<32x1536xf32, #tpu.memory_space<hbm>> -> memref<1x1536xf32, #tpu.memory_space<hbm>>
      %dma_wait3A_121 = tpu.memref_squeeze %dma_wait3A_120 : memref<1x1536xf32, #tpu.memory_space<hbm>> -> memref<1536xf32, #tpu.memory_space<hbm>>
      %dma_wait3A_122 = arith.constant 0 : i32
      %dma_wait3A_123 = tpu.memref_slice %arg4[%add3A, %dma_wait3A_122] : memref<32x1536xf32, #tpu.memory_space<hbm>> -> memref<1x1536xf32, #tpu.memory_space<hbm>>
      %dma_wait3A_124 = tpu.memref_squeeze %dma_wait3A_123 : memref<1x1536xf32, #tpu.memory_space<hbm>> -> memref<1536xf32, #tpu.memory_space<hbm>>
      tpu.wait_dma2 semaphore(%run_scoped3A : memref<!tpu.dma_semaphore, #tpu.memory_space<semaphore_mem>>) src(%arg8 : memref<1536xf32, #tpu.memory_space<vmem>>) dst(%dma_wait3A_124 : memref<1536xf32, #tpu.memory_space<hbm>>)
      tpu.yield
    }) : () -> ()
    return
  }
}

module attributes {stable_mosaic.version = 14 : i64} {
  func.func @_kl_body(%arg0: memref<32x6x256xf32, #tpu.memory_space<vmem>>, %arg1: memref<1x1xf32, #tpu.memory_space<vmem>>) attributes {dimension_semantics = [], scalar_prefetch = 0 : i64, scratch_operands = 0 : i64, tpu.core_type = #tpu.core_type<tc>} {
    %get3A = arith.constant 0 : index
    %get3A_0 = arith.constant 0 : index
    %get3A_1 = arith.constant 0 : index
    %get3A_2 = vector.load %arg0[%get3A, %get3A_0, %get3A_1] : memref<32x6x256xf32, #tpu.memory_space<vmem>>, vector<32x6x256xf32>
    %reduce_sum3A = arith.constant dense<0.000000e+00> : vector<6x256xf32>
    %reduce_sum3A_3 = vector.multi_reduction <add>, %get3A_2, %reduce_sum3A [0] : vector<32x6x256xf32> to vector<6x256xf32>
    %slice3A = vector.extract_strided_slice %reduce_sum3A_3 {offsets = [0, 0], sizes = [3, 256], strides = [1, 1]} : vector<6x256xf32> to vector<3x256xf32>
    %add3A = arith.constant 9.99999997E-7 : f32
    %add3A_4 = vector.broadcast %add3A : f32 to vector<3x256xf32>
    %add3A_5 = arith.addf %slice3A, %add3A_4 : vector<3x256xf32>
    %slice3A_6 = vector.extract_strided_slice %reduce_sum3A_3 {offsets = [3, 0], sizes = [3, 256], strides = [1, 1]} : vector<6x256xf32> to vector<3x256xf32>
    %add3A_7 = arith.constant 9.99999997E-7 : f32
    %add3A_8 = vector.broadcast %add3A_7 : f32 to vector<3x256xf32>
    %add3A_9 = arith.addf %slice3A_6, %add3A_8 : vector<3x256xf32>
    %reduce_sum3A_10 = arith.constant dense<0.000000e+00> : vector<3xf32>
    %reduce_sum3A_11 = vector.multi_reduction <add>, %add3A_9, %reduce_sum3A_10 [1] : vector<3x256xf32> to vector<3xf32>
    %broadcast_in_dim3A = vector.shape_cast %reduce_sum3A_11 : vector<3xf32> to vector<3x1xf32>
    %div3A = vector.broadcast %broadcast_in_dim3A : vector<3x1xf32> to vector<3x256xf32>
    %div3A_12 = arith.divf %add3A_9, %div3A : vector<3x256xf32>
    %reduce_sum3A_13 = arith.constant dense<0.000000e+00> : vector<3xf32>
    %reduce_sum3A_14 = vector.multi_reduction <add>, %add3A_5, %reduce_sum3A_13 [1] : vector<3x256xf32> to vector<3xf32>
    %broadcast_in_dim3A_15 = vector.shape_cast %reduce_sum3A_14 : vector<3xf32> to vector<3x1xf32>
    %div3A_16 = vector.broadcast %broadcast_in_dim3A_15 : vector<3x1xf32> to vector<3x256xf32>
    %div3A_17 = arith.divf %add3A_5, %div3A_16 : vector<3x256xf32>
    %div3A_18 = arith.divf %div3A_12, %div3A_17 : vector<3x256xf32>
    %log3A = math.log %div3A_18 : vector<3x256xf32>
    %mul3A = arith.mulf %div3A_12, %log3A : vector<3x256xf32>
    %reduce_sum3A_19 = vector.shape_cast %mul3A : vector<3x256xf32> to vector<1x3x256xf32>
    %reduce_sum3A_20 = arith.constant dense<0.000000e+00> : vector<1xf32>
    %reduce_sum3A_21 = vector.multi_reduction <add>, %reduce_sum3A_19, %reduce_sum3A_20 [1, 2] : vector<1x3x256xf32> to vector<1xf32>
    %reduce_sum3A_22 = vector.shape_cast %reduce_sum3A_21 : vector<1xf32> to vector<1x1x1xf32>
    %reduce_sum3A_23 = vector.extract %reduce_sum3A_22[0, 0, 0] : f32 from vector<1x1x1xf32>
    %reshape3A = vector.broadcast %reduce_sum3A_23 : f32 to vector<1x1xf32>
    %swap3A = arith.constant 0 : index
    %swap3A_24 = arith.constant 0 : index
    %swap3A_25 = vector.load %arg1[%swap3A, %swap3A_24] : memref<1x1xf32, #tpu.memory_space<vmem>>, vector<1x1xf32>
    tpu.vector_store %arg1[%swap3A, %swap3A_24], %reshape3A {strides = array<i32>} : memref<1x1xf32, #tpu.memory_space<vmem>>, vector<1x1xf32>,
    return
  }
}

</mosaic_0001>

<sc_bundles>
// kernel: kernel.4.cloned.1.call-start
scs
__scs_entry_jumppad:
0x0: {  	(pc) =	sbr.rel $0x88, $3  }
0x1: {  	(tag) =	ssettag $0x0;
	lr =	simm.s32 $0x1  }
0x2: {  	[smem:$0x3F9F] =	sst lr;
	_ =	strace $0xD0000000  }
0x3: {  	_ = 	snop  }
0x4: {  	_ = 	snop  }
0x5: {  	_ = 	snop  }
0x6: {  	_ = 	snop  }
0x7: {  	_ = 	snop  }
__scs_overlays_trampoline_lowered:
0x8: {  	[smem:$0x3FAE] =	sst s0  }
0x9: {  	[smem:$0x3FAF] =	sst s1  }
0xa: {  	[smem:$0x3FB0] =	sst s2  }
0xb: {  	[smem:$0x3FB1] =	sst s3  }
0xc: {  	[smem:$0x3FB2] =	sst s4  }
0xd: {  	[smem:$0x3FB3] =	sst s5  }
0xe: {  	[smem:$0x3FB4] =	sst s6  }
0xf: {  	[smem:$0x3FB5] =	sst s7  }
0x10: {  	[smem:$0x3FB6] =	sst s8  }
0x11: {  	[smem:$0x3FB7] =	sst s9;
	s0 =	simm.s32 @!p0 $0x0  }
0x12: {  	s1 =	sld [smem:$0x3F9D];
	s0 =	simm.s32 @p0 $0x1  }
0x13: {  	[smem:$0x3FB8] =	sst s0;
	s0 =	simm.s32 @!p1 $0x0  }
0x14: {  	s2 =	sld [smem:$0x3F9C];
	s0 =	simm.s32 @p1 $0x1  }
0x15: {  	[smem:$0x3FB9] =	sst s0;
	s0 =	simm.s32 @!p2 $0x0  }
0x16: {  	s3 =	sld [smem:$0x3FDB];
	s0 =	simm.s32 @p2 $0x1  }
0x17: {  	s4 =	simm.s32 $0x1BF5;
	[smem:$0x3FBB] =	sst s0  }
0x18: {  	s0 =	sld [smem:$0x3F9E];
	_ =	swait.ge [sflag:s4], $0x0  }
0x19: {  	s7 =	sld [smem:$0x3F9F]  }
0x1a: {  	s8 =	sadd.s32 $0xFFFFE003, lr  }
0x1b: {  	s9 =	sadd.s32 $0xFFFFFEF7, lr;
	s5 =	simm.s32 $0xFFFFFFFF;
	p2 =	slt.u32 s8, $0xFFFFF086  }
0x1c: {  	p1 =	slt.u32 s9, $0xF7A;
	s5 =	simm.s32 @!p2 $0x0  }
0x1d: {  	s5 =	simm.s32 @p1 $0x1;
	p0 =	seq.s32 s7, s2  }
0x1e: {  	s7 =	smul.u32 @!p0 $0xF7A, s2;
	p2 =	seq.s32 @!p0 s5, $0x0  }
0x1f: {  	s9 =	smul.u32 $0xF7A, s1;
	s8 =	simm.s32 @!p0 $0x1BF5;
	p2 =	por !p2, p0  }
0x20: {  	[sflag:s8] =	ssyncset.s32 @!p0 $0xFFFFF086;
	s6 =	sadd.s32 @!p0 s3, s7;
	s7 =	simm.s32 @!p0 $0x108  }
0x21: {  	s3 =	sadd.s32 s3, s9;
	s6 =	sadd.s32 @!p0 $0x88, s6;
	s7 =	simm.s32 @p2 $0x1082  }
0x22: {  	[simem:s7], [sflag:s8] =	dma.local @!p0 [hbm:s6], $0xF7A  }
0x23: {  	s9 =	sor.u32 $0xD0000000, s2;
	s6 =	simm.s32 $0x108;
	_ =	swait.ge @!p0 [sflag:s8], $0x0  }
0x24: {  	s3 =	sadd.s32 $0x88, s3;
	s6 =	simm.s32 @!p1 $0x1082;
	[sflag:s4] =	ssyncset.s32 $0xFFFFF086  }
0x25: {  	[simem:s6], [sflag:s4] =	dma.local [hbm:s3], $0xF7A  }
0x26: {  	[smem:$0x3F9F] =	sst s1;
	(tag) =	ssettag s2;
	_ =	strace s9  }
0x27: {  	s1 =	sld [smem:$0x3FAF]  }
0x28: {  	s2 =	sld [smem:$0x3FB0]  }
0x29: {  	s4 =	sld [smem:$0x3FB2]  }
0x2a: {  	p0 =	seq.s32 s5, $0x0;
	s5 =	sld [smem:$0x3FB3]  }
0x2b: {  	s6 =	sld [smem:$0x3FB4]  }
0x2c: {  	s7 =	sld [smem:$0x3FB5]  }
0x2d: {  	s3 =	simm.s32 $0x108;
	s8 =	sld [smem:$0x3FB6]  }
0x2e: {  	s3 =	simm.s32 @!p0 $0x1082;
	s9 =	sld [smem:$0x3FB7]  }
0x2f: {  	lr =	sadd.s32 s0, s3;
	s0 =	sld [smem:$0x3FAE]  }
0x30: {  	s3 =	sld [smem:$0x3FB1]  }
0x31: {  	[smem:$0x3FBA] =	sst s10  }
0x32: {  	s10 =	sld [smem:$0x3FB8];
	_ =	sdelay $0x3  }
0x33: {  	p0 =	seq.s32 s10, $0x1;
	s10 =	sld [smem:$0x3FBA];
	_ =	sdelay $0x3  }
0x34: {  	[smem:$0x3FBA] =	sst s10  }
0x35: {  	s10 =	sld [smem:$0x3FB9];
	_ =	sdelay $0x3  }
0x36: {  	p1 =	seq.s32 s10, $0x1;
	s10 =	sld [smem:$0x3FBA];
	_ =	sdelay $0x3  }
0x37: {  	[smem:$0x3FBA] =	sst s10  }
0x38: {  	s10 =	sld [smem:$0x3FBB]  }
0x39: {  	_ = 	snop;
	(pc) =	sbr.ind lr, $3  }
0x3a: {  	_ = 	snop  }
0x3b: {  	_ = 	snop  }
0x3c: {  	p2 =	seq.s32 s10, $0x1;
	s10 =	sld [smem:$0x3FBA]  }
0x3d: {  	_ =	shalt  }
0x3e: {  	_ =	shalt  }
0x3f: {  	_ =	shalt  }
0x40: {  	_ =	shalt  }
0x41: {  	_ =	shalt  }
0x42: {  	_ =	shalt  }
0x43: {  	_ =	shalt  }
0x44: {  	_ =	shalt  }
0x45: {  	_ =	shalt  }
0x46: {  	_ =	shalt  }
0x47: {  	_ =	shalt  }
0x48: {  	_ =	shalt  }
0x49: {  	_ =	shalt  }
0x4a: {  	_ =	shalt  }
0x4b: {  	_ =	shalt  }
0x4c: {  	_ =	shalt  }
0x4d: {  	_ =	shalt  }
0x4e: {  	_ =	shalt  }
0x4f: {  	_ =	shalt  }
0x50: {  	_ =	shalt  }
0x51: {  	_ =	shalt  }
0x52: {  	_ =	shalt  }
0x53: {  	_ =	shalt  }
0x54: {  	_ =	shalt  }
0x55: {  	_ =	shalt  }
0x56: {  	_ =	shalt  }
0x57: {  	_ =	shalt  }
0x58: {  	_ =	shalt  }
0x59: {  	_ =	shalt  }
0x5a: {  	_ =	shalt  }
0x5b: {  	_ =	shalt  }
0x5c: {  	_ =	shalt  }
0x5d: {  	_ =	shalt  }
0x5e: {  	_ =	shalt  }
0x5f: {  	_ =	shalt  }
0x60: {  	_ =	shalt  }
0x61: {  	_ =	shalt  }
0x62: {  	_ =	shalt  }
0x63: {  	_ =	shalt  }
0x64: {  	_ =	shalt  }
0x65: {  	_ =	shalt  }
0x66: {  	_ =	shalt  }
0x67: {  	_ =	shalt  }
0x68: {  	_ =	shalt  }
0x69: {  	_ =	shalt  }
0x6a: {  	_ =	shalt  }
0x6b: {  	_ =	shalt  }
0x6c: {  	_ =	shalt  }
0x6d: {  	_ =	shalt  }
0x6e: {  	_ =	shalt  }
0x6f: {  	_ =	shalt  }
0x70: {  	_ =	shalt  }
0x71: {  	_ =	shalt  }
0x72: {  	_ =	shalt  }
0x73: {  	_ =	shalt  }
0x74: {  	_ =	shalt  }
0x75: {  	_ =	shalt  }
0x76: {  	_ =	shalt  }
0x77: {  	_ =	shalt  }
0x78: {  	_ =	shalt  }
0x79: {  	_ =	shalt  }
0x7a: {  	_ =	shalt  }
0x7b: {  	_ =	shalt  }
0x7c: {  	_ =	shalt  }
0x7d: {  	_ =	shalt  }
0x7e: {  	_ =	shalt  }
0x7f: {  	_ =	shalt  }
0x80: {  	_ =	shalt  }
0x81: {  	_ =	shalt  }
0x82: {  	_ =	shalt  }
0x83: {  	_ =	shalt  }
0x84: {  	_ =	shalt  }
0x85: {  	_ =	shalt  }
0x86: {  	_ =	shalt  }
0x87: {  	_ =	shalt  }
.Lfunc_end0:
.L_simem_size_0:
called_computation_lowered:
.L_overlay_start_0:
0x88: {  	s2 =	sld [smem:$0x3FD9]  }
0x89: {  	s3 =	sld [smem:$0x3FFE];
	_ =	sdelay $0x1  }
0x8a: {  	s1 =	srdreg.scid  }
0x8b: {  	s0 =	sand.u32 $0x1, s1  }
0x8c: {  	s17 =	sshll.u32 s0, $0xA;
	s2 =	sadd.s32 s3, s2  }
0x8d: {  	s2 =	sadd.s32 s2, s17  }
0x8e: {  	[smem:$0x3FC6] =	sst s2  }
0x8f: {  	_ = 	snop  }
0x90: {  	s2 =	sld [smem:$0x3FC9]  }
0x91: {  	s18 =	sld [smem:$0x3FC8];
	(tm) =	ssettm $0x1  }
0x92: {  	s4 =	sld [smem:$0x3FFB];
	_ =	sdelay $0x3  }
0x93: {  	_ =	strace s4  }
0x94: {  	s4 =	sld [smem:$0x3FFC];
	_ =	sdelay $0x3  }
0x95: {  	_ =	strace s4  }
0x96: {  	s4 =	sld [smem:$0x3FFD];
	_ =	sdelay $0x3  }
0x97: {  	_ =	strace s4  }
0x98: {  	_ =	strace $0x8FFFFFFF  }
0x99: {  	s19 =	sld [smem:$0x3FDB];
	_ =	sdelay $0x1  }
0x9a: {  	s5 =	simm.s32 $_scs_section_size  }
0x9b: {  	s6 =	simm.s32 $_size__tile_overlayer_lowered;
	s7 =	simm.s32 $_tile_overlayer_lowered  }
0x9c: {  	s22 =	simm.s32 $0x1BFF;
	s21 =	sshll.u32 s7, $0x1;
	s4 =	sadd.s32 s5, s19  }
0x9d: {  	s8 =	simm.s32 $0x0;
	s20 =	sshll.u32 s6, $0x1;
	s6 =	sadd.s32 s21, s4  }
0x9e: {  	[timem:s8], [sflag:s22] =	dma.local [hbm:s6], s20  }
0x9f: {  	_ =	swait.ge [sflag:s22], s20  }
0xa0: {  	s5 =	ssub.s32 $0x0, s20;
	[sflag:s22] =	ssyncset.done $0x0  }
0xa1: {  	[sflag:s22] =	ssyncadd.s32 s5;
	_ =	sdelay $0x1  }
0xa2: {  	s23 =	simm.s32 $0x1B8B  }
0xa3: {  	_ =	swait.ge [sflag:s23], $0x1  }
0xa4: {  	[sflag:s23] =	ssyncset.done $0x0  }
0xa5: {  	s25 =	simm.s32 $0x1B8E;
	s24 =	sld [smem:$0x3FFE];
	[sflag:s23] =	ssyncadd.s32 $0xFFFFFFFF  }
0xa6: {  	s26 =	simm.s32 $execute0_lowered;
	[smem:$0x3FD2] =	sst s25  }
0xa7: {  	s6 =	sshll.u32 s26, $0x1;
	_ =	strace $0x80000046;
	[dreg:$0x1] =	wrdreg $0xFFFFFFFF  }
0xa8: {  	s28 =	simm.s32 $_size_execute0_lowered;
	s4 =	sadd.s32 s4, s6;
	[dreg:$0x0] =	wrdreg $0x0  }
0xa9: {  	s6 =	sshll.u32 s28, $0x1;
	[dreg:$0x2] =	wrdreg s4  }
0xaa: {  	[dreg:$0x3] =	wrdreg s6  }
0xab: {  	[dreg:$0x4] =	wrdreg $0xC0  }
0xac: {  	_ =	task [dreg:s8], $0x5FFFF  }
0xad: {  	[dreg:$0x1] =	wrdreg $0xFFFFFFFF  }
0xae: {  	[dreg:$0x0] =	wrdreg $0x60  }
0xaf: {  	[dreg:$0x2] =	wrdreg s2  }
0xb0: {  	[dreg:$0x3] =	wrdreg s18  }
0xb1: {  	[dreg:$0x4] =	wrdreg s24  }
0xb2: {  	[dreg:$0x5] =	wrdreg $0x9  }
0xb3: {  	_ =	task.clear_ibuf [dreg:s8], $0x6FFFF;
	_ =	strace $0x90000046  }
0xb4: {  	s29 =	simm.s32 $0x9;
	_ =	strace $0x80000048  }
0xb5: {  	_ =	swait.ge [sflag:s29], $0x1  }
0xb6: {  	[sflag:s29] =	ssyncadd.s32 $0xFFFFFFFF  }
0xb7: {  	_ =	strace $0x90000048  }
0xb8: {  	_ =	sfence  }
0xb9: {  	s30 =	sld [smem:$0x0];
	_ =	sdelay $0x2  }
0xba: {  	s31 =	sshll.u32 s1, $0xD;
	s1 =	sshrl.u32 s1, $0x2  }
0xbb: {  	s3 =	sand.u32 $0x4000, s31;
	s1 =	sadd.s32 s1, s30  }
0xbc: {  	s0 =	sor.u32 s3, s0;
	s1 =	sshll.u32 s1, $0x11  }
0xbd: {  	s0 =	sor.u32 s1, s0  }
0xbe: {  	s0 =	sadd.s32 $0x8F2B, s0  }
0xbf: {  	[sflag:s0] =	ssyncadd.remote.s32 $0x1  }
0xc0: {  	_ =	sfence.sel $0xFFFF  }
0xc1: {  	[dreg:$0x0] =	wrdreg $0xFFFFFFFF;
	(pc) =	sbr.abs _section_cstart, $3  }
0xc2: {  	[dreg:$0x1] =	wrdreg $0xFFFFFFFF  }
0xc3: {  	_ =	task.clear_ibuf [dreg:s8], $0x2FFFF;
	_ =	strace $0x9FFFFFFF  }
0xc4: {  	(tm) =	ssettm $0x7FFFFFFF  }
0xc5: {  	_ =	shalt  }
tec
execute0_lowered:
.L_overlay_start_1:
0x0: {  	(tag) =	ssettag $0x1  }
0x1: {  	s1 =	rddreg [dreg:$0x0]  }
0x2: {  	s3 =	rddreg [dreg:$0x1]  }
0x3: {  	s0 =	srdreg.scid;
	s7 =	rddreg [dreg:$0x2]  }
0x4: {  	s4 =	simm.s32 $0x0;
	s13 =	simm.s32 $0x1;
	s14 =	simm.s32 $0x10000  }
0x5: {  	s15 =	simm.s32 $0x2;
	s16 =	simm.s32 $0x80;
	s17 =	simm.s32 $0x400  }
0x6: {  	s18 =	simm.s32 $0x16000;
	s19 =	simm.s32 $0x3;
	s6 =	sand.u32 $0x1, s0  }
0x7: {  	s20 =	simm.s32 $0x0;
	s0 =	stileid.u32;
	s2 =	sshll.u32 s6, $0x4  }
0x8: {  	[smem:$0x7FF] =	sst s4;
	s9 =	sshll.u32 s0, $0x7;
	s5 =	sor.u32 s0, s2  }
0x9: {  	s6 =	ssub.s32 $0x2, s6;
	s8 =	sshrl.u32 s5, $0x3;
	s5 =	smul.u32 $0xC0000, s5  }
0xa: {  	s2 =	rddreg [dreg:$0x3];
	s9 =	sand.u32 $0x380, s9;
	s8 =	smul.u32 $0x3000, s8  }
0xb: {  	_ =	strace $0x80000047;
	s30 =	sshrl.u32 s6, $0x1;
	s10 =	sshrl.u32 s5, $0x3  }
0xc: {  	s12 =	ssub.s32 s6, s30;
	s8 =	sor.u32 s9, s8;
	s31 =	sor.u32 $0x1000, s10  }
0xd: {  	s6 =	sadd.s32 s1, s10;
	s8 =	sshrl.u32 s8, $0x3;
	s9 =	sadd.s32 s3, s31  }
0xe: {  	v0 =	vimm.f32 $0.0e+00;
	v1 =	vlaneseq.u32;
	v2 =	vimm.f32 $1.000000000e+00;
	s11 =	sadd.s32 s8, s7;
	s7 =	sadd.s32 s1, s31;
	s8 =	sadd.s32 s3, s10  }
0xf: {  	v3 =	vor.u32 $0x2000, v1;
	v4 =	vor.u32 $0x5000, v1;
	v5 =	vmul.u32 $0x10, v1;
	s10 =	sadd.s32 $0x400, s11;
	s11 =	smax.u32 s12, $0x1;
	s12 =	simm.s32 $0x8000  }
.LBB2_1:
0x10: {  	[tilespmem:s4], [sflag:$0x1] =	stream.linear.gather [hbm4b:s6+s4], $0x8000, $0x38;
	[tilespmem:$0x16600] =	vst v63  }
0x11: {  	s21 =	simm.s32 $0x10040  }
0x12: {  	[tilespmem:s12], [sflag:$0x2] =	stream.linear.gather [hbm4b:s7+s4], $0x8000, $0x38;
	[tilespmem:$0x16600] =	vst v63  }
0x13: {  	[tilespmem:s21+$0xFFFFFFC0] =	vst v0  }
0x14: {  	[tilespmem:s21+$0x30] =	vst v0  }
0x15: {  	[tilespmem:s21+$0x20] =	vst v0  }
0x16: {  	[tilespmem:s21+$0x10] =	vst v0  }
0x17: {  	[tilespmem:s21+$0x0] =	vst v0  }
0x18: {  	[tilespmem:s21+$0xFFFFFFF0] =	vst v0  }
0x19: {  	s22 =	simm.s32 $0x0;
	[tilespmem:s21+$0xFFFFFFE0] =	vst v0  }
.LBB2_2:
0x1a: {  	s22 =	sadd.s32 $0x8, s22;
	[tilespmem:s21+$0xFFFFFFD0] =	vst v0;
	s21 =	sadd.s32 $0x80, s21  }
0x1b: {  	[tilespmem:s21+$0xFFFFFFC0] =	vst v0;
	p0 =	slt.u32 s22, $0x5F8  }
0x1c: {  	[tilespmem:s21+$0x30] =	vst v0  }
.Ltmp0:
0x1d: {  	[tilespmem:s21+$0x20] =	vst v0;
	(pc) =	sbr.rel @p0 .LBB2_2-.Ltmp0, $4  }
0x1e: {  	[tilespmem:s21+$0x10] =	vst v0  }
0x1f: {  	[tilespmem:s21+$0x0] =	vst v0  }
0x20: {  	[tilespmem:s21+$0xFFFFFFF0] =	vst v0  }
0x21: {  	[tilespmem:s21+$0xFFFFFFE0] =	vst v0  }
0x22: {  	[tilespmem:s21+$0xFFFFFFD0] =	vst v0;
	s21 =	simm.s32 $0x0;
	s22 =	simm.s32 $0x0  }
.LBB2_4:
0x23: {  	_ =	swait.ge [sflag:s13], $0x8000  }
0x24: {  	s23 =	sand.u32 $0x7000, s21;
	s24 =	sand.u32 $0x380, s21;
	[sflag:s13] =	ssyncset.done $0x0  }
0x25: {  	s23 =	sor.u32 s24, s23;
	[sflag:s13] =	ssyncadd.s32 $0xFFFF8000  }
0x26: {  	v6 =	vld [tilespmem:s23+$0x0]  }
0x27: {  	v7 =	vld [tilespmem:s23+$0x10]  }
0x28: {  	v8 =	vld [tilespmem:s23+$0x20]  }
0x29: {  	v9 =	vld [tilespmem:s23+$0x30]  }
0x2a: {  	v10 =	vld [tilespmem:s23+$0x40]  }
0x2b: {  	v11 =	vld [tilespmem:s23+$0x50]  }
0x2c: {  	v12 =	vld [tilespmem:s23+$0x60]  }
0x2d: {  	v13 =	vld [tilespmem:s23+$0x70]  }
0x2e: {  	v15 =	vld [tilespmem:s23+$0x410]  }
0x2f: {  	v16 =	vld [tilespmem:s23+$0x400]  }
0x30: {  	v17 =	vld [tilespmem:s23+$0x430]  }
0x31: {  	v18 =	vld [tilespmem:s23+$0x420]  }
0x32: {  	v19 =	vld [tilespmem:s23+$0x440]  }
0x33: {  	v20 =	vld [tilespmem:s23+$0x470]  }
0x34: {  	v21 =	vld [tilespmem:s23+$0x800]  }
0x35: {  	v22 =	vld [tilespmem:s23+$0x450]  }
0x36: {  	v23 =	vld [tilespmem:s23+$0x460]  }
0x37: {  	v24 =	vld [tilespmem:s23+$0x810]  }
0x38: {  	v25 =	vld [tilespmem:s23+$0x840];
	v6 =	vmul.f32 $2.550000000e+02, v6  }
0x39: {  	v26 =	vld [tilespmem:s23+$0x820];
	v7 =	vmul.f32 $2.550000000e+02, v7;
	v8 =	vmul.f32 $2.550000000e+02, v8  }
0x3a: {  	v57 =	vld [tilespmem:s23+$0x860];
	v9 =	vmul.f32 $2.550000000e+02, v9;
	v10 =	vmul.f32 $2.550000000e+02, v10  }
0x3b: {  	v27 =	vld [tilespmem:s23+$0x870];
	v11 =	vmul.f32 $2.550000000e+02, v11;
	v13 =	vmul.f32 $2.550000000e+02, v13  }
0x3c: {  	v62 =	vld [tilespmem:s23+$0xC60];
	v15 =	vmul.f32 $2.550000000e+02, v15;
	v12 =	vmul.f32 $2.550000000e+02, v12  }
0x3d: {  	v32 =	vld [tilespmem:s23+$0xC70];
	v17 =	vmul.f32 $2.550000000e+02, v17;
	v16 =	vmul.f32 $2.550000000e+02, v16  }
0x3e: {  	v33 =	vld [tilespmem:s23+$0xC00];
	v19 =	vmul.f32 $2.550000000e+02, v19;
	v20 =	vmul.f32 $2.550000000e+02, v20  }
0x3f: {  	v37 =	vld [tilespmem:s23+$0xC10];
	v18 =	vmul.f32 $2.550000000e+02, v18;
	v21 =	vmul.f32 $2.550000000e+02, v21  }
0x40: {  	v38 =	vld [tilespmem:s23+$0xC20];
	v54 =	vmul.f32 $2.550000000e+02, v22;
	v55 =	vmul.f32 $2.550000000e+02, v23  }
0x41: {  	v46 =	vld [tilespmem:s23+$0xC30];
	v56 =	vmul.f32 $2.550000000e+02, v25;
	v24 =	vmul.f32 $2.550000000e+02, v24  }
0x42: {  	v25 =	vmul.f32 $2.550000000e+02, v57;
	v28 =	vmul.f32 $2.550000000e+02, v26  }
0x43: {  	v31 =	vmul.f32 $2.550000000e+02, v27;
	v34 =	vmul.f32 $2.550000000e+02, v62  }
0x44: {  	v39 =	vmul.f32 $2.550000000e+02, v33;
	v41 =	vmul.f32 $2.550000000e+02, v32  }
0x45: {  	v43 =	vmul.f32 $2.550000000e+02, v37;
	v44 =	vmul.f32 $2.550000000e+02, v38  }
0x46: {  	v62 =	vmul.f32 $2.550000000e+02, v46;
	v6 =	vtrunc.f32 v6  }
0x47: {  	v7 =	vtrunc.f32 v7;
	v9 =	vtrunc.f32 v9  }
0x48: {  	v8 =	vtrunc.f32 v8;
	v10 =	vtrunc.f32 v10  }
0x49: {  	v13 =	vtrunc.f32 v13;
	v11 =	vtrunc.f32 v11  }
0x4a: {  	v60 =	vld [tilespmem:s23+$0x850];
	v15 =	vtrunc.f32 v15;
	v17 =	vtrunc.f32 v17  }
0x4b: {  	v47 =	vld [tilespmem:s23+$0xC50];
	v20 =	vtrunc.f32 v20;
	v12 =	vtrunc.f32 v12  }
0x4c: {  	v21 =	vtrunc.f32 v21;
	v19 =	vtrunc.f32 v19  }
0x4d: {  	v59 =	vtrunc.f32 v18;
	v23 =	vtrunc.f32 v56  }
0x4e: {  	v22 =	vtrunc.f32 v55;
	v29 =	vtrunc.f32 v25  }
0x4f: {  	v16 =	vtrunc.f32 v16;
	v18 =	vmul.f32 $2.550000000e+02, v60  }
0x50: {  	v55 =	vmul.f32 $2.550000000e+02, v47;
	v57 =	vtrunc.f32 v24  }
0x51: {  	v14 =	vcvt.f32.s32 v6;
	v7 =	vcvt.f32.s32 v7  }
0x52: {  	s31 =	sshll.u32 s22, $0xA;
	v9 =	vcvt.f32.s32 v9;
	v8 =	vcvt.f32.s32 v8  }
0x53: {  	s24 =	sand.u32 $0x3000, s31;
	v52 =	vld [tilespmem:s23+$0x830];
	v11 =	vcvt.f32.s32 v11;
	v10 =	vcvt.f32.s32 v10  }
0x54: {  	v6 =	vor.u32 s24, v1;
	v17 =	vcvt.f32.s32 v17;
	v13 =	vcvt.f32.s32 v13  }
0x55: {  	v15 =	vcvt.f32.s32 v15;
	v51 =	vcvt.f32.s32 v20;
	v7 =	vshll.u32 v7, $0x4  }
0x56: {  	v53 =	vcvt.f32.s32 v12;
	v12 =	vtrunc.f32 v54;
	v7 =	vadd.s32 v6, v7  }
0x57: {  	v45 =	vld [tilespmem:s23+$0xC40];
	v23 =	vcvt.f32.s32 v23;
	v61 =	vcvt.f32.s32 v21  }
0x58: {  	v20 =	vmul.f32 $2.550000000e+02, v52;
	v19 =	vcvt.f32.s32 v19  }
0x59: {  	v16 =	vcvt.f32.s32 v16;
	v36 =	vcvt.f32.s32 v29;
	v9 =	vshll.u32 v9, $0x4  }
0x5a: {  	v40 =	vcvt.f32.s32 v22;
	v8 =	vshll.u32 v8, $0x4;
	v9 =	vadd.s32 v6, v9  }
0x5b: {  	v22 =	vtrunc.f32 v41;
	v8 =	vadd.s32 v6, v8;
	[tilespmem:v7+s14+$0x0] =	vst.idx.add.f32.msk $0xffff, v2;
	v7 =	vshll.u32 v13, $0x4  }
0x5c: {  	v52 =	vmul.f32 $2.550000000e+02, v45;
	v14 =	vshll.u32 v14, $0x4;
	v7 =	vadd.s32 v6, v7  }
0x5d: {  	v12 =	vcvt.f32.s32 v12;
	v10 =	vshll.u32 v10, $0x4;
	v14 =	vadd.s32 v6, v14  }
0x5e: {  	v18 =	vtrunc.f32 v18;
	v15 =	vshll.u32 v15, $0x4;
	v10 =	vadd.s32 v6, v10  }
0x5f: {  	v48 =	vcvt.f32.s32 v22;
	v17 =	vshll.u32 v17, $0x4;
	v58 =	vadd.s32 v6, v15;
	[tilespmem:v9+s14+$0x0] =	vst.idx.add.f32.msk $0xffff, v2  }
0x60: {  	v11 =	vshll.u32 v11, $0x4;
	v16 =	vshll.u32 v16, $0x4;
	v30 =	vadd.s32 v6, v17;
	[tilespmem:v8+s14+$0x0] =	vst.idx.add.f32.msk $0xffff, v2  }
0x61: {  	v15 =	vcvt.f32.s32 v59;
	v11 =	vadd.s32 v6, v11;
	[tilespmem:v7+s14+$0x0] =	vst.idx.add.f32.msk $0xffff, v2;
	v7 =	vtrunc.f32 v28  }
0x62: {  	v35 =	vadd.s32 v6, v16;
	v16 =	vshll.u32 v36, $0x4;
	[tilespmem:v14+s14+$0x0] =	vst.idx.add.f32.msk $0xffff, v2;
	v7 =	vcvt.f32.s32 v7  }
0x63: {  	v63 =	vshll.u32 v23, $0x4;
	v50 =	vadd.s32 v6, v16;
	v15 =	vshll.u32 v15, $0x4;
	[tilespmem:v10+s14+$0x0] =	vst.idx.add.f32.msk $0xffff, v2  }
0x64: {  	v20 =	vtrunc.f32 v20;
	v15 =	vadd.s32 v6, v15;
	[tilespmem:v58+s14+$0x0] =	vst.idx.add.f32.msk $0xffff, v2;
	v7 =	vshll.u32 v7, $0x4  }
0x65: {  	v18 =	vcvt.f32.s32 v18;
	v9 =	vshll.u32 v53, $0x4;
	[tilespmem:v30+s14+$0x0] =	vst.idx.add.f32.msk $0xffff, v2;
	v7 =	vadd.s32 v6, v7  }
0x66: {  	v17 =	vtrunc.f32 v31;
	v8 =	vshll.u32 v51, $0x4;
	[tilespmem:v11+s14+$0x0] =	vst.idx.add.f32.msk $0xffff, v2;
	v9 =	vadd.s32 v6, v9  }
0x67: {  	v12 =	vshll.u32 v12, $0x4;
	v17 =	vcvt.f32.s32 v17;
	[tilespmem:v35+s14+$0x0] =	vst.idx.add.f32.msk $0xffff, v2;
	v8 =	vadd.s32 v6, v8  }
0x68: {  	v42 =	vshll.u32 v19, $0x4;
	v49 =	vshll.u32 v18, $0x4;
	v12 =	vadd.s32 v6, v12;
	[tilespmem:v50+s14+$0x0] =	vst.idx.add.f32.msk $0xffff, v2  }
0x69: {  	v56 =	vadd.s32 v6, v49;
	v17 =	vshll.u32 v17, $0x4;
	[tilespmem:v15+s14+$0x0] =	vst.idx.add.f32.msk $0xffff, v2;
	v15 =	vtrunc.f32 v43  }
0x6a: {  	v19 =	vtrunc.f32 v44;
	v17 =	vadd.s32 v6, v17;
	[tilespmem:v7+s14+$0x0] =	vst.idx.add.f32.msk $0xffff, v2;
	v7 =	vcvt.f32.s32 v15  }
0x6b: {  	v54 =	vtrunc.f32 v52;
	v11 =	vadd.s32 v6, v42;
	[tilespmem:v9+s14+$0x0] =	vst.idx.add.f32.msk $0xffff, v2;
	v9 =	vtrunc.f32 v39  }
0x6c: {  	[tilespmem:v8+s14+$0x0] =	vst.idx.add.f32.msk $0xffff, v2;
	v8 =	vadd.s32 v6, v63;
	v9 =	vcvt.f32.s32 v9;
	v7 =	vshll.u32 v7, $0x4  }
0x6d: {  	v19 =	vcvt.f32.s32 v19;
	v13 =	vshll.u32 v61, $0x4;
	[tilespmem:v12+s14+$0x0] =	vst.idx.add.f32.msk $0xffff, v2;
	v7 =	vadd.s32 v6, v7  }
0x6e: {  	v14 =	vshll.u32 v40, $0x4;
	v13 =	vadd.s32 v6, v13;
	[tilespmem:v56+s14+$0x0] =	vst.idx.add.f32.msk $0xffff, v2;
	v9 =	vshll.u32 v9, $0x4  }
0x6f: {  	v51 =	vshll.u32 v19, $0x4;
	v58 =	vtrunc.f32 v55;
	[tilespmem:v17+s14+$0x0] =	vst.idx.add.f32.msk $0xffff, v2;
	v9 =	vadd.s32 v6, v9  }
0x70: {  	v14 =	vadd.s32 v6, v14;
	v59 =	vcvt.f32.s32 v58;
	v17 =	vshll.u32 v48, $0x4;
	[tilespmem:v11+s14+$0x0] =	vst.idx.add.f32.msk $0xffff, v2  }
0x71: {  	v20 =	vcvt.f32.s32 v20;
	v16 =	vadd.s32 v6, v51;
	v60 =	vadd.s32 v6, v17;
	[tilespmem:v8+s14+$0x0] =	vst.idx.add.f32.msk $0xffff, v2  }
0x72: {  	v11 =	vcvt.f32.s32 v57;
	v8 =	vtrunc.f32 v34;
	[tilespmem:v7+s14+$0x0] =	vst.idx.add.f32.msk $0xffff, v2;
	v7 =	vshll.u32 v59, $0x4  }
0x73: {  	v53 =	vshll.u32 v20, $0x4;
	[tilespmem:v13+s14+$0x0] =	vst.idx.add.f32.msk $0xffff, v2;
	v8 =	vcvt.f32.s32 v8;
	v7 =	vadd.s32 v6, v7  }
0x74: {  	v13 =	vadd.s32 v6, v53;
	v61 =	vshll.u32 v11, $0x4;
	[tilespmem:v9+s14+$0x0] =	vst.idx.add.f32.msk $0xffff, v2;
	v9 =	vcvt.f32.s32 v54  }
0x75: {  	[tilespmem:v14+s14+$0x0] =	vst.idx.add.f32.msk $0xffff, v2;
	v11 =	vtrunc.f32 v62;
	v10 =	vadd.s32 v6, v61;
	v8 =	vshll.u32 v8, $0x4  }
0x76: {  	[tilespmem:v16+s14+$0x0] =	vst.idx.add.f32.msk $0xffff, v2;
	v63 =	vcvt.f32.s32 v11;
	v8 =	vadd.s32 v6, v8;
	v9 =	vshll.u32 v9, $0x4  }
0x77: {  	[tilespmem:v60+s14+$0x0] =	vst.idx.add.f32.msk $0xffff, v2;
	v9 =	vadd.s32 v6, v9  }
0x78: {  	[tilespmem:v7+s14+$0x0] =	vst.idx.add.f32.msk $0xffff, v2;
	v7 =	vshll.u32 v63, $0x4  }
0x79: {  	[tilespmem:v13+s14+$0x0] =	vst.idx.add.f32.msk $0xffff, v2;
	v7 =	vadd.s32 v6, v7  }
0x7a: {  	[tilespmem:v10+s14+$0x0] =	vst.idx.add.f32.msk $0xffff, v2  }
0x7b: {  	[tilespmem:v8+s14+$0x0] =	vst.idx.add.f32.msk $0xffff, v2  }
0x7c: {  	s26 =	simm.s32 $0x200;
	s23 =	simm.s32 $0x80;
	[tilespmem:v9+s14+$0x0] =	vst.idx.add.f32.msk $0xffff, v2  }
.LBB2_5:
0x7d: {  	s24 =	smov.u32 s26  }
0x7e: {  	s25 =	sand.u32 $0x7000, s26;
	s28 =	sand.u32 $0x380, s23;
	[tilespmem:v7+s14+$0x0] =	vst.idx.add.f32.msk $0xffff, v2;
	s24 =	sadd.s32 $0x200, s26  }
0x7f: {  	p0 =	sne.s32 s26, $0x7E00;
	s25 =	sor.u32 s28, s25  }
0x80: {  	v7 =	vld [tilespmem:s25+$0x0]  }
0x81: {  	v8 =	vld [tilespmem:s25+$0x10]  }
0x82: {  	v9 =	vld [tilespmem:s25+$0x20]  }
0x83: {  	v10 =	vld [tilespmem:s25+$0x30]  }
0x84: {  	v11 =	vld [tilespmem:s25+$0x40]  }
0x85: {  	v7 =	vmul.f32 $2.550000000e+02, v7;
	v12 =	vld [tilespmem:s25+$0x50]  }
0x86: {  	v8 =	vmul.f32 $2.550000000e+02, v8;
	v13 =	vld [tilespmem:s25+$0x60]  }
0x87: {  	v7 =	vtrunc.f32 v7;
	v9 =	vmul.f32 $2.550000000e+02, v9;
	v14 =	vld [tilespmem:s25+$0x70]  }
0x88: {  	v8 =	vtrunc.f32 v8;
	v10 =	vmul.f32 $2.550000000e+02, v10;
	v15 =	vld [tilespmem:s25+$0x400]  }
0x89: {  	v7 =	vcvt.f32.s32 v7;
	v11 =	vmul.f32 $2.550000000e+02, v11;
	v16 =	vld [tilespmem:s25+$0x410]  }
0x8a: {  	v8 =	vcvt.f32.s32 v8;
	v10 =	vtrunc.f32 v10;
	v17 =	vld [tilespmem:s25+$0x420]  }
0x8b: {  	v7 =	vshll.u32 v7, $0x4;
	v12 =	vmul.f32 $2.550000000e+02, v12;
	v10 =	vcvt.f32.s32 v10;
	v18 =	vld [tilespmem:s25+$0x430]  }
0x8c: {  	v9 =	vtrunc.f32 v9;
	v8 =	vshll.u32 v8, $0x4;
	v11 =	vtrunc.f32 v11;
	v19 =	vld [tilespmem:s25+$0x440]  }
0x8d: {  	v8 =	vadd.s32 v6, v8;
	v14 =	vmul.f32 $2.550000000e+02, v14;
	v10 =	vshll.u32 v10, $0x4;
	v20 =	vld [tilespmem:s25+$0x450]  }
0x8e: {  	v9 =	vcvt.f32.s32 v9;
	v10 =	vadd.s32 v6, v10;
	v16 =	vmul.f32 $2.550000000e+02, v16;
	v21 =	vld [tilespmem:s25+$0x460]  }
0x8f: {  	v13 =	vmul.f32 $2.550000000e+02, v13;
	v14 =	vtrunc.f32 v14;
	v22 =	vld [tilespmem:s25+$0x470]  }
0x90: {  	v9 =	vshll.u32 v9, $0x4;
	v12 =	vtrunc.f32 v12;
	v18 =	vmul.f32 $2.550000000e+02, v18;
	v23 =	vld [tilespmem:s25+$0x800]  }
0x91: {  	v15 =	vmul.f32 $2.550000000e+02, v15;
	v16 =	vtrunc.f32 v16;
	v24 =	vld [tilespmem:s25+$0x810]  }
0x92: {  	v9 =	vadd.s32 v6, v9;
	v12 =	vcvt.f32.s32 v12;
	v18 =	vtrunc.f32 v18;
	v25 =	vld [tilespmem:s25+$0x820]  }
0x93: {  	v7 =	vadd.s32 v6, v7;
	[tilespmem:v10+s14+$0x0] =	vst.idx.add.f32.msk $0xffff, v2;
	v10 =	vcvt.f32.s32 v11;
	v11 =	vcvt.f32.s32 v18  }
0x94: {  	v12 =	vshll.u32 v12, $0x4;
	v18 =	vmul.f32 $2.550000000e+02, v19;
	v19 =	vmul.f32 $2.550000000e+02, v22;
	v22 =	vld [tilespmem:s25+$0x830]  }
0x95: {  	v17 =	vmul.f32 $2.550000000e+02, v17;
	v11 =	vshll.u32 v11, $0x4;
	v23 =	vmul.f32 $2.550000000e+02, v23  }
0x96: {  	v14 =	vcvt.f32.s32 v14;
	v10 =	vshll.u32 v10, $0x4;
	v19 =	vtrunc.f32 v19;
	v26 =	vld [tilespmem:s25+$0x840]  }
0x97: {  	[tilespmem:v9+s14+$0x0] =	vst.idx.add.f32.msk $0xffff, v2;
	v9 =	vcvt.f32.s32 v16;
	v16 =	vcvt.f32.s32 v19  }
0x98: {  	[tilespmem:v7+s14+$0x0] =	vst.idx.add.f32.msk $0xffff, v2;
	v7 =	vadd.s32 v6, v10;
	v10 =	vtrunc.f32 v13;
	v13 =	vtrunc.f32 v23  }
0x99: {  	v18 =	vtrunc.f32 v18;
	v9 =	vshll.u32 v9, $0x4;
	v16 =	vshll.u32 v16, $0x4;
	v19 =	vld [tilespmem:s25+$0x850]  }
0x9a: {  	v20 =	vmul.f32 $2.550000000e+02, v20;
	v10 =	vcvt.f32.s32 v10;
	v16 =	vadd.s32 v6, v16;
	v23 =	vld [tilespmem:s25+$0xC60]  }
0x9b: {  	v21 =	vmul.f32 $2.550000000e+02, v21;
	v9 =	vadd.s32 v6, v9;
	v26 =	vmul.f32 $2.550000000e+02, v26;
	v27 =	vld [tilespmem:s25+$0x860]  }
0x9c: {  	[tilespmem:v8+s14+$0x0] =	vst.idx.add.f32.msk $0xffff, v2;
	v8 =	vshll.u32 v10, $0x4;
	v10 =	vtrunc.f32 v17;
	v17 =	vtrunc.f32 v20  }
0x9d: {  	[tilespmem:v7+s14+$0x0] =	vst.idx.add.f32.msk $0xffff, v2;
	v7 =	vadd.s32 v6, v8;
	v8 =	vcvt.f32.s32 v10;
	v10 =	vtrunc.f32 v26  }
0x9e: {  	v14 =	vshll.u32 v14, $0x4;
	v20 =	vtrunc.f32 v21;
	v10 =	vcvt.f32.s32 v10;
	v21 =	vld [tilespmem:s25+$0x870]  }
0x9f: {  	v14 =	vadd.s32 v6, v14;
	v13 =	vcvt.f32.s32 v13;
	[tilespmem:v16+s14+$0x0] =	vst.idx.add.f32.msk $0xffff, v2;
	v16 =	vmul.f32 $2.550000000e+02, v22  }
0xa0: {  	[tilespmem:v9+s14+$0x0] =	vst.idx.add.f32.msk $0xffff, v2;
	v9 =	vmul.f32 $2.550000000e+02, v24;
	v10 =	vshll.u32 v10, $0x4;
	v22 =	vmul.f32 $2.550000000e+02, v27  }
0xa1: {  	v18 =	vcvt.f32.s32 v18;
	v16 =	vtrunc.f32 v16;
	v10 =	vadd.s32 v6, v10;
	v24 =	vld [tilespmem:s25+$0xC70]  }
0xa2: {  	[tilespmem:v7+s14+$0x0] =	vst.idx.add.f32.msk $0xffff, v2;
	v7 =	vadd.s32 v6, v11;
	v11 =	vmul.f32 $2.550000000e+02, v25;
	v22 =	vtrunc.f32 v22  }
0xa3: {  	v15 =	vtrunc.f32 v15;
	v8 =	vshll.u32 v8, $0x4;
	v21 =	vmul.f32 $2.550000000e+02, v21  }
0xa4: {  	v12 =	vadd.s32 v6, v12;
	[tilespmem:v14+s14+$0x0] =	vst.idx.add.f32.msk $0xffff, v2;
	v14 =	vcvt.f32.s32 v15;
	v15 =	vcvt.f32.s32 v17  }
0xa5: {  	v23 =	vmul.f32 $2.550000000e+02, v23;
	v8 =	vadd.s32 v6, v8;
	v17 =	vtrunc.f32 v21;
	v21 =	vld [tilespmem:s25+$0xC00]  }
0xa6: {  	v11 =	vtrunc.f32 v11;
	v14 =	vshll.u32 v14, $0x4;
	[tilespmem:v10+s14+$0x0] =	vst.idx.add.f32.msk $0xffff, v2;
	v10 =	vcvt.f32.s32 v17  }
0xa7: {  	v14 =	vadd.s32 v6, v14;
	[tilespmem:v7+s14+$0x0] =	vst.idx.add.f32.msk $0xffff, v2;
	v7 =	vshll.u32 v13, $0x4;
	v13 =	vcvt.f32.s32 v22  }
0xa8: {  	v11 =	vcvt.f32.s32 v11;
	v17 =	vmul.f32 $2.550000000e+02, v19;
	v10 =	vshll.u32 v10, $0x4;
	v19 =	vld [tilespmem:s25+$0xC10]  }
0xa9: {  	[tilespmem:v12+s14+$0x0] =	vst.idx.add.f32.msk $0xffff, v2;
	v12 =	vcvt.f32.s32 v16;
	v10 =	vadd.s32 v6, v10;
	v16 =	vtrunc.f32 v23  }
0xaa: {  	v20 =	vcvt.f32.s32 v20;
	v11 =	vshll.u32 v11, $0x4;
	v21 =	vmul.f32 $2.550000000e+02, v21;
	v22 =	vld [tilespmem:s25+$0xC20]  }
0xab: {  	[tilespmem:v8+s14+$0x0] =	vst.idx.add.f32.msk $0xffff, v2;
	v8 =	vadd.s32 v6, v11;
	v11 =	vcvt.f32.s32 v16;
	v16 =	vmul.f32 $2.550000000e+02, v24  }
0xac: {  	v18 =	vshll.u32 v18, $0x4;
	v17 =	vtrunc.f32 v17;
	v21 =	vtrunc.f32 v21  }
0xad: {  	v20 =	vshll.u32 v20, $0x4;
	v21 =	vcvt.f32.s32 v21;
	v19 =	vmul.f32 $2.550000000e+02, v19;
	v23 =	vld [tilespmem:s25+$0xC30]  }
0xae: {  	v7 =	vadd.s32 v6, v7;
	v17 =	vcvt.f32.s32 v17;
	[tilespmem:v10+s14+$0x0] =	vst.idx.add.f32.msk $0xffff, v2;
	v10 =	vtrunc.f32 v16  }
0xaf: {  	v16 =	vadd.s32 v6, v20;
	v20 =	vshll.u32 v21, $0x4;
	v21 =	vmul.f32 $2.550000000e+02, v22;
	v22 =	vld [tilespmem:s25+$0xC40]  }
0xb0: {  	v19 =	vtrunc.f32 v19;
	v10 =	vcvt.f32.s32 v10;
	[tilespmem:v8+s14+$0x0] =	vst.idx.add.f32.msk $0xffff, v2;
	v8 =	vadd.s32 v6, v20  }
0xb1: {  	v13 =	vshll.u32 v13, $0x4;
	v19 =	vcvt.f32.s32 v19;
	v20 =	vtrunc.f32 v21;
	v21 =	vld [tilespmem:s25+$0xC50]  }
0xb2: {  	v10 =	vshll.u32 v10, $0x4;
	[tilespmem:v14+s14+$0x0] =	vst.idx.add.f32.msk $0xffff, v2;
	v14 =	vshll.u32 v17, $0x4;
	v17 =	vcvt.f32.s32 v20  }
0xb3: {  	v18 =	vadd.s32 v6, v18;
	v19 =	vshll.u32 v19, $0x4;
	v20 =	vmul.f32 $2.550000000e+02, v23  }
0xb4: {  	[tilespmem:v7+s14+$0x0] =	vst.idx.add.f32.msk $0xffff, v2;
	v7 =	vadd.s32 v6, v13;
	v13 =	vshll.u32 v17, $0x4;
	v17 =	vmul.f32 $2.550000000e+02, v22  }
0xb5: {  	v12 =	vshll.u32 v12, $0x4;
	[tilespmem:v8+s14+$0x0] =	vst.idx.add.f32.msk $0xffff, v2;
	v8 =	vadd.s32 v6, v19;
	v13 =	vadd.s32 v6, v13  }
0xb6: {  	v14 =	vadd.s32 v6, v14;
	[tilespmem:v16+s14+$0x0] =	vst.idx.add.f32.msk $0xffff, v2;
	v16 =	vtrunc.f32 v17;
	v17 =	vmul.f32 $2.550000000e+02, v21  }
0xb7: {  	v12 =	vadd.s32 v6, v12;
	v19 =	vtrunc.f32 v20;
	v16 =	vcvt.f32.s32 v16  }
0xb8: {  	v9 =	vtrunc.f32 v9;
	v15 =	vshll.u32 v15, $0x4;
	[tilespmem:v18+s14+$0x0] =	vst.idx.add.f32.msk $0xffff, v2;
	v17 =	vtrunc.f32 v17  }
0xb9: {  	v10 =	vadd.s32 v6, v10;
	[tilespmem:v7+s14+$0x0] =	vst.idx.add.f32.msk $0xffff, v2;
	v7 =	vshll.u32 v16, $0x4;
	v16 =	vcvt.f32.s32 v17  }
0xba: {  	v9 =	vcvt.f32.s32 v9;
	[tilespmem:v13+s14+$0x0] =	vst.idx.add.f32.msk $0xffff, v2;
	v13 =	vadd.s32 v6, v7;
	v7 =	vshll.u32 v11, $0x4  }
0xbb: {  	v11 =	vadd.s32 v6, v15;
	[tilespmem:v8+s14+$0x0] =	vst.idx.add.f32.msk $0xffff, v2;
	v8 =	vcvt.f32.s32 v19;
	v15 =	vshll.u32 v16, $0x4  }
0xbc: {  	v9 =	vshll.u32 v9, $0x4;
	[tilespmem:v12+s14+$0x0] =	vst.idx.add.f32.msk $0xffff, v2;
	v12 =	vadd.s32 v6, v15  }
0xbd: {  	v9 =	vadd.s32 v6, v9;
	[tilespmem:v14+s14+$0x0] =	vst.idx.add.f32.msk $0xffff, v2;
	v8 =	vshll.u32 v8, $0x4  }
0xbe: {  	v14 =	vadd.s32 v6, v7;
	[tilespmem:v10+s14+$0x0] =	vst.idx.add.f32.msk $0xffff, v2  }
.Ltmp1:
0xbf: {  	v7 =	vadd.s32 v6, v8;
	[tilespmem:v13+s14+$0x0] =	vst.idx.add.f32.msk $0xffff, v2;
	(pc) =	sbr.rel @p0 .LBB2_5-.Ltmp1, $4  }
0xc0: {  	[tilespmem:v11+s14+$0x0] =	vst.idx.add.f32.msk $0xffff, v2  }
0xc1: {  	[tilespmem:v12+s14+$0x0] =	vst.idx.add.f32.msk $0xffff, v2  }
0xc2: {  	[tilespmem:v9+s14+$0x0] =	vst.idx.add.f32.msk $0xffff, v2  }
0xc3: {  	s23 =	sadd.s32 $0x80, s23;
	s26 =	smov.u32 s24;
	[tilespmem:v14+s14+$0x0] =	vst.idx.add.f32.msk $0xffff, v2  }
0xc4: {  	s23 =	sshll.u32 s22, $0x10  }
0xc5: {  	s24 =	sadd.s32 $0x10000, s23  }
0xc6: {  	s25 =	sand.u32 $0x1C0000, s24  }
0xc7: {  	s24 =	sand.u32 $0x30000, s24;
	s25 =	sadd.s32 s5, s25  }
0xc8: {  	s24 =	sor.u32 s24, s25  }
0xc9: {  	s24 =	sshrl.u32 s24, $0x3  }
0xca: {  	[tilespmem:v7+s14+$0x0] =	vst.idx.add.f32.msk $0xffff, v2;
	s30 =	simm.s32 $0x0;
	s24 =	sadd.s32 s1, s24  }
0xcb: {  	[tilespmem:s30], [sflag:$0x1] =	stream.linear.gather [hbm4b:s24+s30], $0x8000, $0x38;
	[tilespmem:$0x16600] =	vst v63  }
0xcc: {  	_ =	swait.ge [sflag:s15], $0x8000  }
0xcd: {  	s31 =	sand.u32 $0x7000, s30;
	s25 =	sand.u32 $0x380, s30;
	[sflag:s15] =	ssyncset.done $0x0  }
0xce: {  	s24 =	sor.u32 s25, s31;
	[sflag:s15] =	ssyncadd.s32 $0xFFFF8000  }
0xcf: {  	v7 =	vld [tilespmem:s24+$0x8000]  }
0xd0: {  	v8 =	vld [tilespmem:s24+$0x8010]  }
0xd1: {  	v9 =	vld [tilespmem:s24+$0x8020]  }
0xd2: {  	v10 =	vld [tilespmem:s24+$0x8030]  }
0xd3: {  	v11 =	vld [tilespmem:s24+$0x8040]  }
0xd4: {  	v12 =	vld [tilespmem:s24+$0x8050]  }
0xd5: {  	v13 =	vld [tilespmem:s24+$0x8060]  }
0xd6: {  	v14 =	vld [tilespmem:s24+$0x8070]  }
0xd7: {  	v15 =	vld [tilespmem:s24+$0x8410]  }
0xd8: {  	v16 =	vld [tilespmem:s24+$0x8400]  }
0xd9: {  	v17 =	vld [tilespmem:s24+$0x8430]  }
0xda: {  	v18 =	vld [tilespmem:s24+$0x8420]  }
0xdb: {  	v19 =	vld [tilespmem:s24+$0x8440]  }
0xdc: {  	v20 =	vld [tilespmem:s24+$0x8470]  }
0xdd: {  	v21 =	vld [tilespmem:s24+$0x8800]  }
0xde: {  	v22 =	vld [tilespmem:s24+$0x8450]  }
0xdf: {  	v23 =	vld [tilespmem:s24+$0x8460]  }
0xe0: {  	v24 =	vld [tilespmem:s24+$0x8810]  }
0xe1: {  	v25 =	vld [tilespmem:s24+$0x8840];
	v7 =	vmul.f32 $2.550000000e+02, v7  }
0xe2: {  	v26 =	vld [tilespmem:s24+$0x8820];
	v8 =	vmul.f32 $2.550000000e+02, v8;
	v9 =	vmul.f32 $2.550000000e+02, v9  }
0xe3: {  	v60 =	vld [tilespmem:s24+$0x8860];
	v10 =	vmul.f32 $2.550000000e+02, v10;
	v11 =	vmul.f32 $2.550000000e+02, v11  }
0xe4: {  	v27 =	vld [tilespmem:s24+$0x8870];
	v12 =	vmul.f32 $2.550000000e+02, v12;
	v14 =	vmul.f32 $2.550000000e+02, v14  }
0xe5: {  	v28 =	vld [tilespmem:s24+$0x8C60];
	v15 =	vmul.f32 $2.550000000e+02, v15;
	v13 =	vmul.f32 $2.550000000e+02, v13  }
0xe6: {  	v34 =	vld [tilespmem:s24+$0x8C70];
	v17 =	vmul.f32 $2.550000000e+02, v17;
	v16 =	vmul.f32 $2.550000000e+02, v16  }
0xe7: {  	v35 =	vld [tilespmem:s24+$0x8C00];
	v19 =	vmul.f32 $2.550000000e+02, v19;
	v20 =	vmul.f32 $2.550000000e+02, v20  }
0xe8: {  	v39 =	vld [tilespmem:s24+$0x8C10];
	v18 =	vmul.f32 $2.550000000e+02, v18;
	v21 =	vmul.f32 $2.550000000e+02, v21  }
0xe9: {  	v40 =	vld [tilespmem:s24+$0x8C20];
	v57 =	vmul.f32 $2.550000000e+02, v22;
	v58 =	vmul.f32 $2.550000000e+02, v23  }
0xea: {  	v59 =	vmul.f32 $2.550000000e+02, v25;
	v24 =	vmul.f32 $2.550000000e+02, v24  }
0xeb: {  	v25 =	vmul.f32 $2.550000000e+02, v60;
	v31 =	vmul.f32 $2.550000000e+02, v26  }
0xec: {  	v33 =	vmul.f32 $2.550000000e+02, v27;
	v36 =	vmul.f32 $2.550000000e+02, v28  }
0xed: {  	v42 =	vmul.f32 $2.550000000e+02, v35;
	v43 =	vmul.f32 $2.550000000e+02, v34  }
0xee: {  	v45 =	vmul.f32 $2.550000000e+02, v39;
	v46 =	vmul.f32 $2.550000000e+02, v40  }
0xef: {  	v7 =	vtrunc.f32 v7;
	v8 =	vtrunc.f32 v8  }
0xf0: {  	v10 =	vtrunc.f32 v10;
	v9 =	vtrunc.f32 v9  }
0xf1: {  	v11 =	vtrunc.f32 v11;
	v14 =	vtrunc.f32 v14  }
0xf2: {  	v12 =	vtrunc.f32 v12;
	v15 =	vtrunc.f32 v15  }
0xf3: {  	v62 =	vld [tilespmem:s24+$0x8850];
	v17 =	vtrunc.f32 v17;
	v20 =	vtrunc.f32 v20  }
0xf4: {  	v13 =	vtrunc.f32 v13;
	v21 =	vtrunc.f32 v21  }
0xf5: {  	v19 =	vtrunc.f32 v19;
	v61 =	vtrunc.f32 v18  }
0xf6: {  	v23 =	vtrunc.f32 v59;
	v22 =	vtrunc.f32 v58  }
0xf7: {  	v32 =	vtrunc.f32 v25;
	v16 =	vtrunc.f32 v16  }
0xf8: {  	v18 =	vmul.f32 $2.550000000e+02, v62;
	v41 =	vtrunc.f32 v36  }
0xf9: {  	v59 =	vtrunc.f32 v24;
	v7 =	vcvt.f32.s32 v7  }
0xfa: {  	v8 =	vcvt.f32.s32 v8;
	v10 =	vcvt.f32.s32 v10  }
0xfb: {  	v9 =	vcvt.f32.s32 v9;
	v12 =	vcvt.f32.s32 v12  }
0xfc: {  	v54 =	vld [tilespmem:s24+$0x8830];
	v11 =	vcvt.f32.s32 v11;
	v17 =	vcvt.f32.s32 v17  }
0xfd: {  	v47 =	vld [tilespmem:s24+$0x8C40];
	v14 =	vcvt.f32.s32 v14;
	v15 =	vcvt.f32.s32 v15;
	v7 =	vshll.u32 v7, $0x4  }
0xfe: {  	v49 =	vld [tilespmem:s24+$0x8C50];
	v53 =	vcvt.f32.s32 v20;
	v8 =	vshll.u32 v8, $0x4;
	v7 =	vadd.s32 v6, v7  }
0xff: {  	v56 =	vcvt.f32.s32 v13;
	v13 =	vtrunc.f32 v57;
	v8 =	vadd.s32 v6, v8  }
0x100: {  	v23 =	vcvt.f32.s32 v23;
	v63 =	vcvt.f32.s32 v21  }
0x101: {  	v20 =	vmul.f32 $2.550000000e+02, v54;
	v19 =	vcvt.f32.s32 v19  }
0x102: {  	v16 =	vcvt.f32.s32 v16;
	v38 =	vcvt.f32.s32 v32  }
0x103: {  	v54 =	vmul.f32 $2.550000000e+02, v47;
	v57 =	vmul.f32 $2.550000000e+02, v49;
	v15 =	vshll.u32 v15, $0x4;
	[tilespmem:v7+s14+$0x0] =	vst.idx.add.f32.msk $0xffff, v2  }
0x104: {  	v13 =	vcvt.f32.s32 v13;
	v7 =	vadd.s32 v6, v15;
	[tilespmem:v8+s14+$0x0] =	vst.idx.add.f32.msk $0xffff, v2;
	v8 =	vshll.u32 v14, $0x4  }
0x105: {  	v18 =	vtrunc.f32 v18;
	v10 =	vshll.u32 v10, $0x4;
	v8 =	vadd.s32 v6, v8  }
0x106: {  	v9 =	vshll.u32 v9, $0x4;
	v12 =	vshll.u32 v12, $0x4;
	v10 =	vadd.s32 v6, v10  }
0x107: {  	v17 =	vshll.u32 v17, $0x4;
	v11 =	vshll.u32 v11, $0x4;
	v9 =	vadd.s32 v6, v9  }
0x108: {  	v48 =	vld [tilespmem:s24+$0x8C30];
	v55 =	vshll.u32 v53, $0x4;
	v29 =	vshll.u32 v23, $0x4;
	v11 =	vadd.s32 v6, v11  }
0x109: {  	v20 =	vtrunc.f32 v20;
	v16 =	vshll.u32 v16, $0x4;
	v30 =	vadd.s32 v6, v29;
	[tilespmem:v7+s14+$0x0] =	vst.idx.add.f32.msk $0xffff, v2  }
0x10a: {  	v15 =	vcvt.f32.s32 v61;
	v7 =	vadd.s32 v6, v17;
	[tilespmem:v8+s14+$0x0] =	vst.idx.add.f32.msk $0xffff, v2;
	v8 =	vtrunc.f32 v31  }
0x10b: {  	v44 =	vshll.u32 v19, $0x4;
	v12 =	vadd.s32 v6, v12;
	[tilespmem:v10+s14+$0x0] =	vst.idx.add.f32.msk $0xffff, v2;
	v8 =	vcvt.f32.s32 v8  }
0x10c: {  	v18 =	vcvt.f32.s32 v18;
	v37 =	vadd.s32 v6, v16;
	[tilespmem:v9+s14+$0x0] =	vst.idx.add.f32.msk $0xffff, v2;
	v15 =	vshll.u32 v15, $0x4  }
0x10d: {  	v19 =	vtrunc.f32 v46;
	[tilespmem:v11+s14+$0x0] =	vst.idx.add.f32.msk $0xffff, v2;
	v15 =	vadd.s32 v6, v15;
	v8 =	vshll.u32 v8, $0x4  }
0x10e: {  	v60 =	vtrunc.f32 v57;
	v10 =	vshll.u32 v56, $0x4;
	[tilespmem:v30+s14+$0x0] =	vst.idx.add.f32.msk $0xffff, v2;
	v8 =	vadd.s32 v6, v8  }
0x10f: {  	v16 =	vshll.u32 v38, $0x4;
	v10 =	vadd.s32 v6, v10;
	[tilespmem:v7+s14+$0x0] =	vst.idx.add.f32.msk $0xffff, v2;
	v7 =	vcvt.f32.s32 v22  }
0x110: {  	v20 =	vcvt.f32.s32 v20;
	v13 =	vshll.u32 v13, $0x4;
	v52 =	vadd.s32 v6, v16;
	[tilespmem:v12+s14+$0x0] =	vst.idx.add.f32.msk $0xffff, v2  }
0x111: {  	v19 =	vcvt.f32.s32 v19;
	v13 =	vadd.s32 v6, v13;
	[tilespmem:v37+s14+$0x0] =	vst.idx.add.f32.msk $0xffff, v2;
	v7 =	vshll.u32 v7, $0x4  }
0x112: {  	v51 =	vshll.u32 v18, $0x4;
	[tilespmem:v15+s14+$0x0] =	vst.idx.add.f32.msk $0xffff, v2;
	v15 =	vtrunc.f32 v45;
	v7 =	vadd.s32 v6, v7  }
0x113: {  	v53 =	vshll.u32 v19, $0x4;
	v58 =	vadd.s32 v6, v51;
	[tilespmem:v8+s14+$0x0] =	vst.idx.add.f32.msk $0xffff, v2;
	v8 =	vcvt.f32.s32 v15  }
0x114: {  	v9 =	vadd.s32 v6, v55;
	v12 =	vadd.s32 v6, v44;
	[tilespmem:v10+s14+$0x0] =	vst.idx.add.f32.msk $0xffff, v2;
	v10 =	vtrunc.f32 v42  }
0x115: {  	[tilespmem:v52+s14+$0x0] =	vst.idx.add.f32.msk $0xffff, v2;
	v17 =	vtrunc.f32 v33;
	v10 =	vcvt.f32.s32 v10;
	v8 =	vshll.u32 v8, $0x4  }
0x116: {  	v55 =	vshll.u32 v20, $0x4;
	[tilespmem:v13+s14+$0x0] =	vst.idx.add.f32.msk $0xffff, v2;
	v17 =	vcvt.f32.s32 v17;
	v8 =	vadd.s32 v6, v8  }
0x117: {  	v16 =	vadd.s32 v6, v53;
	v10 =	vshll.u32 v10, $0x4;
	[tilespmem:v7+s14+$0x0] =	vst.idx.add.f32.msk $0xffff, v2;
	v7 =	vadd.s32 v6, v55  }
0x118: {  	v14 =	vshll.u32 v63, $0x4;
	[tilespmem:v58+s14+$0x0] =	vst.idx.add.f32.msk $0xffff, v2;
	v17 =	vshll.u32 v17, $0x4;
	v10 =	vadd.s32 v6, v10  }
0x119: {  	v61 =	vcvt.f32.s32 v60;
	[tilespmem:v12+s14+$0x0] =	vst.idx.add.f32.msk $0xffff, v2;
	v12 =	vcvt.f32.s32 v59;
	v17 =	vadd.s32 v6, v17  }
0x11a: {  	v56 =	vtrunc.f32 v54;
	v14 =	vadd.s32 v6, v14;
	[tilespmem:v9+s14+$0x0] =	vst.idx.add.f32.msk $0xffff, v2;
	v9 =	vcvt.f32.s32 v41  }
0x11b: {  	v63 =	vshll.u32 v12, $0x4;
	v22 =	vtrunc.f32 v43;
	[tilespmem:v8+s14+$0x0] =	vst.idx.add.f32.msk $0xffff, v2;
	v8 =	vshll.u32 v61, $0x4  }
0x11c: {  	v50 =	vcvt.f32.s32 v22;
	[tilespmem:v7+s14+$0x0] =	vst.idx.add.f32.msk $0xffff, v2;
	v7 =	vadd.s32 v6, v8;
	v8 =	vmul.f32 $2.550000000e+02, v48  }
0x11d: {  	v9 =	vshll.u32 v9, $0x4;
	v11 =	vadd.s32 v6, v63;
	[tilespmem:v10+s14+$0x0] =	vst.idx.add.f32.msk $0xffff, v2;
	v10 =	vcvt.f32.s32 v56  }
0x11e: {  	v9 =	vadd.s32 v6, v9;
	[tilespmem:v17+s14+$0x0] =	vst.idx.add.f32.msk $0xffff, v2;
	v17 =	vshll.u32 v50, $0x4;
	v8 =	vtrunc.f32 v8  }
0x11f: {  	[tilespmem:v16+s14+$0x0] =	vst.idx.add.f32.msk $0xffff, v2;
	v62 =	vadd.s32 v6, v17;
	v10 =	vshll.u32 v10, $0x4;
	v8 =	vcvt.f32.s32 v8  }
0x120: {  	[tilespmem:v14+s14+$0x0] =	vst.idx.add.f32.msk $0xffff, v2;
	v10 =	vadd.s32 v6, v10  }
0x121: {  	[tilespmem:v7+s14+$0x0] =	vst.idx.add.f32.msk $0xffff, v2;
	v7 =	vshll.u32 v8, $0x4  }
0x122: {  	[tilespmem:v11+s14+$0x0] =	vst.idx.add.f32.msk $0xffff, v2;
	v7 =	vadd.s32 v6, v7  }
0x123: {  	[tilespmem:v9+s14+$0x0] =	vst.idx.add.f32.msk $0xffff, v2  }
0x124: {  	[tilespmem:v62+s14+$0x0] =	vst.idx.add.f32.msk $0xffff, v2  }
0x125: {  	s28 =	simm.s32 $0x200;
	s24 =	simm.s32 $0x80;
	[tilespmem:v10+s14+$0x0] =	vst.idx.add.f32.msk $0xffff, v2  }
.LBB2_7:
0x126: {  	s25 =	smov.u32 s28  }
0x127: {  	s26 =	sand.u32 $0x7000, s28;
	s29 =	sand.u32 $0x380, s24;
	[tilespmem:v7+s14+$0x0] =	vst.idx.add.f32.msk $0xffff, v2;
	s25 =	sadd.s32 $0x200, s28  }
0x128: {  	p0 =	sne.s32 s28, $0x7E00;
	s26 =	sor.u32 s29, s26  }
0x129: {  	v7 =	vld [tilespmem:s26+$0x8000]  }
0x12a: {  	v8 =	vld [tilespmem:s26+$0x8010]  }
0x12b: {  	v9 =	vld [tilespmem:s26+$0x8020]  }
0x12c: {  	v10 =	vld [tilespmem:s26+$0x8030]  }
0x12d: {  	v11 =	vld [tilespmem:s26+$0x8040]  }
0x12e: {  	v7 =	vmul.f32 $2.550000000e+02, v7;
	v12 =	vld [tilespmem:s26+$0x8050]  }
0x12f: {  	v8 =	vmul.f32 $2.550000000e+02, v8;
	v13 =	vld [tilespmem:s26+$0x8060]  }
0x130: {  	v7 =	vtrunc.f32 v7;
	v9 =	vmul.f32 $2.550000000e+02, v9;
	v14 =	vld [tilespmem:s26+$0x8070]  }
0x131: {  	v8 =	vtrunc.f32 v8;
	v10 =	vmul.f32 $2.550000000e+02, v10;
	v15 =	vld [tilespmem:s26+$0x8400]  }
0x132: {  	v7 =	vcvt.f32.s32 v7;
	v11 =	vmul.f32 $2.550000000e+02, v11;
	v16 =	vld [tilespmem:s26+$0x8410]  }
0x133: {  	v8 =	vcvt.f32.s32 v8;
	v10 =	vtrunc.f32 v10;
	v17 =	vld [tilespmem:s26+$0x8420]  }
0x134: {  	v7 =	vshll.u32 v7, $0x4;
	v12 =	vmul.f32 $2.550000000e+02, v12;
	v10 =	vcvt.f32.s32 v10;
	v18 =	vld [tilespmem:s26+$0x8430]  }
0x135: {  	v9 =	vtrunc.f32 v9;
	v8 =	vshll.u32 v8, $0x4;
	v11 =	vtrunc.f32 v11;
	v19 =	vld [tilespmem:s26+$0x8440]  }
0x136: {  	v8 =	vadd.s32 v6, v8;
	v14 =	vmul.f32 $2.550000000e+02, v14;
	v10 =	vshll.u32 v10, $0x4;
	v20 =	vld [tilespmem:s26+$0x8450]  }
0x137: {  	v9 =	vcvt.f32.s32 v9;
	v10 =	vadd.s32 v6, v10;
	v16 =	vmul.f32 $2.550000000e+02, v16;
	v21 =	vld [tilespmem:s26+$0x8460]  }
0x138: {  	v13 =	vmul.f32 $2.550000000e+02, v13;
	v14 =	vtrunc.f32 v14;
	v22 =	vld [tilespmem:s26+$0x8470]  }
0x139: {  	v9 =	vshll.u32 v9, $0x4;
	v12 =	vtrunc.f32 v12;
	v18 =	vmul.f32 $2.550000000e+02, v18;
	v23 =	vld [tilespmem:s26+$0x8800]  }
0x13a: {  	v15 =	vmul.f32 $2.550000000e+02, v15;
	v16 =	vtrunc.f32 v16;
	v24 =	vld [tilespmem:s26+$0x8810]  }
0x13b: {  	v9 =	vadd.s32 v6, v9;
	v12 =	vcvt.f32.s32 v12;
	v18 =	vtrunc.f32 v18;
	v25 =	vld [tilespmem:s26+$0x8820]  }
0x13c: {  	v7 =	vadd.s32 v6, v7;
	[tilespmem:v10+s14+$0x0] =	vst.idx.add.f32.msk $0xffff, v2;
	v10 =	vcvt.f32.s32 v11;
	v11 =	vcvt.f32.s32 v18  }
0x13d: {  	v12 =	vshll.u32 v12, $0x4;
	v18 =	vmul.f32 $2.550000000e+02, v19;
	v19 =	vmul.f32 $2.550000000e+02, v22;
	v22 =	vld [tilespmem:s26+$0x8830]  }
0x13e: {  	v17 =	vmul.f32 $2.550000000e+02, v17;
	v11 =	vshll.u32 v11, $0x4;
	v23 =	vmul.f32 $2.550000000e+02, v23  }
0x13f: {  	v14 =	vcvt.f32.s32 v14;
	v10 =	vshll.u32 v10, $0x4;
	v19 =	vtrunc.f32 v19;
	v26 =	vld [tilespmem:s26+$0x8840]  }
0x140: {  	[tilespmem:v9+s14+$0x0] =	vst.idx.add.f32.msk $0xffff, v2;
	v9 =	vcvt.f32.s32 v16;
	v16 =	vcvt.f32.s32 v19  }
0x141: {  	[tilespmem:v7+s14+$0x0] =	vst.idx.add.f32.msk $0xffff, v2;
	v7 =	vadd.s32 v6, v10;
	v10 =	vtrunc.f32 v13;
	v13 =	vtrunc.f32 v23  }
0x142: {  	v18 =	vtrunc.f32 v18;
	v9 =	vshll.u32 v9, $0x4;
	v16 =	vshll.u32 v16, $0x4;
	v19 =	vld [tilespmem:s26+$0x8850]  }
0x143: {  	v20 =	vmul.f32 $2.550000000e+02, v20;
	v10 =	vcvt.f32.s32 v10;
	v16 =	vadd.s32 v6, v16;
	v23 =	vld [tilespmem:s26+$0x8C60]  }
0x144: {  	v21 =	vmul.f32 $2.550000000e+02, v21;
	v9 =	vadd.s32 v6, v9;
	v26 =	vmul.f32 $2.550000000e+02, v26;
	v27 =	vld [tilespmem:s26+$0x8860]  }
0x145: {  	[tilespmem:v8+s14+$0x0] =	vst.idx.add.f32.msk $0xffff, v2;
	v8 =	vshll.u32 v10, $0x4;
	v10 =	vtrunc.f32 v17;
	v17 =	vtrunc.f32 v20  }
0x146: {  	[tilespmem:v7+s14+$0x0] =	vst.idx.add.f32.msk $0xffff, v2;
	v7 =	vadd.s32 v6, v8;
	v8 =	vcvt.f32.s32 v10;
	v10 =	vtrunc.f32 v26  }
0x147: {  	v14 =	vshll.u32 v14, $0x4;
	v20 =	vtrunc.f32 v21;
	v10 =	vcvt.f32.s32 v10;
	v21 =	vld [tilespmem:s26+$0x8870]  }
0x148: {  	v14 =	vadd.s32 v6, v14;
	v13 =	vcvt.f32.s32 v13;
	[tilespmem:v16+s14+$0x0] =	vst.idx.add.f32.msk $0xffff, v2;
	v16 =	vmul.f32 $2.550000000e+02, v22  }
0x149: {  	[tilespmem:v9+s14+$0x0] =	vst.idx.add.f32.msk $0xffff, v2;
	v9 =	vmul.f32 $2.550000000e+02, v24;
	v10 =	vshll.u32 v10, $0x4;
	v22 =	vmul.f32 $2.550000000e+02, v27  }
0x14a: {  	v18 =	vcvt.f32.s32 v18;
	v16 =	vtrunc.f32 v16;
	v10 =	vadd.s32 v6, v10;
	v24 =	vld [tilespmem:s26+$0x8C70]  }
0x14b: {  	[tilespmem:v7+s14+$0x0] =	vst.idx.add.f32.msk $0xffff, v2;
	v7 =	vadd.s32 v6, v11;
	v11 =	vmul.f32 $2.550000000e+02, v25;
	v22 =	vtrunc.f32 v22  }
0x14c: {  	v15 =	vtrunc.f32 v15;
	v8 =	vshll.u32 v8, $0x4;
	v21 =	vmul.f32 $2.550000000e+02, v21  }
0x14d: {  	v12 =	vadd.s32 v6, v12;
	[tilespmem:v14+s14+$0x0] =	vst.idx.add.f32.msk $0xffff, v2;
	v14 =	vcvt.f32.s32 v15;
	v15 =	vcvt.f32.s32 v17  }
0x14e: {  	v23 =	vmul.f32 $2.550000000e+02, v23;
	v8 =	vadd.s32 v6, v8;
	v17 =	vtrunc.f32 v21;
	v21 =	vld [tilespmem:s26+$0x8C00]  }
0x14f: {  	v11 =	vtrunc.f32 v11;
	v14 =	vshll.u32 v14, $0x4;
	[tilespmem:v10+s14+$0x0] =	vst.idx.add.f32.msk $0xffff, v2;
	v10 =	vcvt.f32.s32 v17  }
0x150: {  	v14 =	vadd.s32 v6, v14;
	[tilespmem:v7+s14+$0x0] =	vst.idx.add.f32.msk $0xffff, v2;
	v7 =	vshll.u32 v13, $0x4;
	v13 =	vcvt.f32.s32 v22  }
0x151: {  	v11 =	vcvt.f32.s32 v11;
	v17 =	vmul.f32 $2.550000000e+02, v19;
	v10 =	vshll.u32 v10, $0x4;
	v19 =	vld [tilespmem:s26+$0x8C10]  }
0x152: {  	[tilespmem:v12+s14+$0x0] =	vst.idx.add.f32.msk $0xffff, v2;
	v12 =	vcvt.f32.s32 v16;
	v10 =	vadd.s32 v6, v10;
	v16 =	vtrunc.f32 v23  }
0x153: {  	v20 =	vcvt.f32.s32 v20;
	v11 =	vshll.u32 v11, $0x4;
	v21 =	vmul.f32 $2.550000000e+02, v21;
	v22 =	vld [tilespmem:s26+$0x8C20]  }
0x154: {  	[tilespmem:v8+s14+$0x0] =	vst.idx.add.f32.msk $0xffff, v2;
	v8 =	vadd.s32 v6, v11;
	v11 =	vcvt.f32.s32 v16;
	v16 =	vmul.f32 $2.550000000e+02, v24  }
0x155: {  	v18 =	vshll.u32 v18, $0x4;
	v17 =	vtrunc.f32 v17;
	v21 =	vtrunc.f32 v21  }
0x156: {  	v20 =	vshll.u32 v20, $0x4;
	v21 =	vcvt.f32.s32 v21;
	v19 =	vmul.f32 $2.550000000e+02, v19;
	v23 =	vld [tilespmem:s26+$0x8C30]  }
0x157: {  	v7 =	vadd.s32 v6, v7;
	v17 =	vcvt.f32.s32 v17;
	[tilespmem:v10+s14+$0x0] =	vst.idx.add.f32.msk $0xffff, v2;
	v10 =	vtrunc.f32 v16  }
0x158: {  	v16 =	vadd.s32 v6, v20;
	v20 =	vshll.u32 v21, $0x4;
	v21 =	vmul.f32 $2.550000000e+02, v22;
	v22 =	vld [tilespmem:s26+$0x8C40]  }
0x159: {  	v19 =	vtrunc.f32 v19;
	v10 =	vcvt.f32.s32 v10;
	[tilespmem:v8+s14+$0x0] =	vst.idx.add.f32.msk $0xffff, v2;
	v8 =	vadd.s32 v6, v20  }
0x15a: {  	v13 =	vshll.u32 v13, $0x4;
	v19 =	vcvt.f32.s32 v19;
	v20 =	vtrunc.f32 v21;
	v21 =	vld [tilespmem:s26+$0x8C50]  }
0x15b: {  	v10 =	vshll.u32 v10, $0x4;
	[tilespmem:v14+s14+$0x0] =	vst.idx.add.f32.msk $0xffff, v2;
	v14 =	vshll.u32 v17, $0x4;
	v17 =	vcvt.f32.s32 v20  }
0x15c: {  	v18 =	vadd.s32 v6, v18;
	v19 =	vshll.u32 v19, $0x4;
	v20 =	vmul.f32 $2.550000000e+02, v23  }
0x15d: {  	[tilespmem:v7+s14+$0x0] =	vst.idx.add.f32.msk $0xffff, v2;
	v7 =	vadd.s32 v6, v13;
	v13 =	vshll.u32 v17, $0x4;
	v17 =	vmul.f32 $2.550000000e+02, v22  }
0x15e: {  	v12 =	vshll.u32 v12, $0x4;
	[tilespmem:v8+s14+$0x0] =	vst.idx.add.f32.msk $0xffff, v2;
	v8 =	vadd.s32 v6, v19;
	v13 =	vadd.s32 v6, v13  }
0x15f: {  	v14 =	vadd.s32 v6, v14;
	[tilespmem:v16+s14+$0x0] =	vst.idx.add.f32.msk $0xffff, v2;
	v16 =	vtrunc.f32 v17;
	v17 =	vmul.f32 $2.550000000e+02, v21  }
0x160: {  	v12 =	vadd.s32 v6, v12;
	v19 =	vtrunc.f32 v20;
	v16 =	vcvt.f32.s32 v16  }
0x161: {  	v9 =	vtrunc.f32 v9;
	v15 =	vshll.u32 v15, $0x4;
	[tilespmem:v18+s14+$0x0] =	vst.idx.add.f32.msk $0xffff, v2;
	v17 =	vtrunc.f32 v17  }
0x162: {  	v10 =	vadd.s32 v6, v10;
	[tilespmem:v7+s14+$0x0] =	vst.idx.add.f32.msk $0xffff, v2;
	v7 =	vshll.u32 v16, $0x4;
	v16 =	vcvt.f32.s32 v17  }
0x163: {  	v9 =	vcvt.f32.s32 v9;
	[tilespmem:v13+s14+$0x0] =	vst.idx.add.f32.msk $0xffff, v2;
	v13 =	vadd.s32 v6, v7;
	v7 =	vshll.u32 v11, $0x4  }
0x164: {  	v11 =	vadd.s32 v6, v15;
	[tilespmem:v8+s14+$0x0] =	vst.idx.add.f32.msk $0xffff, v2;
	v8 =	vcvt.f32.s32 v19;
	v15 =	vshll.u32 v16, $0x4  }
0x165: {  	v9 =	vshll.u32 v9, $0x4;
	[tilespmem:v12+s14+$0x0] =	vst.idx.add.f32.msk $0xffff, v2;
	v12 =	vadd.s32 v6, v15  }
0x166: {  	v9 =	vadd.s32 v6, v9;
	[tilespmem:v14+s14+$0x0] =	vst.idx.add.f32.msk $0xffff, v2;
	v8 =	vshll.u32 v8, $0x4  }
0x167: {  	v14 =	vadd.s32 v6, v7;
	[tilespmem:v10+s14+$0x0] =	vst.idx.add.f32.msk $0xffff, v2  }
.Ltmp2:
0x168: {  	v7 =	vadd.s32 v6, v8;
	[tilespmem:v13+s14+$0x0] =	vst.idx.add.f32.msk $0xffff, v2;
	(pc) =	sbr.rel @p0 .LBB2_7-.Ltmp2, $4  }
0x169: {  	[tilespmem:v11+s14+$0x0] =	vst.idx.add.f32.msk $0xffff, v2  }
0x16a: {  	[tilespmem:v12+s14+$0x0] =	vst.idx.add.f32.msk $0xffff, v2  }
0x16b: {  	[tilespmem:v9+s14+$0x0] =	vst.idx.add.f32.msk $0xffff, v2  }
0x16c: {  	s24 =	sadd.s32 $0x80, s24;
	s28 =	smov.u32 s25;
	[tilespmem:v14+s14+$0x0] =	vst.idx.add.f32.msk $0xffff, v2  }
0x16d: {  	s23 =	sadd.s32 $0x18000, s23;
	s22 =	sadd.s32 $0x1, s22  }
0x16e: {  	s24 =	sand.u32 $0x1C0000, s23;
	p0 =	sne.s32 s22, $0xB  }
.Ltmp3:
0x16f: {  	s23 =	sand.u32 $0x38000, s23;
	s24 =	sadd.s32 s5, s24;
	(pc) =	sbr.rel @p0 .LBB2_4-.Ltmp3, $4  }
0x170: {  	s23 =	sor.u32 s23, s24  }
0x171: {  	s23 =	sshrl.u32 s23, $0x3  }
0x172: {  	[tilespmem:v7+s14+$0x0] =	vst.idx.add.f32.msk $0xffff, v2;
	s23 =	sadd.s32 s1, s23  }
0x173: {  	[tilespmem:s12], [sflag:$0x2] =	stream.linear.gather [hbm4b:s23+s4], $0x8000, $0x38;
	[tilespmem:$0x16600] =	vst v63  }
0x174: {  	_ =	swait.ge [sflag:s13], $0x8000;
	s21 =	simm.s32 $0x0  }
0x175: {  	[sflag:s13] =	ssyncset.done $0x0;
	s22 =	sand.u32 $0x7000, s21;
	s21 =	sand.u32 $0x380, s21  }
0x176: {  	[sflag:s13] =	ssyncadd.s32 $0xFFFF8000;
	s21 =	sor.u32 s21, s22  }
0x177: {  	v6 =	vld [tilespmem:s21+$0x0]  }
0x178: {  	v7 =	vld [tilespmem:s21+$0x10]  }
0x179: {  	v8 =	vld [tilespmem:s21+$0x20]  }
0x17a: {  	v9 =	vld [tilespmem:s21+$0x30]  }
0x17b: {  	v10 =	vld [tilespmem:s21+$0x40]  }
0x17c: {  	v11 =	vld [tilespmem:s21+$0x50]  }
0x17d: {  	v12 =	vld [tilespmem:s21+$0x60]  }
0x17e: {  	v13 =	vld [tilespmem:s21+$0x70]  }
0x17f: {  	v14 =	vld [tilespmem:s21+$0x410]  }
0x180: {  	v15 =	vld [tilespmem:s21+$0x400]  }
0x181: {  	v16 =	vld [tilespmem:s21+$0x430]  }
0x182: {  	v17 =	vld [tilespmem:s21+$0x420]  }
0x183: {  	v18 =	vld [tilespmem:s21+$0x440]  }
0x184: {  	v19 =	vld [tilespmem:s21+$0x470]  }
0x185: {  	v20 =	vld [tilespmem:s21+$0x800]  }
0x186: {  	v21 =	vld [tilespmem:s21+$0x450]  }
0x187: {  	v22 =	vld [tilespmem:s21+$0x460]  }
0x188: {  	v23 =	vld [tilespmem:s21+$0x810]  }
0x189: {  	v24 =	vld [tilespmem:s21+$0x840];
	v6 =	vmul.f32 $2.550000000e+02, v6  }
0x18a: {  	v25 =	vld [tilespmem:s21+$0x820];
	v7 =	vmul.f32 $2.550000000e+02, v7;
	v8 =	vmul.f32 $2.550000000e+02, v8  }
0x18b: {  	v63 =	vld [tilespmem:s21+$0x860];
	v9 =	vmul.f32 $2.550000000e+02, v9;
	v10 =	vmul.f32 $2.550000000e+02, v10  }
0x18c: {  	v26 =	vld [tilespmem:s21+$0x870];
	v11 =	vmul.f32 $2.550000000e+02, v11;
	v13 =	vmul.f32 $2.550000000e+02, v13  }
0x18d: {  	v30 =	vld [tilespmem:s21+$0xC60];
	v14 =	vmul.f32 $2.550000000e+02, v14;
	v12 =	vmul.f32 $2.550000000e+02, v12  }
0x18e: {  	v35 =	vld [tilespmem:s21+$0xC70];
	v16 =	vmul.f32 $2.550000000e+02, v16;
	v15 =	vmul.f32 $2.550000000e+02, v15  }
0x18f: {  	v36 =	vld [tilespmem:s21+$0xC00];
	v18 =	vmul.f32 $2.550000000e+02, v18;
	v19 =	vmul.f32 $2.550000000e+02, v19  }
0x190: {  	v40 =	vld [tilespmem:s21+$0xC10];
	v17 =	vmul.f32 $2.550000000e+02, v17;
	v20 =	vmul.f32 $2.550000000e+02, v20  }
0x191: {  	v41 =	vld [tilespmem:s21+$0xC20];
	v60 =	vmul.f32 $2.550000000e+02, v21;
	v61 =	vmul.f32 $2.550000000e+02, v22  }
0x192: {  	v47 =	vld [tilespmem:s21+$0xC40];
	v62 =	vmul.f32 $2.550000000e+02, v24;
	v23 =	vmul.f32 $2.550000000e+02, v23  }
0x193: {  	v24 =	vmul.f32 $2.550000000e+02, v63;
	v32 =	vmul.f32 $2.550000000e+02, v25  }
0x194: {  	v34 =	vmul.f32 $2.550000000e+02, v26;
	v37 =	vmul.f32 $2.550000000e+02, v30  }
0x195: {  	v42 =	vmul.f32 $2.550000000e+02, v36;
	v43 =	vmul.f32 $2.550000000e+02, v35  }
0x196: {  	v45 =	vmul.f32 $2.550000000e+02, v40;
	v46 =	vmul.f32 $2.550000000e+02, v41  }
0x197: {  	v54 =	vmul.f32 $2.550000000e+02, v47;
	v6 =	vtrunc.f32 v6  }
0x198: {  	v7 =	vtrunc.f32 v7;
	v9 =	vtrunc.f32 v9  }
0x199: {  	v8 =	vtrunc.f32 v8;
	v10 =	vtrunc.f32 v10  }
0x19a: {  	v13 =	vtrunc.f32 v13;
	v11 =	vtrunc.f32 v11  }
0x19b: {  	v28 =	vld [tilespmem:s21+$0x850];
	v14 =	vtrunc.f32 v14;
	v16 =	vtrunc.f32 v16  }
0x19c: {  	v19 =	vtrunc.f32 v19;
	v12 =	vtrunc.f32 v12  }
0x19d: {  	v20 =	vtrunc.f32 v20;
	v18 =	vtrunc.f32 v18  }
0x19e: {  	v27 =	vtrunc.f32 v17;
	v22 =	vtrunc.f32 v62  }
0x19f: {  	v21 =	vtrunc.f32 v61;
	v33 =	vtrunc.f32 v24  }
0x1a0: {  	v15 =	vtrunc.f32 v15;
	v17 =	vmul.f32 $2.550000000e+02, v28  }
0x1a1: {  	v56 =	vtrunc.f32 v54;
	v6 =	vcvt.f32.s32 v6  }
0x1a2: {  	v7 =	vcvt.f32.s32 v7;
	v9 =	vcvt.f32.s32 v9  }
0x1a3: {  	v8 =	vcvt.f32.s32 v8;
	v11 =	vcvt.f32.s32 v11  }
0x1a4: {  	v58 =	vld [tilespmem:s21+$0x830];
	v10 =	vcvt.f32.s32 v10;
	v16 =	vcvt.f32.s32 v16  }
0x1a5: {  	v13 =	vcvt.f32.s32 v13;
	v14 =	vcvt.f32.s32 v14;
	v6 =	vshll.u32 v6, $0x4  }
0x1a6: {  	v57 =	vcvt.f32.s32 v19;
	v7 =	vshll.u32 v7, $0x4;
	v6 =	vadd.s32 v3, v6  }
0x1a7: {  	v59 =	vcvt.f32.s32 v12;
	v12 =	vtrunc.f32 v60;
	v7 =	vadd.s32 v3, v7  }
0x1a8: {  	v22 =	vcvt.f32.s32 v22;
	v29 =	vcvt.f32.s32 v20  }
0x1a9: {  	v19 =	vmul.f32 $2.550000000e+02, v58;
	v18 =	vcvt.f32.s32 v18  }
0x1aa: {  	v15 =	vcvt.f32.s32 v15;
	v39 =	vcvt.f32.s32 v33  }
0x1ab: {  	v12 =	vcvt.f32.s32 v12;
	v17 =	vtrunc.f32 v17;
	v14 =	vshll.u32 v14, $0x4;
	[tilespmem:v6+s14+$0x0] =	vst.idx.add.f32.msk $0xffff, v2  }
0x1ac: {  	v9 =	vshll.u32 v9, $0x4;
	v6 =	vadd.s32 v3, v14;
	[tilespmem:v7+s14+$0x0] =	vst.idx.add.f32.msk $0xffff, v2;
	v7 =	vshll.u32 v13, $0x4  }
0x1ad: {  	v8 =	vshll.u32 v8, $0x4;
	v11 =	vshll.u32 v11, $0x4;
	v7 =	vadd.s32 v3, v7  }
0x1ae: {  	v16 =	vshll.u32 v16, $0x4;
	v10 =	vshll.u32 v10, $0x4;
	v8 =	vadd.s32 v3, v8  }
0x1af: {  	v48 =	vld [tilespmem:s21+$0xC30];
	v31 =	vshll.u32 v22, $0x4;
	v19 =	vtrunc.f32 v19;
	v9 =	vadd.s32 v3, v9  }
0x1b0: {  	v49 =	vld [tilespmem:s21+$0xC50];
	v15 =	vshll.u32 v15, $0x4;
	v44 =	vshll.u32 v18, $0x4;
	v10 =	vadd.s32 v3, v10  }
0x1b1: {  	v17 =	vcvt.f32.s32 v17;
	v18 =	vtrunc.f32 v46;
	v11 =	vadd.s32 v3, v11;
	[tilespmem:v6+s14+$0x0] =	vst.idx.add.f32.msk $0xffff, v2  }
0x1b2: {  	v14 =	vcvt.f32.s32 v27;
	v6 =	vadd.s32 v3, v16;
	[tilespmem:v7+s14+$0x0] =	vst.idx.add.f32.msk $0xffff, v2;
	v7 =	vtrunc.f32 v32  }
0x1b3: {  	v38 =	vadd.s32 v3, v15;
	[tilespmem:v8+s14+$0x0] =	vst.idx.add.f32.msk $0xffff, v2;
	v8 =	vshll.u32 v57, $0x4;
	v7 =	vcvt.f32.s32 v7  }
0x1b4: {  	v19 =	vcvt.f32.s32 v19;
	[tilespmem:v9+s14+$0x0] =	vst.idx.add.f32.msk $0xffff, v2;
	v8 =	vadd.s32 v3, v8;
	v14 =	vshll.u32 v14, $0x4  }
0x1b5: {  	v15 =	vshll.u32 v39, $0x4;
	[tilespmem:v10+s14+$0x0] =	vst.idx.add.f32.msk $0xffff, v2;
	v14 =	vadd.s32 v3, v14;
	v7 =	vshll.u32 v7, $0x4  }
0x1b6: {  	v18 =	vcvt.f32.s32 v18;
	v9 =	vshll.u32 v59, $0x4;
	[tilespmem:v11+s14+$0x0] =	vst.idx.add.f32.msk $0xffff, v2;
	v7 =	vadd.s32 v3, v7  }
0x1b7: {  	v12 =	vshll.u32 v12, $0x4;
	v9 =	vadd.s32 v3, v9;
	[tilespmem:v6+s14+$0x0] =	vst.idx.add.f32.msk $0xffff, v2;
	v6 =	vcvt.f32.s32 v21  }
0x1b8: {  	v51 =	vshll.u32 v17, $0x4;
	v52 =	vadd.s32 v3, v15;
	v12 =	vadd.s32 v3, v12;
	[tilespmem:v38+s14+$0x0] =	vst.idx.add.f32.msk $0xffff, v2  }
0x1b9: {  	v53 =	vshll.u32 v18, $0x4;
	v16 =	vtrunc.f32 v34;
	[tilespmem:v8+s14+$0x0] =	vst.idx.add.f32.msk $0xffff, v2;
	v6 =	vshll.u32 v6, $0x4  }
0x1ba: {  	v16 =	vcvt.f32.s32 v16;
	[tilespmem:v14+s14+$0x0] =	vst.idx.add.f32.msk $0xffff, v2;
	v14 =	vtrunc.f32 v45;
	v6 =	vadd.s32 v3, v6  }
0x1bb: {  	v55 =	vshll.u32 v19, $0x4;
	v11 =	vadd.s32 v3, v44;
	[tilespmem:v7+s14+$0x0] =	vst.idx.add.f32.msk $0xffff, v2;
	v7 =	vcvt.f32.s32 v14  }
0x1bc: {  	v8 =	vadd.s32 v3, v31;
	[tilespmem:v9+s14+$0x0] =	vst.idx.add.f32.msk $0xffff, v2;
	v9 =	vtrunc.f32 v42;
	v16 =	vshll.u32 v16, $0x4  }
0x1bd: {  	[tilespmem:v52+s14+$0x0] =	vst.idx.add.f32.msk $0xffff, v2;
	v9 =	vcvt.f32.s32 v9;
	v16 =	vadd.s32 v3, v16;
	v7 =	vshll.u32 v7, $0x4  }
0x1be: {  	v58 =	vadd.s32 v3, v51;
	v57 =	vmul.f32 $2.550000000e+02, v49;
	[tilespmem:v12+s14+$0x0] =	vst.idx.add.f32.msk $0xffff, v2;
	v7 =	vadd.s32 v3, v7  }
0x1bf: {  	v59 =	vtrunc.f32 v23;
	v9 =	vshll.u32 v9, $0x4;
	[tilespmem:v6+s14+$0x0] =	vst.idx.add.f32.msk $0xffff, v2;
	v6 =	vadd.s32 v3, v55  }
0x1c0: {  	v60 =	vtrunc.f32 v57;
	[tilespmem:v11+s14+$0x0] =	vst.idx.add.f32.msk $0xffff, v2;
	v11 =	vcvt.f32.s32 v59;
	v9 =	vadd.s32 v3, v9  }
0x1c1: {  	v15 =	vadd.s32 v3, v53;
	v13 =	vshll.u32 v29, $0x4;
	v61 =	vcvt.f32.s32 v60;
	[tilespmem:v8+s14+$0x0] =	vst.idx.add.f32.msk $0xffff, v2  }
0x1c2: {  	v13 =	vadd.s32 v3, v13;
	v63 =	vshll.u32 v11, $0x4;
	v21 =	vtrunc.f32 v43;
	[tilespmem:v16+s14+$0x0] =	vst.idx.add.f32.msk $0xffff, v2  }
0x1c3: {  	v8 =	vtrunc.f32 v37;
	v50 =	vcvt.f32.s32 v21;
	[tilespmem:v7+s14+$0x0] =	vst.idx.add.f32.msk $0xffff, v2;
	v7 =	vshll.u32 v61, $0x4  }
0x1c4: {  	v8 =	vcvt.f32.s32 v8;
	[tilespmem:v6+s14+$0x0] =	vst.idx.add.f32.msk $0xffff, v2;
	v6 =	vadd.s32 v3, v7;
	v7 =	vmul.f32 $2.550000000e+02, v48  }
0x1c5: {  	v10 =	vadd.s32 v3, v63;
	v16 =	vshll.u32 v50, $0x4;
	[tilespmem:v9+s14+$0x0] =	vst.idx.add.f32.msk $0xffff, v2;
	v9 =	vcvt.f32.s32 v56  }
0x1c6: {  	[tilespmem:v58+s14+$0x0] =	vst.idx.add.f32.msk $0xffff, v2;
	v8 =	vshll.u32 v8, $0x4;
	v62 =	vadd.s32 v3, v16;
	v7 =	vtrunc.f32 v7  }
0x1c7: {  	[tilespmem:v15+s14+$0x0] =	vst.idx.add.f32.msk $0xffff, v2;
	v8 =	vadd.s32 v3, v8;
	v9 =	vshll.u32 v9, $0x4;
	v7 =	vcvt.f32.s32 v7  }
0x1c8: {  	[tilespmem:v13+s14+$0x0] =	vst.idx.add.f32.msk $0xffff, v2;
	v9 =	vadd.s32 v3, v9  }
0x1c9: {  	[tilespmem:v6+s14+$0x0] =	vst.idx.add.f32.msk $0xffff, v2;
	v6 =	vshll.u32 v7, $0x4  }
0x1ca: {  	[tilespmem:v10+s14+$0x0] =	vst.idx.add.f32.msk $0xffff, v2;
	v6 =	vadd.s32 v3, v6  }
0x1cb: {  	[tilespmem:v62+s14+$0x0] =	vst.idx.add.f32.msk $0xffff, v2  }
0x1cc: {  	[tilespmem:v8+s14+$0x0] =	vst.idx.add.f32.msk $0xffff, v2  }
0x1cd: {  	s24 =	simm.s32 $0x200;
	s21 =	simm.s32 $0x80;
	[tilespmem:v9+s14+$0x0] =	vst.idx.add.f32.msk $0xffff, v2  }
.LBB2_10:
0x1ce: {  	s22 =	smov.u32 s24  }
0x1cf: {  	s23 =	sand.u32 $0x7000, s24;
	s25 =	sand.u32 $0x380, s21;
	[tilespmem:v6+s14+$0x0] =	vst.idx.add.f32.msk $0xffff, v2;
	s22 =	sadd.s32 $0x200, s24  }
0x1d0: {  	p0 =	sne.s32 s24, $0x7E00;
	s23 =	sor.u32 s25, s23  }
0x1d1: {  	v6 =	vld [tilespmem:s23+$0x0]  }
0x1d2: {  	v7 =	vld [tilespmem:s23+$0x10]  }
0x1d3: {  	v8 =	vld [tilespmem:s23+$0x20]  }
0x1d4: {  	v9 =	vld [tilespmem:s23+$0x30]  }
0x1d5: {  	v10 =	vld [tilespmem:s23+$0x40]  }
0x1d6: {  	v6 =	vmul.f32 $2.550000000e+02, v6;
	v11 =	vld [tilespmem:s23+$0x50]  }
0x1d7: {  	v7 =	vmul.f32 $2.550000000e+02, v7;
	v12 =	vld [tilespmem:s23+$0x60]  }
0x1d8: {  	v6 =	vtrunc.f32 v6;
	v8 =	vmul.f32 $2.550000000e+02, v8;
	v13 =	vld [tilespmem:s23+$0x70]  }
0x1d9: {  	v7 =	vtrunc.f32 v7;
	v9 =	vmul.f32 $2.550000000e+02, v9;
	v14 =	vld [tilespmem:s23+$0x400]  }
0x1da: {  	v6 =	vcvt.f32.s32 v6;
	v10 =	vmul.f32 $2.550000000e+02, v10;
	v15 =	vld [tilespmem:s23+$0x410]  }
0x1db: {  	v7 =	vcvt.f32.s32 v7;
	v9 =	vtrunc.f32 v9;
	v16 =	vld [tilespmem:s23+$0x420]  }
0x1dc: {  	v6 =	vshll.u32 v6, $0x4;
	v11 =	vmul.f32 $2.550000000e+02, v11;
	v9 =	vcvt.f32.s32 v9;
	v17 =	vld [tilespmem:s23+$0x430]  }
0x1dd: {  	v8 =	vtrunc.f32 v8;
	v7 =	vshll.u32 v7, $0x4;
	v10 =	vtrunc.f32 v10;
	v18 =	vld [tilespmem:s23+$0x440]  }
0x1de: {  	v7 =	vadd.s32 v3, v7;
	v13 =	vmul.f32 $2.550000000e+02, v13;
	v9 =	vshll.u32 v9, $0x4;
	v19 =	vld [tilespmem:s23+$0x450]  }
0x1df: {  	v8 =	vcvt.f32.s32 v8;
	v9 =	vadd.s32 v3, v9;
	v15 =	vmul.f32 $2.550000000e+02, v15;
	v20 =	vld [tilespmem:s23+$0x460]  }
0x1e0: {  	v12 =	vmul.f32 $2.550000000e+02, v12;
	v13 =	vtrunc.f32 v13;
	v21 =	vld [tilespmem:s23+$0x470]  }
0x1e1: {  	v8 =	vshll.u32 v8, $0x4;
	v11 =	vtrunc.f32 v11;
	v17 =	vmul.f32 $2.550000000e+02, v17;
	v22 =	vld [tilespmem:s23+$0x800]  }
0x1e2: {  	v14 =	vmul.f32 $2.550000000e+02, v14;
	v15 =	vtrunc.f32 v15;
	v23 =	vld [tilespmem:s23+$0x810]  }
0x1e3: {  	v8 =	vadd.s32 v3, v8;
	v11 =	vcvt.f32.s32 v11;
	v17 =	vtrunc.f32 v17;
	v24 =	vld [tilespmem:s23+$0x820]  }
0x1e4: {  	v6 =	vadd.s32 v3, v6;
	[tilespmem:v9+s14+$0x0] =	vst.idx.add.f32.msk $0xffff, v2;
	v9 =	vcvt.f32.s32 v10;
	v10 =	vcvt.f32.s32 v17  }
0x1e5: {  	v11 =	vshll.u32 v11, $0x4;
	v17 =	vmul.f32 $2.550000000e+02, v18;
	v18 =	vmul.f32 $2.550000000e+02, v21;
	v21 =	vld [tilespmem:s23+$0x830]  }
0x1e6: {  	v16 =	vmul.f32 $2.550000000e+02, v16;
	v10 =	vshll.u32 v10, $0x4;
	v22 =	vmul.f32 $2.550000000e+02, v22  }
0x1e7: {  	v13 =	vcvt.f32.s32 v13;
	v9 =	vshll.u32 v9, $0x4;
	v18 =	vtrunc.f32 v18;
	v25 =	vld [tilespmem:s23+$0x840]  }
0x1e8: {  	[tilespmem:v8+s14+$0x0] =	vst.idx.add.f32.msk $0xffff, v2;
	v8 =	vcvt.f32.s32 v15;
	v15 =	vcvt.f32.s32 v18  }
0x1e9: {  	[tilespmem:v6+s14+$0x0] =	vst.idx.add.f32.msk $0xffff, v2;
	v6 =	vadd.s32 v3, v9;
	v9 =	vtrunc.f32 v12;
	v12 =	vtrunc.f32 v22  }
0x1ea: {  	v17 =	vtrunc.f32 v17;
	v8 =	vshll.u32 v8, $0x4;
	v15 =	vshll.u32 v15, $0x4;
	v18 =	vld [tilespmem:s23+$0x850]  }
0x1eb: {  	v19 =	vmul.f32 $2.550000000e+02, v19;
	v9 =	vcvt.f32.s32 v9;
	v15 =	vadd.s32 v3, v15;
	v22 =	vld [tilespmem:s23+$0xC60]  }
0x1ec: {  	v20 =	vmul.f32 $2.550000000e+02, v20;
	v8 =	vadd.s32 v3, v8;
	v25 =	vmul.f32 $2.550000000e+02, v25;
	v26 =	vld [tilespmem:s23+$0x860]  }
0x1ed: {  	[tilespmem:v7+s14+$0x0] =	vst.idx.add.f32.msk $0xffff, v2;
	v7 =	vshll.u32 v9, $0x4;
	v9 =	vtrunc.f32 v16;
	v16 =	vtrunc.f32 v19  }
0x1ee: {  	[tilespmem:v6+s14+$0x0] =	vst.idx.add.f32.msk $0xffff, v2;
	v6 =	vadd.s32 v3, v7;
	v7 =	vcvt.f32.s32 v9;
	v9 =	vtrunc.f32 v25  }
0x1ef: {  	v13 =	vshll.u32 v13, $0x4;
	v19 =	vtrunc.f32 v20;
	v9 =	vcvt.f32.s32 v9;
	v20 =	vld [tilespmem:s23+$0x870]  }
0x1f0: {  	v13 =	vadd.s32 v3, v13;
	v12 =	vcvt.f32.s32 v12;
	[tilespmem:v15+s14+$0x0] =	vst.idx.add.f32.msk $0xffff, v2;
	v15 =	vmul.f32 $2.550000000e+02, v21  }
0x1f1: {  	[tilespmem:v8+s14+$0x0] =	vst.idx.add.f32.msk $0xffff, v2;
	v8 =	vmul.f32 $2.550000000e+02, v23;
	v9 =	vshll.u32 v9, $0x4;
	v21 =	vmul.f32 $2.550000000e+02, v26  }
0x1f2: {  	v17 =	vcvt.f32.s32 v17;
	v15 =	vtrunc.f32 v15;
	v9 =	vadd.s32 v3, v9;
	v23 =	vld [tilespmem:s23+$0xC70]  }
0x1f3: {  	[tilespmem:v6+s14+$0x0] =	vst.idx.add.f32.msk $0xffff, v2;
	v6 =	vadd.s32 v3, v10;
	v10 =	vmul.f32 $2.550000000e+02, v24;
	v21 =	vtrunc.f32 v21  }
0x1f4: {  	v14 =	vtrunc.f32 v14;
	v7 =	vshll.u32 v7, $0x4;
	v20 =	vmul.f32 $2.550000000e+02, v20  }
0x1f5: {  	v11 =	vadd.s32 v3, v11;
	[tilespmem:v13+s14+$0x0] =	vst.idx.add.f32.msk $0xffff, v2;
	v13 =	vcvt.f32.s32 v14;
	v14 =	vcvt.f32.s32 v16  }
0x1f6: {  	v22 =	vmul.f32 $2.550000000e+02, v22;
	v7 =	vadd.s32 v3, v7;
	v16 =	vtrunc.f32 v20;
	v20 =	vld [tilespmem:s23+$0xC00]  }
0x1f7: {  	v10 =	vtrunc.f32 v10;
	v13 =	vshll.u32 v13, $0x4;
	[tilespmem:v9+s14+$0x0] =	vst.idx.add.f32.msk $0xffff, v2;
	v9 =	vcvt.f32.s32 v16  }
0x1f8: {  	v13 =	vadd.s32 v3, v13;
	[tilespmem:v6+s14+$0x0] =	vst.idx.add.f32.msk $0xffff, v2;
	v6 =	vshll.u32 v12, $0x4;
	v12 =	vcvt.f32.s32 v21  }
0x1f9: {  	v10 =	vcvt.f32.s32 v10;
	v16 =	vmul.f32 $2.550000000e+02, v18;
	v9 =	vshll.u32 v9, $0x4;
	v18 =	vld [tilespmem:s23+$0xC10]  }
0x1fa: {  	[tilespmem:v11+s14+$0x0] =	vst.idx.add.f32.msk $0xffff, v2;
	v11 =	vcvt.f32.s32 v15;
	v9 =	vadd.s32 v3, v9;
	v15 =	vtrunc.f32 v22  }
0x1fb: {  	v19 =	vcvt.f32.s32 v19;
	v10 =	vshll.u32 v10, $0x4;
	v20 =	vmul.f32 $2.550000000e+02, v20;
	v21 =	vld [tilespmem:s23+$0xC20]  }
0x1fc: {  	[tilespmem:v7+s14+$0x0] =	vst.idx.add.f32.msk $0xffff, v2;
	v7 =	vadd.s32 v3, v10;
	v10 =	vcvt.f32.s32 v15;
	v15 =	vmul.f32 $2.550000000e+02, v23  }
0x1fd: {  	v17 =	vshll.u32 v17, $0x4;
	v16 =	vtrunc.f32 v16;
	v20 =	vtrunc.f32 v20  }
0x1fe: {  	v19 =	vshll.u32 v19, $0x4;
	v20 =	vcvt.f32.s32 v20;
	v18 =	vmul.f32 $2.550000000e+02, v18;
	v22 =	vld [tilespmem:s23+$0xC30]  }
0x1ff: {  	v6 =	vadd.s32 v3, v6;
	v16 =	vcvt.f32.s32 v16;
	[tilespmem:v9+s14+$0x0] =	vst.idx.add.f32.msk $0xffff, v2;
	v9 =	vtrunc.f32 v15  }
0x200: {  	v15 =	vadd.s32 v3, v19;
	v19 =	vshll.u32 v20, $0x4;
	v20 =	vmul.f32 $2.550000000e+02, v21;
	v21 =	vld [tilespmem:s23+$0xC40]  }
0x201: {  	v18 =	vtrunc.f32 v18;
	v9 =	vcvt.f32.s32 v9;
	[tilespmem:v7+s14+$0x0] =	vst.idx.add.f32.msk $0xffff, v2;
	v7 =	vadd.s32 v3, v19  }
0x202: {  	v12 =	vshll.u32 v12, $0x4;
	v18 =	vcvt.f32.s32 v18;
	v19 =	vtrunc.f32 v20;
	v20 =	vld [tilespmem:s23+$0xC50]  }
0x203: {  	v9 =	vshll.u32 v9, $0x4;
	[tilespmem:v13+s14+$0x0] =	vst.idx.add.f32.msk $0xffff, v2;
	v13 =	vshll.u32 v16, $0x4;
	v16 =	vcvt.f32.s32 v19  }
0x204: {  	v17 =	vadd.s32 v3, v17;
	v18 =	vshll.u32 v18, $0x4;
	v19 =	vmul.f32 $2.550000000e+02, v22  }
0x205: {  	[tilespmem:v6+s14+$0x0] =	vst.idx.add.f32.msk $0xffff, v2;
	v6 =	vadd.s32 v3, v12;
	v12 =	vshll.u32 v16, $0x4;
	v16 =	vmul.f32 $2.550000000e+02, v21  }
0x206: {  	v11 =	vshll.u32 v11, $0x4;
	[tilespmem:v7+s14+$0x0] =	vst.idx.add.f32.msk $0xffff, v2;
	v7 =	vadd.s32 v3, v18;
	v12 =	vadd.s32 v3, v12  }
0x207: {  	v13 =	vadd.s32 v3, v13;
	[tilespmem:v15+s14+$0x0] =	vst.idx.add.f32.msk $0xffff, v2;
	v15 =	vtrunc.f32 v16;
	v16 =	vmul.f32 $2.550000000e+02, v20  }
0x208: {  	v11 =	vadd.s32 v3, v11;
	v18 =	vtrunc.f32 v19;
	v15 =	vcvt.f32.s32 v15  }
0x209: {  	v8 =	vtrunc.f32 v8;
	v14 =	vshll.u32 v14, $0x4;
	[tilespmem:v17+s14+$0x0] =	vst.idx.add.f32.msk $0xffff, v2;
	v16 =	vtrunc.f32 v16  }
0x20a: {  	v9 =	vadd.s32 v3, v9;
	[tilespmem:v6+s14+$0x0] =	vst.idx.add.f32.msk $0xffff, v2;
	v6 =	vshll.u32 v15, $0x4;
	v15 =	vcvt.f32.s32 v16  }
0x20b: {  	v8 =	vcvt.f32.s32 v8;
	[tilespmem:v12+s14+$0x0] =	vst.idx.add.f32.msk $0xffff, v2;
	v12 =	vadd.s32 v3, v6;
	v6 =	vshll.u32 v10, $0x4  }
0x20c: {  	v10 =	vadd.s32 v3, v14;
	[tilespmem:v7+s14+$0x0] =	vst.idx.add.f32.msk $0xffff, v2;
	v7 =	vcvt.f32.s32 v18;
	v14 =	vshll.u32 v15, $0x4  }
0x20d: {  	v8 =	vshll.u32 v8, $0x4;
	[tilespmem:v11+s14+$0x0] =	vst.idx.add.f32.msk $0xffff, v2;
	v11 =	vadd.s32 v3, v14  }
0x20e: {  	v8 =	vadd.s32 v3, v8;
	[tilespmem:v13+s14+$0x0] =	vst.idx.add.f32.msk $0xffff, v2;
	v7 =	vshll.u32 v7, $0x4  }
0x20f: {  	v13 =	vadd.s32 v3, v6;
	[tilespmem:v9+s14+$0x0] =	vst.idx.add.f32.msk $0xffff, v2  }
.Ltmp4:
0x210: {  	v6 =	vadd.s32 v3, v7;
	[tilespmem:v12+s14+$0x0] =	vst.idx.add.f32.msk $0xffff, v2;
	(pc) =	sbr.rel @p0 .LBB2_10-.Ltmp4, $4  }
0x211: {  	[tilespmem:v10+s14+$0x0] =	vst.idx.add.f32.msk $0xffff, v2  }
0x212: {  	[tilespmem:v11+s14+$0x0] =	vst.idx.add.f32.msk $0xffff, v2  }
0x213: {  	[tilespmem:v8+s14+$0x0] =	vst.idx.add.f32.msk $0xffff, v2  }
0x214: {  	s21 =	sadd.s32 $0x80, s21;
	s24 =	smov.u32 s22;
	[tilespmem:v13+s14+$0x0] =	vst.idx.add.f32.msk $0xffff, v2  }
0x215: {  	_ =	sdelay $0x3  }
0x216: {  	[tilespmem:v6+s14+$0x0] =	vst.idx.add.f32.msk $0xffff, v2;
	s21 =	simm.s32 $0x0  }
0x217: {  	[tilespmem:s21], [sflag:$0x1] =	stream.linear.gather [hbm4b:s8+s21], $0x8000, $0x38;
	[tilespmem:$0x16600] =	vst v63  }
0x218: {  	_ =	swait.ge [sflag:s15], $0x8000  }
0x219: {  	s22 =	sand.u32 $0x7000, s21;
	s21 =	sand.u32 $0x380, s21;
	[sflag:s15] =	ssyncset.done $0x0  }
0x21a: {  	s21 =	sor.u32 s21, s22;
	[sflag:s15] =	ssyncadd.s32 $0xFFFF8000  }
0x21b: {  	v6 =	vld [tilespmem:s21+$0x8000]  }
0x21c: {  	v7 =	vld [tilespmem:s21+$0x8010]  }
0x21d: {  	v8 =	vld [tilespmem:s21+$0x8020]  }
0x21e: {  	v9 =	vld [tilespmem:s21+$0x8030]  }
0x21f: {  	v10 =	vld [tilespmem:s21+$0x8040]  }
0x220: {  	v11 =	vld [tilespmem:s21+$0x8050]  }
0x221: {  	v12 =	vld [tilespmem:s21+$0x8060]  }
0x222: {  	v13 =	vld [tilespmem:s21+$0x8070]  }
0x223: {  	v14 =	vld [tilespmem:s21+$0x8410]  }
0x224: {  	v15 =	vld [tilespmem:s21+$0x8400]  }
0x225: {  	v16 =	vld [tilespmem:s21+$0x8430]  }
0x226: {  	v17 =	vld [tilespmem:s21+$0x8420]  }
0x227: {  	v18 =	vld [tilespmem:s21+$0x8440]  }
0x228: {  	v19 =	vld [tilespmem:s21+$0x8470]  }
0x229: {  	v20 =	vld [tilespmem:s21+$0x8800]  }
0x22a: {  	v21 =	vld [tilespmem:s21+$0x8450]  }
0x22b: {  	v22 =	vld [tilespmem:s21+$0x8460]  }
0x22c: {  	v23 =	vld [tilespmem:s21+$0x8810]  }
0x22d: {  	v24 =	vld [tilespmem:s21+$0x8840];
	v6 =	vmul.f32 $2.550000000e+02, v6  }
0x22e: {  	v25 =	vld [tilespmem:s21+$0x8820];
	v7 =	vmul.f32 $2.550000000e+02, v7;
	v8 =	vmul.f32 $2.550000000e+02, v8  }
0x22f: {  	v63 =	vld [tilespmem:s21+$0x8860];
	v9 =	vmul.f32 $2.550000000e+02, v9;
	v10 =	vmul.f32 $2.550000000e+02, v10  }
0x230: {  	v26 =	vld [tilespmem:s21+$0x8870];
	v11 =	vmul.f32 $2.550000000e+02, v11;
	v13 =	vmul.f32 $2.550000000e+02, v13  }
0x231: {  	v30 =	vld [tilespmem:s21+$0x8C60];
	v14 =	vmul.f32 $2.550000000e+02, v14;
	v12 =	vmul.f32 $2.550000000e+02, v12  }
0x232: {  	v35 =	vld [tilespmem:s21+$0x8C70];
	v16 =	vmul.f32 $2.550000000e+02, v16;
	v15 =	vmul.f32 $2.550000000e+02, v15  }
0x233: {  	v36 =	vld [tilespmem:s21+$0x8C00];
	v18 =	vmul.f32 $2.550000000e+02, v18;
	v19 =	vmul.f32 $2.550000000e+02, v19  }
0x234: {  	v40 =	vld [tilespmem:s21+$0x8C10];
	v17 =	vmul.f32 $2.550000000e+02, v17;
	v20 =	vmul.f32 $2.550000000e+02, v20  }
0x235: {  	v41 =	vld [tilespmem:s21+$0x8C20];
	v60 =	vmul.f32 $2.550000000e+02, v21;
	v61 =	vmul.f32 $2.550000000e+02, v22  }
0x236: {  	v47 =	vld [tilespmem:s21+$0x8C40];
	v62 =	vmul.f32 $2.550000000e+02, v24;
	v23 =	vmul.f32 $2.550000000e+02, v23  }
0x237: {  	v24 =	vmul.f32 $2.550000000e+02, v63;
	v32 =	vmul.f32 $2.550000000e+02, v25  }
0x238: {  	v34 =	vmul.f32 $2.550000000e+02, v26;
	v37 =	vmul.f32 $2.550000000e+02, v30  }
0x239: {  	v42 =	vmul.f32 $2.550000000e+02, v36;
	v43 =	vmul.f32 $2.550000000e+02, v35  }
0x23a: {  	v45 =	vmul.f32 $2.550000000e+02, v40;
	v46 =	vmul.f32 $2.550000000e+02, v41  }
0x23b: {  	v54 =	vmul.f32 $2.550000000e+02, v47;
	v6 =	vtrunc.f32 v6  }
0x23c: {  	v7 =	vtrunc.f32 v7;
	v9 =	vtrunc.f32 v9  }
0x23d: {  	v8 =	vtrunc.f32 v8;
	v10 =	vtrunc.f32 v10  }
0x23e: {  	v13 =	vtrunc.f32 v13;
	v11 =	vtrunc.f32 v11  }
0x23f: {  	v28 =	vld [tilespmem:s21+$0x8850];
	v14 =	vtrunc.f32 v14;
	v16 =	vtrunc.f32 v16  }
0x240: {  	v19 =	vtrunc.f32 v19;
	v12 =	vtrunc.f32 v12  }
0x241: {  	v20 =	vtrunc.f32 v20;
	v18 =	vtrunc.f32 v18  }
0x242: {  	v27 =	vtrunc.f32 v17;
	v22 =	vtrunc.f32 v62  }
0x243: {  	v21 =	vtrunc.f32 v61;
	v33 =	vtrunc.f32 v24  }
0x244: {  	v15 =	vtrunc.f32 v15;
	v17 =	vmul.f32 $2.550000000e+02, v28  }
0x245: {  	v56 =	vtrunc.f32 v54;
	v6 =	vcvt.f32.s32 v6  }
0x246: {  	v7 =	vcvt.f32.s32 v7;
	v9 =	vcvt.f32.s32 v9  }
0x247: {  	v8 =	vcvt.f32.s32 v8;
	v11 =	vcvt.f32.s32 v11  }
0x248: {  	v58 =	vld [tilespmem:s21+$0x8830];
	v10 =	vcvt.f32.s32 v10;
	v16 =	vcvt.f32.s32 v16  }
0x249: {  	v13 =	vcvt.f32.s32 v13;
	v14 =	vcvt.f32.s32 v14;
	v6 =	vshll.u32 v6, $0x4  }
0x24a: {  	v57 =	vcvt.f32.s32 v19;
	v7 =	vshll.u32 v7, $0x4;
	v6 =	vadd.s32 v3, v6  }
0x24b: {  	v59 =	vcvt.f32.s32 v12;
	v12 =	vtrunc.f32 v60;
	v7 =	vadd.s32 v3, v7  }
0x24c: {  	v22 =	vcvt.f32.s32 v22;
	v29 =	vcvt.f32.s32 v20  }
0x24d: {  	v19 =	vmul.f32 $2.550000000e+02, v58;
	v18 =	vcvt.f32.s32 v18  }
0x24e: {  	v15 =	vcvt.f32.s32 v15;
	v39 =	vcvt.f32.s32 v33  }
0x24f: {  	v12 =	vcvt.f32.s32 v12;
	v17 =	vtrunc.f32 v17;
	v14 =	vshll.u32 v14, $0x4;
	[tilespmem:v6+s14+$0x0] =	vst.idx.add.f32.msk $0xffff, v2  }
0x250: {  	v9 =	vshll.u32 v9, $0x4;
	v6 =	vadd.s32 v3, v14;
	[tilespmem:v7+s14+$0x0] =	vst.idx.add.f32.msk $0xffff, v2;
	v7 =	vshll.u32 v13, $0x4  }
0x251: {  	v8 =	vshll.u32 v8, $0x4;
	v11 =	vshll.u32 v11, $0x4;
	v7 =	vadd.s32 v3, v7  }
0x252: {  	v16 =	vshll.u32 v16, $0x4;
	v10 =	vshll.u32 v10, $0x4;
	v8 =	vadd.s32 v3, v8  }
0x253: {  	v48 =	vld [tilespmem:s21+$0x8C30];
	v31 =	vshll.u32 v22, $0x4;
	v19 =	vtrunc.f32 v19;
	v9 =	vadd.s32 v3, v9  }
0x254: {  	v49 =	vld [tilespmem:s21+$0x8C50];
	v15 =	vshll.u32 v15, $0x4;
	v44 =	vshll.u32 v18, $0x4;
	v10 =	vadd.s32 v3, v10  }
0x255: {  	v17 =	vcvt.f32.s32 v17;
	v18 =	vtrunc.f32 v46;
	v11 =	vadd.s32 v3, v11;
	[tilespmem:v6+s14+$0x0] =	vst.idx.add.f32.msk $0xffff, v2  }
0x256: {  	v14 =	vcvt.f32.s32 v27;
	v6 =	vadd.s32 v3, v16;
	[tilespmem:v7+s14+$0x0] =	vst.idx.add.f32.msk $0xffff, v2;
	v7 =	vtrunc.f32 v32  }
0x257: {  	v38 =	vadd.s32 v3, v15;
	[tilespmem:v8+s14+$0x0] =	vst.idx.add.f32.msk $0xffff, v2;
	v8 =	vshll.u32 v57, $0x4;
	v7 =	vcvt.f32.s32 v7  }
0x258: {  	v19 =	vcvt.f32.s32 v19;
	[tilespmem:v9+s14+$0x0] =	vst.idx.add.f32.msk $0xffff, v2;
	v8 =	vadd.s32 v3, v8;
	v14 =	vshll.u32 v14, $0x4  }
0x259: {  	v15 =	vshll.u32 v39, $0x4;
	[tilespmem:v10+s14+$0x0] =	vst.idx.add.f32.msk $0xffff, v2;
	v14 =	vadd.s32 v3, v14;
	v7 =	vshll.u32 v7, $0x4  }
0x25a: {  	v18 =	vcvt.f32.s32 v18;
	v9 =	vshll.u32 v59, $0x4;
	[tilespmem:v11+s14+$0x0] =	vst.idx.add.f32.msk $0xffff, v2;
	v7 =	vadd.s32 v3, v7  }
0x25b: {  	v12 =	vshll.u32 v12, $0x4;
	v9 =	vadd.s32 v3, v9;
	[tilespmem:v6+s14+$0x0] =	vst.idx.add.f32.msk $0xffff, v2;
	v6 =	vcvt.f32.s32 v21  }
0x25c: {  	v51 =	vshll.u32 v17, $0x4;
	v52 =	vadd.s32 v3, v15;
	v12 =	vadd.s32 v3, v12;
	[tilespmem:v38+s14+$0x0] =	vst.idx.add.f32.msk $0xffff, v2  }
0x25d: {  	v53 =	vshll.u32 v18, $0x4;
	v16 =	vtrunc.f32 v34;
	[tilespmem:v8+s14+$0x0] =	vst.idx.add.f32.msk $0xffff, v2;
	v6 =	vshll.u32 v6, $0x4  }
0x25e: {  	v16 =	vcvt.f32.s32 v16;
	[tilespmem:v14+s14+$0x0] =	vst.idx.add.f32.msk $0xffff, v2;
	v14 =	vtrunc.f32 v45;
	v6 =	vadd.s32 v3, v6  }
0x25f: {  	v55 =	vshll.u32 v19, $0x4;
	v11 =	vadd.s32 v3, v44;
	[tilespmem:v7+s14+$0x0] =	vst.idx.add.f32.msk $0xffff, v2;
	v7 =	vcvt.f32.s32 v14  }
0x260: {  	v8 =	vadd.s32 v3, v31;
	[tilespmem:v9+s14+$0x0] =	vst.idx.add.f32.msk $0xffff, v2;
	v9 =	vtrunc.f32 v42;
	v16 =	vshll.u32 v16, $0x4  }
0x261: {  	[tilespmem:v52+s14+$0x0] =	vst.idx.add.f32.msk $0xffff, v2;
	v9 =	vcvt.f32.s32 v9;
	v16 =	vadd.s32 v3, v16;
	v7 =	vshll.u32 v7, $0x4  }
0x262: {  	v58 =	vadd.s32 v3, v51;
	v57 =	vmul.f32 $2.550000000e+02, v49;
	[tilespmem:v12+s14+$0x0] =	vst.idx.add.f32.msk $0xffff, v2;
	v7 =	vadd.s32 v3, v7  }
0x263: {  	v59 =	vtrunc.f32 v23;
	v9 =	vshll.u32 v9, $0x4;
	[tilespmem:v6+s14+$0x0] =	vst.idx.add.f32.msk $0xffff, v2;
	v6 =	vadd.s32 v3, v55  }
0x264: {  	v60 =	vtrunc.f32 v57;
	[tilespmem:v11+s14+$0x0] =	vst.idx.add.f32.msk $0xffff, v2;
	v11 =	vcvt.f32.s32 v59;
	v9 =	vadd.s32 v3, v9  }
0x265: {  	v15 =	vadd.s32 v3, v53;
	v13 =	vshll.u32 v29, $0x4;
	v61 =	vcvt.f32.s32 v60;
	[tilespmem:v8+s14+$0x0] =	vst.idx.add.f32.msk $0xffff, v2  }
0x266: {  	v13 =	vadd.s32 v3, v13;
	v63 =	vshll.u32 v11, $0x4;
	v21 =	vtrunc.f32 v43;
	[tilespmem:v16+s14+$0x0] =	vst.idx.add.f32.msk $0xffff, v2  }
0x267: {  	v8 =	vtrunc.f32 v37;
	v50 =	vcvt.f32.s32 v21;
	[tilespmem:v7+s14+$0x0] =	vst.idx.add.f32.msk $0xffff, v2;
	v7 =	vshll.u32 v61, $0x4  }
0x268: {  	v8 =	vcvt.f32.s32 v8;
	[tilespmem:v6+s14+$0x0] =	vst.idx.add.f32.msk $0xffff, v2;
	v6 =	vadd.s32 v3, v7;
	v7 =	vmul.f32 $2.550000000e+02, v48  }
0x269: {  	v10 =	vadd.s32 v3, v63;
	v16 =	vshll.u32 v50, $0x4;
	[tilespmem:v9+s14+$0x0] =	vst.idx.add.f32.msk $0xffff, v2;
	v9 =	vcvt.f32.s32 v56  }
0x26a: {  	[tilespmem:v58+s14+$0x0] =	vst.idx.add.f32.msk $0xffff, v2;
	v8 =	vshll.u32 v8, $0x4;
	v62 =	vadd.s32 v3, v16;
	v7 =	vtrunc.f32 v7  }
0x26b: {  	[tilespmem:v15+s14+$0x0] =	vst.idx.add.f32.msk $0xffff, v2;
	v8 =	vadd.s32 v3, v8;
	v9 =	vshll.u32 v9, $0x4;
	v7 =	vcvt.f32.s32 v7  }
0x26c: {  	[tilespmem:v13+s14+$0x0] =	vst.idx.add.f32.msk $0xffff, v2;
	v9 =	vadd.s32 v3, v9  }
0x26d: {  	[tilespmem:v6+s14+$0x0] =	vst.idx.add.f32.msk $0xffff, v2;
	v6 =	vshll.u32 v7, $0x4  }
0x26e: {  	[tilespmem:v10+s14+$0x0] =	vst.idx.add.f32.msk $0xffff, v2;
	v6 =	vadd.s32 v3, v6  }
0x26f: {  	[tilespmem:v62+s14+$0x0] =	vst.idx.add.f32.msk $0xffff, v2  }
0x270: {  	[tilespmem:v8+s14+$0x0] =	vst.idx.add.f32.msk $0xffff, v2  }
0x271: {  	s24 =	simm.s32 $0x200;
	s21 =	simm.s32 $0x80;
	[tilespmem:v9+s14+$0x0] =	vst.idx.add.f32.msk $0xffff, v2  }
.LBB2_12:
0x272: {  	s22 =	smov.u32 s24  }
0x273: {  	s23 =	sand.u32 $0x7000, s24;
	s25 =	sand.u32 $0x380, s21;
	[tilespmem:v6+s14+$0x0] =	vst.idx.add.f32.msk $0xffff, v2;
	s22 =	sadd.s32 $0x200, s24  }
0x274: {  	p0 =	sne.s32 s24, $0x7E00;
	s23 =	sor.u32 s25, s23  }
0x275: {  	v6 =	vld [tilespmem:s23+$0x8000]  }
0x276: {  	v7 =	vld [tilespmem:s23+$0x8010]  }
0x277: {  	v8 =	vld [tilespmem:s23+$0x8020]  }
0x278: {  	v9 =	vld [tilespmem:s23+$0x8030]  }
0x279: {  	v10 =	vld [tilespmem:s23+$0x8040]  }
0x27a: {  	v6 =	vmul.f32 $2.550000000e+02, v6;
	v11 =	vld [tilespmem:s23+$0x8050]  }
0x27b: {  	v7 =	vmul.f32 $2.550000000e+02, v7;
	v12 =	vld [tilespmem:s23+$0x8060]  }
0x27c: {  	v6 =	vtrunc.f32 v6;
	v8 =	vmul.f32 $2.550000000e+02, v8;
	v13 =	vld [tilespmem:s23+$0x8070]  }
0x27d: {  	v7 =	vtrunc.f32 v7;
	v9 =	vmul.f32 $2.550000000e+02, v9;
	v14 =	vld [tilespmem:s23+$0x8400]  }
0x27e: {  	v6 =	vcvt.f32.s32 v6;
	v10 =	vmul.f32 $2.550000000e+02, v10;
	v15 =	vld [tilespmem:s23+$0x8410]  }
0x27f: {  	v7 =	vcvt.f32.s32 v7;
	v9 =	vtrunc.f32 v9;
	v16 =	vld [tilespmem:s23+$0x8420]  }
0x280: {  	v6 =	vshll.u32 v6, $0x4;
	v11 =	vmul.f32 $2.550000000e+02, v11;
	v9 =	vcvt.f32.s32 v9;
	v17 =	vld [tilespmem:s23+$0x8430]  }
0x281: {  	v8 =	vtrunc.f32 v8;
	v7 =	vshll.u32 v7, $0x4;
	v10 =	vtrunc.f32 v10;
	v18 =	vld [tilespmem:s23+$0x8440]  }
0x282: {  	v7 =	vadd.s32 v3, v7;
	v13 =	vmul.f32 $2.550000000e+02, v13;
	v9 =	vshll.u32 v9, $0x4;
	v19 =	vld [tilespmem:s23+$0x8450]  }
0x283: {  	v8 =	vcvt.f32.s32 v8;
	v9 =	vadd.s32 v3, v9;
	v15 =	vmul.f32 $2.550000000e+02, v15;
	v20 =	vld [tilespmem:s23+$0x8460]  }
0x284: {  	v12 =	vmul.f32 $2.550000000e+02, v12;
	v13 =	vtrunc.f32 v13;
	v21 =	vld [tilespmem:s23+$0x8470]  }
0x285: {  	v8 =	vshll.u32 v8, $0x4;
	v11 =	vtrunc.f32 v11;
	v17 =	vmul.f32 $2.550000000e+02, v17;
	v22 =	vld [tilespmem:s23+$0x8800]  }
0x286: {  	v14 =	vmul.f32 $2.550000000e+02, v14;
	v15 =	vtrunc.f32 v15;
	v23 =	vld [tilespmem:s23+$0x8810]  }
0x287: {  	v8 =	vadd.s32 v3, v8;
	v11 =	vcvt.f32.s32 v11;
	v17 =	vtrunc.f32 v17;
	v24 =	vld [tilespmem:s23+$0x8820]  }
0x288: {  	v6 =	vadd.s32 v3, v6;
	[tilespmem:v9+s14+$0x0] =	vst.idx.add.f32.msk $0xffff, v2;
	v9 =	vcvt.f32.s32 v10;
	v10 =	vcvt.f32.s32 v17  }
0x289: {  	v11 =	vshll.u32 v11, $0x4;
	v17 =	vmul.f32 $2.550000000e+02, v18;
	v18 =	vmul.f32 $2.550000000e+02, v21;
	v21 =	vld [tilespmem:s23+$0x8830]  }
0x28a: {  	v16 =	vmul.f32 $2.550000000e+02, v16;
	v10 =	vshll.u32 v10, $0x4;
	v22 =	vmul.f32 $2.550000000e+02, v22  }
0x28b: {  	v13 =	vcvt.f32.s32 v13;
	v9 =	vshll.u32 v9, $0x4;
	v18 =	vtrunc.f32 v18;
	v25 =	vld [tilespmem:s23+$0x8840]  }
0x28c: {  	[tilespmem:v8+s14+$0x0] =	vst.idx.add.f32.msk $0xffff, v2;
	v8 =	vcvt.f32.s32 v15;
	v15 =	vcvt.f32.s32 v18  }
0x28d: {  	[tilespmem:v6+s14+$0x0] =	vst.idx.add.f32.msk $0xffff, v2;
	v6 =	vadd.s32 v3, v9;
	v9 =	vtrunc.f32 v12;
	v12 =	vtrunc.f32 v22  }
0x28e: {  	v17 =	vtrunc.f32 v17;
	v8 =	vshll.u32 v8, $0x4;
	v15 =	vshll.u32 v15, $0x4;
	v18 =	vld [tilespmem:s23+$0x8850]  }
0x28f: {  	v19 =	vmul.f32 $2.550000000e+02, v19;
	v9 =	vcvt.f32.s32 v9;
	v15 =	vadd.s32 v3, v15;
	v22 =	vld [tilespmem:s23+$0x8C60]  }
0x290: {  	v20 =	vmul.f32 $2.550000000e+02, v20;
	v8 =	vadd.s32 v3, v8;
	v25 =	vmul.f32 $2.550000000e+02, v25;
	v26 =	vld [tilespmem:s23+$0x8860]  }
0x291: {  	[tilespmem:v7+s14+$0x0] =	vst.idx.add.f32.msk $0xffff, v2;
	v7 =	vshll.u32 v9, $0x4;
	v9 =	vtrunc.f32 v16;
	v16 =	vtrunc.f32 v19  }
0x292: {  	[tilespmem:v6+s14+$0x0] =	vst.idx.add.f32.msk $0xffff, v2;
	v6 =	vadd.s32 v3, v7;
	v7 =	vcvt.f32.s32 v9;
	v9 =	vtrunc.f32 v25  }
0x293: {  	v13 =	vshll.u32 v13, $0x4;
	v19 =	vtrunc.f32 v20;
	v9 =	vcvt.f32.s32 v9;
	v20 =	vld [tilespmem:s23+$0x8870]  }
0x294: {  	v13 =	vadd.s32 v3, v13;
	v12 =	vcvt.f32.s32 v12;
	[tilespmem:v15+s14+$0x0] =	vst.idx.add.f32.msk $0xffff, v2;
	v15 =	vmul.f32 $2.550000000e+02, v21  }
0x295: {  	[tilespmem:v8+s14+$0x0] =	vst.idx.add.f32.msk $0xffff, v2;
	v8 =	vmul.f32 $2.550000000e+02, v23;
	v9 =	vshll.u32 v9, $0x4;
	v21 =	vmul.f32 $2.550000000e+02, v26  }
0x296: {  	v17 =	vcvt.f32.s32 v17;
	v15 =	vtrunc.f32 v15;
	v9 =	vadd.s32 v3, v9;
	v23 =	vld [tilespmem:s23+$0x8C70]  }
0x297: {  	[tilespmem:v6+s14+$0x0] =	vst.idx.add.f32.msk $0xffff, v2;
	v6 =	vadd.s32 v3, v10;
	v10 =	vmul.f32 $2.550000000e+02, v24;
	v21 =	vtrunc.f32 v21  }
0x298: {  	v14 =	vtrunc.f32 v14;
	v7 =	vshll.u32 v7, $0x4;
	v20 =	vmul.f32 $2.550000000e+02, v20  }
0x299: {  	v11 =	vadd.s32 v3, v11;
	[tilespmem:v13+s14+$0x0] =	vst.idx.add.f32.msk $0xffff, v2;
	v13 =	vcvt.f32.s32 v14;
	v14 =	vcvt.f32.s32 v16  }
0x29a: {  	v22 =	vmul.f32 $2.550000000e+02, v22;
	v7 =	vadd.s32 v3, v7;
	v16 =	vtrunc.f32 v20;
	v20 =	vld [tilespmem:s23+$0x8C00]  }
0x29b: {  	v10 =	vtrunc.f32 v10;
	v13 =	vshll.u32 v13, $0x4;
	[tilespmem:v9+s14+$0x0] =	vst.idx.add.f32.msk $0xffff, v2;
	v9 =	vcvt.f32.s32 v16  }
0x29c: {  	v13 =	vadd.s32 v3, v13;
	[tilespmem:v6+s14+$0x0] =	vst.idx.add.f32.msk $0xffff, v2;
	v6 =	vshll.u32 v12, $0x4;
	v12 =	vcvt.f32.s32 v21  }
0x29d: {  	v10 =	vcvt.f32.s32 v10;
	v16 =	vmul.f32 $2.550000000e+02, v18;
	v9 =	vshll.u32 v9, $0x4;
	v18 =	vld [tilespmem:s23+$0x8C10]  }
0x29e: {  	[tilespmem:v11+s14+$0x0] =	vst.idx.add.f32.msk $0xffff, v2;
	v11 =	vcvt.f32.s32 v15;
	v9 =	vadd.s32 v3, v9;
	v15 =	vtrunc.f32 v22  }
0x29f: {  	v19 =	vcvt.f32.s32 v19;
	v10 =	vshll.u32 v10, $0x4;
	v20 =	vmul.f32 $2.550000000e+02, v20;
	v21 =	vld [tilespmem:s23+$0x8C20]  }
0x2a0: {  	[tilespmem:v7+s14+$0x0] =	vst.idx.add.f32.msk $0xffff, v2;
	v7 =	vadd.s32 v3, v10;
	v10 =	vcvt.f32.s32 v15;
	v15 =	vmul.f32 $2.550000000e+02, v23  }
0x2a1: {  	v17 =	vshll.u32 v17, $0x4;
	v16 =	vtrunc.f32 v16;
	v20 =	vtrunc.f32 v20  }
0x2a2: {  	v19 =	vshll.u32 v19, $0x4;
	v20 =	vcvt.f32.s32 v20;
	v18 =	vmul.f32 $2.550000000e+02, v18;
	v22 =	vld [tilespmem:s23+$0x8C30]  }
0x2a3: {  	v6 =	vadd.s32 v3, v6;
	v16 =	vcvt.f32.s32 v16;
	[tilespmem:v9+s14+$0x0] =	vst.idx.add.f32.msk $0xffff, v2;
	v9 =	vtrunc.f32 v15  }
0x2a4: {  	v15 =	vadd.s32 v3, v19;
	v19 =	vshll.u32 v20, $0x4;
	v20 =	vmul.f32 $2.550000000e+02, v21;
	v21 =	vld [tilespmem:s23+$0x8C40]  }
0x2a5: {  	v18 =	vtrunc.f32 v18;
	v9 =	vcvt.f32.s32 v9;
	[tilespmem:v7+s14+$0x0] =	vst.idx.add.f32.msk $0xffff, v2;
	v7 =	vadd.s32 v3, v19  }
0x2a6: {  	v12 =	vshll.u32 v12, $0x4;
	v18 =	vcvt.f32.s32 v18;
	v19 =	vtrunc.f32 v20;
	v20 =	vld [tilespmem:s23+$0x8C50]  }
0x2a7: {  	v9 =	vshll.u32 v9, $0x4;
	[tilespmem:v13+s14+$0x0] =	vst.idx.add.f32.msk $0xffff, v2;
	v13 =	vshll.u32 v16, $0x4;
	v16 =	vcvt.f32.s32 v19  }
0x2a8: {  	v17 =	vadd.s32 v3, v17;
	v18 =	vshll.u32 v18, $0x4;
	v19 =	vmul.f32 $2.550000000e+02, v22  }
0x2a9: {  	[tilespmem:v6+s14+$0x0] =	vst.idx.add.f32.msk $0xffff, v2;
	v6 =	vadd.s32 v3, v12;
	v12 =	vshll.u32 v16, $0x4;
	v16 =	vmul.f32 $2.550000000e+02, v21  }
0x2aa: {  	v11 =	vshll.u32 v11, $0x4;
	[tilespmem:v7+s14+$0x0] =	vst.idx.add.f32.msk $0xffff, v2;
	v7 =	vadd.s32 v3, v18;
	v12 =	vadd.s32 v3, v12  }
0x2ab: {  	v13 =	vadd.s32 v3, v13;
	[tilespmem:v15+s14+$0x0] =	vst.idx.add.f32.msk $0xffff, v2;
	v15 =	vtrunc.f32 v16;
	v16 =	vmul.f32 $2.550000000e+02, v20  }
0x2ac: {  	v11 =	vadd.s32 v3, v11;
	v18 =	vtrunc.f32 v19;
	v15 =	vcvt.f32.s32 v15  }
0x2ad: {  	v8 =	vtrunc.f32 v8;
	v14 =	vshll.u32 v14, $0x4;
	[tilespmem:v17+s14+$0x0] =	vst.idx.add.f32.msk $0xffff, v2;
	v16 =	vtrunc.f32 v16  }
0x2ae: {  	v9 =	vadd.s32 v3, v9;
	[tilespmem:v6+s14+$0x0] =	vst.idx.add.f32.msk $0xffff, v2;
	v6 =	vshll.u32 v15, $0x4;
	v15 =	vcvt.f32.s32 v16  }
0x2af: {  	v8 =	vcvt.f32.s32 v8;
	[tilespmem:v12+s14+$0x0] =	vst.idx.add.f32.msk $0xffff, v2;
	v12 =	vadd.s32 v3, v6;
	v6 =	vshll.u32 v10, $0x4  }
0x2b0: {  	v10 =	vadd.s32 v3, v14;
	[tilespmem:v7+s14+$0x0] =	vst.idx.add.f32.msk $0xffff, v2;
	v7 =	vcvt.f32.s32 v18;
	v14 =	vshll.u32 v15, $0x4  }
0x2b1: {  	v8 =	vshll.u32 v8, $0x4;
	[tilespmem:v11+s14+$0x0] =	vst.idx.add.f32.msk $0xffff, v2;
	v11 =	vadd.s32 v3, v14  }
0x2b2: {  	v8 =	vadd.s32 v3, v8;
	[tilespmem:v13+s14+$0x0] =	vst.idx.add.f32.msk $0xffff, v2;
	v7 =	vshll.u32 v7, $0x4  }
0x2b3: {  	v13 =	vadd.s32 v3, v6;
	[tilespmem:v9+s14+$0x0] =	vst.idx.add.f32.msk $0xffff, v2  }
.Ltmp5:
0x2b4: {  	v6 =	vadd.s32 v3, v7;
	[tilespmem:v12+s14+$0x0] =	vst.idx.add.f32.msk $0xffff, v2;
	(pc) =	sbr.rel @p0 .LBB2_12-.Ltmp5, $4  }
0x2b5: {  	[tilespmem:v10+s14+$0x0] =	vst.idx.add.f32.msk $0xffff, v2  }
0x2b6: {  	[tilespmem:v11+s14+$0x0] =	vst.idx.add.f32.msk $0xffff, v2  }
0x2b7: {  	[tilespmem:v8+s14+$0x0] =	vst.idx.add.f32.msk $0xffff, v2  }
0x2b8: {  	s21 =	sadd.s32 $0x80, s21;
	s24 =	smov.u32 s22;
	[tilespmem:v13+s14+$0x0] =	vst.idx.add.f32.msk $0xffff, v2  }
0x2b9: {  	_ =	sdelay $0x3  }
0x2ba: {  	[tilespmem:v6+s14+$0x0] =	vst.idx.add.f32.msk $0xffff, v2;
	s21 =	simm.s32 $0x0;
	s22 =	simm.s32 $0x0  }
0x2bb: {  	[tilespmem:s12], [sflag:$0x2] =	stream.linear.gather [hbm4b:s9+s21], $0x8000, $0x38;
	[tilespmem:$0x16600] =	vst v63  }
.LBB2_14:
0x2bc: {  	_ =	swait.ge [sflag:s13], $0x8000  }
0x2bd: {  	s23 =	sand.u32 $0x7000, s21;
	s24 =	sand.u32 $0x380, s21;
	[sflag:s13] =	ssyncset.done $0x0  }
0x2be: {  	s23 =	sor.u32 s24, s23;
	[sflag:s13] =	ssyncadd.s32 $0xFFFF8000  }
0x2bf: {  	v6 =	vld [tilespmem:s23+$0x0]  }
0x2c0: {  	v7 =	vld [tilespmem:s23+$0x10]  }
0x2c1: {  	v8 =	vld [tilespmem:s23+$0x20]  }
0x2c2: {  	v9 =	vld [tilespmem:s23+$0x30]  }
0x2c3: {  	v10 =	vld [tilespmem:s23+$0x40]  }
0x2c4: {  	v11 =	vld [tilespmem:s23+$0x50]  }
0x2c5: {  	v12 =	vld [tilespmem:s23+$0x60]  }
0x2c6: {  	v13 =	vld [tilespmem:s23+$0x70]  }
0x2c7: {  	v15 =	vld [tilespmem:s23+$0x410]  }
0x2c8: {  	v16 =	vld [tilespmem:s23+$0x400]  }
0x2c9: {  	v17 =	vld [tilespmem:s23+$0x430]  }
0x2ca: {  	v18 =	vld [tilespmem:s23+$0x420]  }
0x2cb: {  	v19 =	vld [tilespmem:s23+$0x440]  }
0x2cc: {  	v20 =	vld [tilespmem:s23+$0x470]  }
0x2cd: {  	v21 =	vld [tilespmem:s23+$0x800]  }
0x2ce: {  	v22 =	vld [tilespmem:s23+$0x450]  }
0x2cf: {  	v23 =	vld [tilespmem:s23+$0x460]  }
0x2d0: {  	v24 =	vld [tilespmem:s23+$0x810]  }
0x2d1: {  	v25 =	vld [tilespmem:s23+$0x840];
	v6 =	vmul.f32 $2.550000000e+02, v6  }
0x2d2: {  	v26 =	vld [tilespmem:s23+$0x820];
	v7 =	vmul.f32 $2.550000000e+02, v7;
	v8 =	vmul.f32 $2.550000000e+02, v8  }
0x2d3: {  	v57 =	vld [tilespmem:s23+$0x860];
	v9 =	vmul.f32 $2.550000000e+02, v9;
	v10 =	vmul.f32 $2.550000000e+02, v10  }
0x2d4: {  	v27 =	vld [tilespmem:s23+$0x870];
	v11 =	vmul.f32 $2.550000000e+02, v11;
	v13 =	vmul.f32 $2.550000000e+02, v13  }
0x2d5: {  	v62 =	vld [tilespmem:s23+$0xC60];
	v15 =	vmul.f32 $2.550000000e+02, v15;
	v12 =	vmul.f32 $2.550000000e+02, v12  }
0x2d6: {  	v32 =	vld [tilespmem:s23+$0xC70];
	v17 =	vmul.f32 $2.550000000e+02, v17;
	v16 =	vmul.f32 $2.550000000e+02, v16  }
0x2d7: {  	v33 =	vld [tilespmem:s23+$0xC00];
	v19 =	vmul.f32 $2.550000000e+02, v19;
	v20 =	vmul.f32 $2.550000000e+02, v20  }
0x2d8: {  	v37 =	vld [tilespmem:s23+$0xC10];
	v18 =	vmul.f32 $2.550000000e+02, v18;
	v21 =	vmul.f32 $2.550000000e+02, v21  }
0x2d9: {  	v38 =	vld [tilespmem:s23+$0xC20];
	v54 =	vmul.f32 $2.550000000e+02, v22;
	v55 =	vmul.f32 $2.550000000e+02, v23  }
0x2da: {  	v46 =	vld [tilespmem:s23+$0xC30];
	v56 =	vmul.f32 $2.550000000e+02, v25;
	v24 =	vmul.f32 $2.550000000e+02, v24  }
0x2db: {  	v25 =	vmul.f32 $2.550000000e+02, v57;
	v28 =	vmul.f32 $2.550000000e+02, v26  }
0x2dc: {  	v31 =	vmul.f32 $2.550000000e+02, v27;
	v34 =	vmul.f32 $2.550000000e+02, v62  }
0x2dd: {  	v39 =	vmul.f32 $2.550000000e+02, v33;
	v41 =	vmul.f32 $2.550000000e+02, v32  }
0x2de: {  	v43 =	vmul.f32 $2.550000000e+02, v37;
	v44 =	vmul.f32 $2.550000000e+02, v38  }
0x2df: {  	v62 =	vmul.f32 $2.550000000e+02, v46;
	v6 =	vtrunc.f32 v6  }
0x2e0: {  	v7 =	vtrunc.f32 v7;
	v9 =	vtrunc.f32 v9  }
0x2e1: {  	v8 =	vtrunc.f32 v8;
	v10 =	vtrunc.f32 v10  }
0x2e2: {  	v13 =	vtrunc.f32 v13;
	v11 =	vtrunc.f32 v11  }
0x2e3: {  	v60 =	vld [tilespmem:s23+$0x850];
	v15 =	vtrunc.f32 v15;
	v17 =	vtrunc.f32 v17  }
0x2e4: {  	v47 =	vld [tilespmem:s23+$0xC50];
	v20 =	vtrunc.f32 v20;
	v12 =	vtrunc.f32 v12  }
0x2e5: {  	v21 =	vtrunc.f32 v21;
	v19 =	vtrunc.f32 v19  }
0x2e6: {  	v59 =	vtrunc.f32 v18;
	v23 =	vtrunc.f32 v56  }
0x2e7: {  	v22 =	vtrunc.f32 v55;
	v29 =	vtrunc.f32 v25  }
0x2e8: {  	v16 =	vtrunc.f32 v16;
	v18 =	vmul.f32 $2.550000000e+02, v60  }
0x2e9: {  	v55 =	vmul.f32 $2.550000000e+02, v47;
	v57 =	vtrunc.f32 v24  }
0x2ea: {  	s31 =	sshll.u32 s22, $0xA;
	v14 =	vcvt.f32.s32 v6;
	v7 =	vcvt.f32.s32 v7  }
0x2eb: {  	s24 =	sand.u32 $0x3000, s31;
	v9 =	vcvt.f32.s32 v9;
	v8 =	vcvt.f32.s32 v8  }
0x2ec: {  	s24 =	sadd.s32 $0x3000, s24;
	v52 =	vld [tilespmem:s23+$0x830];
	v11 =	vcvt.f32.s32 v11;
	v10 =	vcvt.f32.s32 v10  }
0x2ed: {  	v6 =	vor.u32 s24, v1;
	v17 =	vcvt.f32.s32 v17;
	v13 =	vcvt.f32.s32 v13  }
0x2ee: {  	v15 =	vcvt.f32.s32 v15;
	v51 =	vcvt.f32.s32 v20;
	v7 =	vshll.u32 v7, $0x4  }
0x2ef: {  	v53 =	vcvt.f32.s32 v12;
	v12 =	vtrunc.f32 v54;
	v7 =	vadd.s32 v6, v7  }
0x2f0: {  	v45 =	vld [tilespmem:s23+$0xC40];
	v23 =	vcvt.f32.s32 v23;
	v61 =	vcvt.f32.s32 v21  }
0x2f1: {  	v20 =	vmul.f32 $2.550000000e+02, v52;
	v19 =	vcvt.f32.s32 v19  }
0x2f2: {  	v16 =	vcvt.f32.s32 v16;
	v36 =	vcvt.f32.s32 v29;
	v9 =	vshll.u32 v9, $0x4  }
0x2f3: {  	v40 =	vcvt.f32.s32 v22;
	v8 =	vshll.u32 v8, $0x4;
	v9 =	vadd.s32 v6, v9  }
0x2f4: {  	v22 =	vtrunc.f32 v41;
	v8 =	vadd.s32 v6, v8;
	[tilespmem:v7+s14+$0x0] =	vst.idx.add.f32.msk $0xffff, v2;
	v7 =	vshll.u32 v13, $0x4  }
0x2f5: {  	v52 =	vmul.f32 $2.550000000e+02, v45;
	v14 =	vshll.u32 v14, $0x4;
	v7 =	vadd.s32 v6, v7  }
0x2f6: {  	v12 =	vcvt.f32.s32 v12;
	v10 =	vshll.u32 v10, $0x4;
	v14 =	vadd.s32 v6, v14  }
0x2f7: {  	v18 =	vtrunc.f32 v18;
	v15 =	vshll.u32 v15, $0x4;
	v10 =	vadd.s32 v6, v10  }
0x2f8: {  	v48 =	vcvt.f32.s32 v22;
	v17 =	vshll.u32 v17, $0x4;
	v58 =	vadd.s32 v6, v15;
	[tilespmem:v9+s14+$0x0] =	vst.idx.add.f32.msk $0xffff, v2  }
0x2f9: {  	v11 =	vshll.u32 v11, $0x4;
	v16 =	vshll.u32 v16, $0x4;
	v30 =	vadd.s32 v6, v17;
	[tilespmem:v8+s14+$0x0] =	vst.idx.add.f32.msk $0xffff, v2  }
0x2fa: {  	v15 =	vcvt.f32.s32 v59;
	v11 =	vadd.s32 v6, v11;
	[tilespmem:v7+s14+$0x0] =	vst.idx.add.f32.msk $0xffff, v2;
	v7 =	vtrunc.f32 v28  }
0x2fb: {  	v35 =	vadd.s32 v6, v16;
	v16 =	vshll.u32 v36, $0x4;
	[tilespmem:v14+s14+$0x0] =	vst.idx.add.f32.msk $0xffff, v2;
	v7 =	vcvt.f32.s32 v7  }
0x2fc: {  	v63 =	vshll.u32 v23, $0x4;
	v50 =	vadd.s32 v6, v16;
	v15 =	vshll.u32 v15, $0x4;
	[tilespmem:v10+s14+$0x0] =	vst.idx.add.f32.msk $0xffff, v2  }
0x2fd: {  	v20 =	vtrunc.f32 v20;
	v15 =	vadd.s32 v6, v15;
	[tilespmem:v58+s14+$0x0] =	vst.idx.add.f32.msk $0xffff, v2;
	v7 =	vshll.u32 v7, $0x4  }
0x2fe: {  	v18 =	vcvt.f32.s32 v18;
	v9 =	vshll.u32 v53, $0x4;
	[tilespmem:v30+s14+$0x0] =	vst.idx.add.f32.msk $0xffff, v2;
	v7 =	vadd.s32 v6, v7  }
0x2ff: {  	v17 =	vtrunc.f32 v31;
	v8 =	vshll.u32 v51, $0x4;
	[tilespmem:v11+s14+$0x0] =	vst.idx.add.f32.msk $0xffff, v2;
	v9 =	vadd.s32 v6, v9  }
0x300: {  	v12 =	vshll.u32 v12, $0x4;
	v17 =	vcvt.f32.s32 v17;
	[tilespmem:v35+s14+$0x0] =	vst.idx.add.f32.msk $0xffff, v2;
	v8 =	vadd.s32 v6, v8  }
0x301: {  	v42 =	vshll.u32 v19, $0x4;
	v49 =	vshll.u32 v18, $0x4;
	v12 =	vadd.s32 v6, v12;
	[tilespmem:v50+s14+$0x0] =	vst.idx.add.f32.msk $0xffff, v2  }
0x302: {  	v56 =	vadd.s32 v6, v49;
	v17 =	vshll.u32 v17, $0x4;
	[tilespmem:v15+s14+$0x0] =	vst.idx.add.f32.msk $0xffff, v2;
	v15 =	vtrunc.f32 v43  }
0x303: {  	v19 =	vtrunc.f32 v44;
	v17 =	vadd.s32 v6, v17;
	[tilespmem:v7+s14+$0x0] =	vst.idx.add.f32.msk $0xffff, v2;
	v7 =	vcvt.f32.s32 v15  }
0x304: {  	v54 =	vtrunc.f32 v52;
	v11 =	vadd.s32 v6, v42;
	[tilespmem:v9+s14+$0x0] =	vst.idx.add.f32.msk $0xffff, v2;
	v9 =	vtrunc.f32 v39  }
0x305: {  	[tilespmem:v8+s14+$0x0] =	vst.idx.add.f32.msk $0xffff, v2;
	v8 =	vadd.s32 v6, v63;
	v9 =	vcvt.f32.s32 v9;
	v7 =	vshll.u32 v7, $0x4  }
0x306: {  	v19 =	vcvt.f32.s32 v19;
	v13 =	vshll.u32 v61, $0x4;
	[tilespmem:v12+s14+$0x0] =	vst.idx.add.f32.msk $0xffff, v2;
	v7 =	vadd.s32 v6, v7  }
0x307: {  	v14 =	vshll.u32 v40, $0x4;
	v13 =	vadd.s32 v6, v13;
	[tilespmem:v56+s14+$0x0] =	vst.idx.add.f32.msk $0xffff, v2;
	v9 =	vshll.u32 v9, $0x4  }
0x308: {  	v51 =	vshll.u32 v19, $0x4;
	v58 =	vtrunc.f32 v55;
	[tilespmem:v17+s14+$0x0] =	vst.idx.add.f32.msk $0xffff, v2;
	v9 =	vadd.s32 v6, v9  }
0x309: {  	v14 =	vadd.s32 v6, v14;
	v59 =	vcvt.f32.s32 v58;
	v17 =	vshll.u32 v48, $0x4;
	[tilespmem:v11+s14+$0x0] =	vst.idx.add.f32.msk $0xffff, v2  }
0x30a: {  	v20 =	vcvt.f32.s32 v20;
	v16 =	vadd.s32 v6, v51;
	v60 =	vadd.s32 v6, v17;
	[tilespmem:v8+s14+$0x0] =	vst.idx.add.f32.msk $0xffff, v2  }
0x30b: {  	v11 =	vcvt.f32.s32 v57;
	v8 =	vtrunc.f32 v34;
	[tilespmem:v7+s14+$0x0] =	vst.idx.add.f32.msk $0xffff, v2;
	v7 =	vshll.u32 v59, $0x4  }
0x30c: {  	v53 =	vshll.u32 v20, $0x4;
	[tilespmem:v13+s14+$0x0] =	vst.idx.add.f32.msk $0xffff, v2;
	v8 =	vcvt.f32.s32 v8;
	v7 =	vadd.s32 v6, v7  }
0x30d: {  	v13 =	vadd.s32 v6, v53;
	v61 =	vshll.u32 v11, $0x4;
	[tilespmem:v9+s14+$0x0] =	vst.idx.add.f32.msk $0xffff, v2;
	v9 =	vcvt.f32.s32 v54  }
0x30e: {  	[tilespmem:v14+s14+$0x0] =	vst.idx.add.f32.msk $0xffff, v2;
	v11 =	vtrunc.f32 v62;
	v10 =	vadd.s32 v6, v61;
	v8 =	vshll.u32 v8, $0x4  }
0x30f: {  	[tilespmem:v16+s14+$0x0] =	vst.idx.add.f32.msk $0xffff, v2;
	v63 =	vcvt.f32.s32 v11;
	v8 =	vadd.s32 v6, v8;
	v9 =	vshll.u32 v9, $0x4  }
0x310: {  	[tilespmem:v60+s14+$0x0] =	vst.idx.add.f32.msk $0xffff, v2;
	v9 =	vadd.s32 v6, v9  }
0x311: {  	[tilespmem:v7+s14+$0x0] =	vst.idx.add.f32.msk $0xffff, v2;
	v7 =	vshll.u32 v63, $0x4  }
0x312: {  	[tilespmem:v13+s14+$0x0] =	vst.idx.add.f32.msk $0xffff, v2;
	v7 =	vadd.s32 v6, v7  }
0x313: {  	[tilespmem:v10+s14+$0x0] =	vst.idx.add.f32.msk $0xffff, v2  }
0x314: {  	[tilespmem:v8+s14+$0x0] =	vst.idx.add.f32.msk $0xffff, v2  }
0x315: {  	s26 =	simm.s32 $0x200;
	s23 =	simm.s32 $0x80;
	[tilespmem:v9+s14+$0x0] =	vst.idx.add.f32.msk $0xffff, v2  }
.LBB2_15:
0x316: {  	s24 =	smov.u32 s26  }
0x317: {  	s25 =	sand.u32 $0x7000, s26;
	s28 =	sand.u32 $0x380, s23;
	[tilespmem:v7+s14+$0x0] =	vst.idx.add.f32.msk $0xffff, v2;
	s24 =	sadd.s32 $0x200, s26  }
0x318: {  	p0 =	sne.s32 s26, $0x7E00;
	s25 =	sor.u32 s28, s25  }
0x319: {  	v7 =	vld [tilespmem:s25+$0x0]  }
0x31a: {  	v8 =	vld [tilespmem:s25+$0x10]  }
0x31b: {  	v9 =	vld [tilespmem:s25+$0x20]  }
0x31c: {  	v10 =	vld [tilespmem:s25+$0x30]  }
0x31d: {  	v11 =	vld [tilespmem:s25+$0x40]  }
0x31e: {  	v7 =	vmul.f32 $2.550000000e+02, v7;
	v12 =	vld [tilespmem:s25+$0x50]  }
0x31f: {  	v8 =	vmul.f32 $2.550000000e+02, v8;
	v13 =	vld [tilespmem:s25+$0x60]  }
0x320: {  	v7 =	vtrunc.f32 v7;
	v9 =	vmul.f32 $2.550000000e+02, v9;
	v14 =	vld [tilespmem:s25+$0x70]  }
0x321: {  	v8 =	vtrunc.f32 v8;
	v10 =	vmul.f32 $2.550000000e+02, v10;
	v15 =	vld [tilespmem:s25+$0x400]  }
0x322: {  	v7 =	vcvt.f32.s32 v7;
	v11 =	vmul.f32 $2.550000000e+02, v11;
	v16 =	vld [tilespmem:s25+$0x410]  }
0x323: {  	v8 =	vcvt.f32.s32 v8;
	v10 =	vtrunc.f32 v10;
	v17 =	vld [tilespmem:s25+$0x420]  }
0x324: {  	v7 =	vshll.u32 v7, $0x4;
	v12 =	vmul.f32 $2.550000000e+02, v12;
	v10 =	vcvt.f32.s32 v10;
	v18 =	vld [tilespmem:s25+$0x430]  }
0x325: {  	v9 =	vtrunc.f32 v9;
	v8 =	vshll.u32 v8, $0x4;
	v11 =	vtrunc.f32 v11;
	v19 =	vld [tilespmem:s25+$0x440]  }
0x326: {  	v8 =	vadd.s32 v6, v8;
	v14 =	vmul.f32 $2.550000000e+02, v14;
	v10 =	vshll.u32 v10, $0x4;
	v20 =	vld [tilespmem:s25+$0x450]  }
0x327: {  	v9 =	vcvt.f32.s32 v9;
	v10 =	vadd.s32 v6, v10;
	v16 =	vmul.f32 $2.550000000e+02, v16;
	v21 =	vld [tilespmem:s25+$0x460]  }
0x328: {  	v13 =	vmul.f32 $2.550000000e+02, v13;
	v14 =	vtrunc.f32 v14;
	v22 =	vld [tilespmem:s25+$0x470]  }
0x329: {  	v9 =	vshll.u32 v9, $0x4;
	v12 =	vtrunc.f32 v12;
	v18 =	vmul.f32 $2.550000000e+02, v18;
	v23 =	vld [tilespmem:s25+$0x800]  }
0x32a: {  	v15 =	vmul.f32 $2.550000000e+02, v15;
	v16 =	vtrunc.f32 v16;
	v24 =	vld [tilespmem:s25+$0x810]  }
0x32b: {  	v9 =	vadd.s32 v6, v9;
	v12 =	vcvt.f32.s32 v12;
	v18 =	vtrunc.f32 v18;
	v25 =	vld [tilespmem:s25+$0x820]  }
0x32c: {  	v7 =	vadd.s32 v6, v7;
	[tilespmem:v10+s14+$0x0] =	vst.idx.add.f32.msk $0xffff, v2;
	v10 =	vcvt.f32.s32 v11;
	v11 =	vcvt.f32.s32 v18  }
0x32d: {  	v12 =	vshll.u32 v12, $0x4;
	v18 =	vmul.f32 $2.550000000e+02, v19;
	v19 =	vmul.f32 $2.550000000e+02, v22;
	v22 =	vld [tilespmem:s25+$0x830]  }
0x32e: {  	v17 =	vmul.f32 $2.550000000e+02, v17;
	v11 =	vshll.u32 v11, $0x4;
	v23 =	vmul.f32 $2.550000000e+02, v23  }
0x32f: {  	v14 =	vcvt.f32.s32 v14;
	v10 =	vshll.u32 v10, $0x4;
	v19 =	vtrunc.f32 v19;
	v26 =	vld [tilespmem:s25+$0x840]  }
0x330: {  	[tilespmem:v9+s14+$0x0] =	vst.idx.add.f32.msk $0xffff, v2;
	v9 =	vcvt.f32.s32 v16;
	v16 =	vcvt.f32.s32 v19  }
0x331: {  	[tilespmem:v7+s14+$0x0] =	vst.idx.add.f32.msk $0xffff, v2;
	v7 =	vadd.s32 v6, v10;
	v10 =	vtrunc.f32 v13;
	v13 =	vtrunc.f32 v23  }
0x332: {  	v18 =	vtrunc.f32 v18;
	v9 =	vshll.u32 v9, $0x4;
	v16 =	vshll.u32 v16, $0x4;
	v19 =	vld [tilespmem:s25+$0x850]  }
0x333: {  	v20 =	vmul.f32 $2.550000000e+02, v20;
	v10 =	vcvt.f32.s32 v10;
	v16 =	vadd.s32 v6, v16;
	v23 =	vld [tilespmem:s25+$0xC60]  }
0x334: {  	v21 =	vmul.f32 $2.550000000e+02, v21;
	v9 =	vadd.s32 v6, v9;
	v26 =	vmul.f32 $2.550000000e+02, v26;
	v27 =	vld [tilespmem:s25+$0x860]  }
0x335: {  	[tilespmem:v8+s14+$0x0] =	vst.idx.add.f32.msk $0xffff, v2;
	v8 =	vshll.u32 v10, $0x4;
	v10 =	vtrunc.f32 v17;
	v17 =	vtrunc.f32 v20  }
0x336: {  	[tilespmem:v7+s14+$0x0] =	vst.idx.add.f32.msk $0xffff, v2;
	v7 =	vadd.s32 v6, v8;
	v8 =	vcvt.f32.s32 v10;
	v10 =	vtrunc.f32 v26  }
0x337: {  	v14 =	vshll.u32 v14, $0x4;
	v20 =	vtrunc.f32 v21;
	v10 =	vcvt.f32.s32 v10;
	v21 =	vld [tilespmem:s25+$0x870]  }
0x338: {  	v14 =	vadd.s32 v6, v14;
	v13 =	vcvt.f32.s32 v13;
	[tilespmem:v16+s14+$0x0] =	vst.idx.add.f32.msk $0xffff, v2;
	v16 =	vmul.f32 $2.550000000e+02, v22  }
0x339: {  	[tilespmem:v9+s14+$0x0] =	vst.idx.add.f32.msk $0xffff, v2;
	v9 =	vmul.f32 $2.550000000e+02, v24;
	v10 =	vshll.u32 v10, $0x4;
	v22 =	vmul.f32 $2.550000000e+02, v27  }
0x33a: {  	v18 =	vcvt.f32.s32 v18;
	v16 =	vtrunc.f32 v16;
	v10 =	vadd.s32 v6, v10;
	v24 =	vld [tilespmem:s25+$0xC70]  }
0x33b: {  	[tilespmem:v7+s14+$0x0] =	vst.idx.add.f32.msk $0xffff, v2;
	v7 =	vadd.s32 v6, v11;
	v11 =	vmul.f32 $2.550000000e+02, v25;
	v22 =	vtrunc.f32 v22  }
0x33c: {  	v15 =	vtrunc.f32 v15;
	v8 =	vshll.u32 v8, $0x4;
	v21 =	vmul.f32 $2.550000000e+02, v21  }
0x33d: {  	v12 =	vadd.s32 v6, v12;
	[tilespmem:v14+s14+$0x0] =	vst.idx.add.f32.msk $0xffff, v2;
	v14 =	vcvt.f32.s32 v15;
	v15 =	vcvt.f32.s32 v17  }
0x33e: {  	v23 =	vmul.f32 $2.550000000e+02, v23;
	v8 =	vadd.s32 v6, v8;
	v17 =	vtrunc.f32 v21;
	v21 =	vld [tilespmem:s25+$0xC00]  }
0x33f: {  	v11 =	vtrunc.f32 v11;
	v14 =	vshll.u32 v14, $0x4;
	[tilespmem:v10+s14+$0x0] =	vst.idx.add.f32.msk $0xffff, v2;
	v10 =	vcvt.f32.s32 v17  }
0x340: {  	v14 =	vadd.s32 v6, v14;
	[tilespmem:v7+s14+$0x0] =	vst.idx.add.f32.msk $0xffff, v2;
	v7 =	vshll.u32 v13, $0x4;
	v13 =	vcvt.f32.s32 v22  }
0x341: {  	v11 =	vcvt.f32.s32 v11;
	v17 =	vmul.f32 $2.550000000e+02, v19;
	v10 =	vshll.u32 v10, $0x4;
	v19 =	vld [tilespmem:s25+$0xC10]  }
0x342: {  	[tilespmem:v12+s14+$0x0] =	vst.idx.add.f32.msk $0xffff, v2;
	v12 =	vcvt.f32.s32 v16;
	v10 =	vadd.s32 v6, v10;
	v16 =	vtrunc.f32 v23  }
0x343: {  	v20 =	vcvt.f32.s32 v20;
	v11 =	vshll.u32 v11, $0x4;
	v21 =	vmul.f32 $2.550000000e+02, v21;
	v22 =	vld [tilespmem:s25+$0xC20]  }
0x344: {  	[tilespmem:v8+s14+$0x0] =	vst.idx.add.f32.msk $0xffff, v2;
	v8 =	vadd.s32 v6, v11;
	v11 =	vcvt.f32.s32 v16;
	v16 =	vmul.f32 $2.550000000e+02, v24  }
0x345: {  	v18 =	vshll.u32 v18, $0x4;
	v17 =	vtrunc.f32 v17;
	v21 =	vtrunc.f32 v21  }
0x346: {  	v20 =	vshll.u32 v20, $0x4;
	v21 =	vcvt.f32.s32 v21;
	v19 =	vmul.f32 $2.550000000e+02, v19;
	v23 =	vld [tilespmem:s25+$0xC30]  }
0x347: {  	v7 =	vadd.s32 v6, v7;
	v17 =	vcvt.f32.s32 v17;
	[tilespmem:v10+s14+$0x0] =	vst.idx.add.f32.msk $0xffff, v2;
	v10 =	vtrunc.f32 v16  }
0x348: {  	v16 =	vadd.s32 v6, v20;
	v20 =	vshll.u32 v21, $0x4;
	v21 =	vmul.f32 $2.550000000e+02, v22;
	v22 =	vld [tilespmem:s25+$0xC40]  }
0x349: {  	v19 =	vtrunc.f32 v19;
	v10 =	vcvt.f32.s32 v10;
	[tilespmem:v8+s14+$0x0] =	vst.idx.add.f32.msk $0xffff, v2;
	v8 =	vadd.s32 v6, v20  }
0x34a: {  	v13 =	vshll.u32 v13, $0x4;
	v19 =	vcvt.f32.s32 v19;
	v20 =	vtrunc.f32 v21;
	v21 =	vld [tilespmem:s25+$0xC50]  }
0x34b: {  	v10 =	vshll.u32 v10, $0x4;
	[tilespmem:v14+s14+$0x0] =	vst.idx.add.f32.msk $0xffff, v2;
	v14 =	vshll.u32 v17, $0x4;
	v17 =	vcvt.f32.s32 v20  }
0x34c: {  	v18 =	vadd.s32 v6, v18;
	v19 =	vshll.u32 v19, $0x4;
	v20 =	vmul.f32 $2.550000000e+02, v23  }
0x34d: {  	[tilespmem:v7+s14+$0x0] =	vst.idx.add.f32.msk $0xffff, v2;
	v7 =	vadd.s32 v6, v13;
	v13 =	vshll.u32 v17, $0x4;
	v17 =	vmul.f32 $2.550000000e+02, v22  }
0x34e: {  	v12 =	vshll.u32 v12, $0x4;
	[tilespmem:v8+s14+$0x0] =	vst.idx.add.f32.msk $0xffff, v2;
	v8 =	vadd.s32 v6, v19;
	v13 =	vadd.s32 v6, v13  }
0x34f: {  	v14 =	vadd.s32 v6, v14;
	[tilespmem:v16+s14+$0x0] =	vst.idx.add.f32.msk $0xffff, v2;
	v16 =	vtrunc.f32 v17;
	v17 =	vmul.f32 $2.550000000e+02, v21  }
0x350: {  	v12 =	vadd.s32 v6, v12;
	v19 =	vtrunc.f32 v20;
	v16 =	vcvt.f32.s32 v16  }
0x351: {  	v9 =	vtrunc.f32 v9;
	v15 =	vshll.u32 v15, $0x4;
	[tilespmem:v18+s14+$0x0] =	vst.idx.add.f32.msk $0xffff, v2;
	v17 =	vtrunc.f32 v17  }
0x352: {  	v10 =	vadd.s32 v6, v10;
	[tilespmem:v7+s14+$0x0] =	vst.idx.add.f32.msk $0xffff, v2;
	v7 =	vshll.u32 v16, $0x4;
	v16 =	vcvt.f32.s32 v17  }
0x353: {  	v9 =	vcvt.f32.s32 v9;
	[tilespmem:v13+s14+$0x0] =	vst.idx.add.f32.msk $0xffff, v2;
	v13 =	vadd.s32 v6, v7;
	v7 =	vshll.u32 v11, $0x4  }
0x354: {  	v11 =	vadd.s32 v6, v15;
	[tilespmem:v8+s14+$0x0] =	vst.idx.add.f32.msk $0xffff, v2;
	v8 =	vcvt.f32.s32 v19;
	v15 =	vshll.u32 v16, $0x4  }
0x355: {  	v9 =	vshll.u32 v9, $0x4;
	[tilespmem:v12+s14+$0x0] =	vst.idx.add.f32.msk $0xffff, v2;
	v12 =	vadd.s32 v6, v15  }
0x356: {  	v9 =	vadd.s32 v6, v9;
	[tilespmem:v14+s14+$0x0] =	vst.idx.add.f32.msk $0xffff, v2;
	v8 =	vshll.u32 v8, $0x4  }
0x357: {  	v14 =	vadd.s32 v6, v7;
	[tilespmem:v10+s14+$0x0] =	vst.idx.add.f32.msk $0xffff, v2  }
.Ltmp6:
0x358: {  	v7 =	vadd.s32 v6, v8;
	[tilespmem:v13+s14+$0x0] =	vst.idx.add.f32.msk $0xffff, v2;
	(pc) =	sbr.rel @p0 .LBB2_15-.Ltmp6, $4  }
0x359: {  	[tilespmem:v11+s14+$0x0] =	vst.idx.add.f32.msk $0xffff, v2  }
0x35a: {  	[tilespmem:v12+s14+$0x0] =	vst.idx.add.f32.msk $0xffff, v2  }
0x35b: {  	[tilespmem:v9+s14+$0x0] =	vst.idx.add.f32.msk $0xffff, v2  }
0x35c: {  	s23 =	sadd.s32 $0x80, s23;
	s26 =	smov.u32 s24;
	[tilespmem:v14+s14+$0x0] =	vst.idx.add.f32.msk $0xffff, v2  }
0x35d: {  	s23 =	sshll.u32 s22, $0x10  }
0x35e: {  	s24 =	sadd.s32 $0x10000, s23  }
0x35f: {  	s25 =	sand.u32 $0x1C0000, s24  }
0x360: {  	s24 =	sand.u32 $0x30000, s24;
	s25 =	sadd.s32 s5, s25  }
0x361: {  	s24 =	sor.u32 s24, s25  }
0x362: {  	s24 =	sshrl.u32 s24, $0x3  }
0x363: {  	[tilespmem:v7+s14+$0x0] =	vst.idx.add.f32.msk $0xffff, v2;
	s30 =	simm.s32 $0x0;
	s24 =	sadd.s32 s3, s24  }
0x364: {  	[tilespmem:s30], [sflag:$0x1] =	stream.linear.gather [hbm4b:s24+s30], $0x8000, $0x38;
	[tilespmem:$0x16600] =	vst v63  }
0x365: {  	_ =	swait.ge [sflag:s15], $0x8000  }
0x366: {  	s31 =	sand.u32 $0x7000, s30;
	s25 =	sand.u32 $0x380, s30;
	[sflag:s15] =	ssyncset.done $0x0  }
0x367: {  	s24 =	sor.u32 s25, s31;
	[sflag:s15] =	ssyncadd.s32 $0xFFFF8000  }
0x368: {  	v7 =	vld [tilespmem:s24+$0x8000]  }
0x369: {  	v8 =	vld [tilespmem:s24+$0x8010]  }
0x36a: {  	v9 =	vld [tilespmem:s24+$0x8020]  }
0x36b: {  	v10 =	vld [tilespmem:s24+$0x8030]  }
0x36c: {  	v11 =	vld [tilespmem:s24+$0x8040]  }
0x36d: {  	v12 =	vld [tilespmem:s24+$0x8050]  }
0x36e: {  	v13 =	vld [tilespmem:s24+$0x8060]  }
0x36f: {  	v14 =	vld [tilespmem:s24+$0x8070]  }
0x370: {  	v15 =	vld [tilespmem:s24+$0x8410]  }
0x371: {  	v16 =	vld [tilespmem:s24+$0x8400]  }
0x372: {  	v17 =	vld [tilespmem:s24+$0x8430]  }
0x373: {  	v18 =	vld [tilespmem:s24+$0x8420]  }
0x374: {  	v19 =	vld [tilespmem:s24+$0x8440]  }
0x375: {  	v20 =	vld [tilespmem:s24+$0x8470]  }
0x376: {  	v21 =	vld [tilespmem:s24+$0x8800]  }
0x377: {  	v22 =	vld [tilespmem:s24+$0x8450]  }
0x378: {  	v23 =	vld [tilespmem:s24+$0x8460]  }
0x379: {  	v24 =	vld [tilespmem:s24+$0x8810]  }
0x37a: {  	v25 =	vld [tilespmem:s24+$0x8840];
	v7 =	vmul.f32 $2.550000000e+02, v7  }
0x37b: {  	v26 =	vld [tilespmem:s24+$0x8820];
	v8 =	vmul.f32 $2.550000000e+02, v8;
	v9 =	vmul.f32 $2.550000000e+02, v9  }
0x37c: {  	v60 =	vld [tilespmem:s24+$0x8860];
	v10 =	vmul.f32 $2.550000000e+02, v10;
	v11 =	vmul.f32 $2.550000000e+02, v11  }
0x37d: {  	v27 =	vld [tilespmem:s24+$0x8870];
	v12 =	vmul.f32 $2.550000000e+02, v12;
	v14 =	vmul.f32 $2.550000000e+02, v14  }
0x37e: {  	v28 =	vld [tilespmem:s24+$0x8C60];
	v15 =	vmul.f32 $2.550000000e+02, v15;
	v13 =	vmul.f32 $2.550000000e+02, v13  }
0x37f: {  	v34 =	vld [tilespmem:s24+$0x8C70];
	v17 =	vmul.f32 $2.550000000e+02, v17;
	v16 =	vmul.f32 $2.550000000e+02, v16  }
0x380: {  	v35 =	vld [tilespmem:s24+$0x8C00];
	v19 =	vmul.f32 $2.550000000e+02, v19;
	v20 =	vmul.f32 $2.550000000e+02, v20  }
0x381: {  	v39 =	vld [tilespmem:s24+$0x8C10];
	v18 =	vmul.f32 $2.550000000e+02, v18;
	v21 =	vmul.f32 $2.550000000e+02, v21  }
0x382: {  	v40 =	vld [tilespmem:s24+$0x8C20];
	v57 =	vmul.f32 $2.550000000e+02, v22;
	v58 =	vmul.f32 $2.550000000e+02, v23  }
0x383: {  	v59 =	vmul.f32 $2.550000000e+02, v25;
	v24 =	vmul.f32 $2.550000000e+02, v24  }
0x384: {  	v25 =	vmul.f32 $2.550000000e+02, v60;
	v31 =	vmul.f32 $2.550000000e+02, v26  }
0x385: {  	v33 =	vmul.f32 $2.550000000e+02, v27;
	v36 =	vmul.f32 $2.550000000e+02, v28  }
0x386: {  	v42 =	vmul.f32 $2.550000000e+02, v35;
	v43 =	vmul.f32 $2.550000000e+02, v34  }
0x387: {  	v45 =	vmul.f32 $2.550000000e+02, v39;
	v46 =	vmul.f32 $2.550000000e+02, v40  }
0x388: {  	v7 =	vtrunc.f32 v7;
	v8 =	vtrunc.f32 v8  }
0x389: {  	v10 =	vtrunc.f32 v10;
	v9 =	vtrunc.f32 v9  }
0x38a: {  	v11 =	vtrunc.f32 v11;
	v14 =	vtrunc.f32 v14  }
0x38b: {  	v12 =	vtrunc.f32 v12;
	v15 =	vtrunc.f32 v15  }
0x38c: {  	v62 =	vld [tilespmem:s24+$0x8850];
	v17 =	vtrunc.f32 v17;
	v20 =	vtrunc.f32 v20  }
0x38d: {  	v13 =	vtrunc.f32 v13;
	v21 =	vtrunc.f32 v21  }
0x38e: {  	v19 =	vtrunc.f32 v19;
	v61 =	vtrunc.f32 v18  }
0x38f: {  	v23 =	vtrunc.f32 v59;
	v22 =	vtrunc.f32 v58  }
0x390: {  	v32 =	vtrunc.f32 v25;
	v16 =	vtrunc.f32 v16  }
0x391: {  	v18 =	vmul.f32 $2.550000000e+02, v62;
	v41 =	vtrunc.f32 v36  }
0x392: {  	v59 =	vtrunc.f32 v24;
	v7 =	vcvt.f32.s32 v7  }
0x393: {  	v8 =	vcvt.f32.s32 v8;
	v10 =	vcvt.f32.s32 v10  }
0x394: {  	v9 =	vcvt.f32.s32 v9;
	v12 =	vcvt.f32.s32 v12  }
0x395: {  	v54 =	vld [tilespmem:s24+$0x8830];
	v11 =	vcvt.f32.s32 v11;
	v17 =	vcvt.f32.s32 v17  }
0x396: {  	v47 =	vld [tilespmem:s24+$0x8C40];
	v14 =	vcvt.f32.s32 v14;
	v15 =	vcvt.f32.s32 v15;
	v7 =	vshll.u32 v7, $0x4  }
0x397: {  	v49 =	vld [tilespmem:s24+$0x8C50];
	v53 =	vcvt.f32.s32 v20;
	v8 =	vshll.u32 v8, $0x4;
	v7 =	vadd.s32 v6, v7  }
0x398: {  	v56 =	vcvt.f32.s32 v13;
	v13 =	vtrunc.f32 v57;
	v8 =	vadd.s32 v6, v8  }
0x399: {  	v23 =	vcvt.f32.s32 v23;
	v63 =	vcvt.f32.s32 v21  }
0x39a: {  	v20 =	vmul.f32 $2.550000000e+02, v54;
	v19 =	vcvt.f32.s32 v19  }
0x39b: {  	v16 =	vcvt.f32.s32 v16;
	v38 =	vcvt.f32.s32 v32  }
0x39c: {  	v54 =	vmul.f32 $2.550000000e+02, v47;
	v57 =	vmul.f32 $2.550000000e+02, v49;
	v15 =	vshll.u32 v15, $0x4;
	[tilespmem:v7+s14+$0x0] =	vst.idx.add.f32.msk $0xffff, v2  }
0x39d: {  	v13 =	vcvt.f32.s32 v13;
	v7 =	vadd.s32 v6, v15;
	[tilespmem:v8+s14+$0x0] =	vst.idx.add.f32.msk $0xffff, v2;
	v8 =	vshll.u32 v14, $0x4  }
0x39e: {  	v18 =	vtrunc.f32 v18;
	v10 =	vshll.u32 v10, $0x4;
	v8 =	vadd.s32 v6, v8  }
0x39f: {  	v9 =	vshll.u32 v9, $0x4;
	v12 =	vshll.u32 v12, $0x4;
	v10 =	vadd.s32 v6, v10  }
0x3a0: {  	v17 =	vshll.u32 v17, $0x4;
	v11 =	vshll.u32 v11, $0x4;
	v9 =	vadd.s32 v6, v9  }
0x3a1: {  	v48 =	vld [tilespmem:s24+$0x8C30];
	v55 =	vshll.u32 v53, $0x4;
	v29 =	vshll.u32 v23, $0x4;
	v11 =	vadd.s32 v6, v11  }
0x3a2: {  	v20 =	vtrunc.f32 v20;
	v16 =	vshll.u32 v16, $0x4;
	v30 =	vadd.s32 v6, v29;
	[tilespmem:v7+s14+$0x0] =	vst.idx.add.f32.msk $0xffff, v2  }
0x3a3: {  	v15 =	vcvt.f32.s32 v61;
	v7 =	vadd.s32 v6, v17;
	[tilespmem:v8+s14+$0x0] =	vst.idx.add.f32.msk $0xffff, v2;
	v8 =	vtrunc.f32 v31  }
0x3a4: {  	v44 =	vshll.u32 v19, $0x4;
	v12 =	vadd.s32 v6, v12;
	[tilespmem:v10+s14+$0x0] =	vst.idx.add.f32.msk $0xffff, v2;
	v8 =	vcvt.f32.s32 v8  }
0x3a5: {  	v18 =	vcvt.f32.s32 v18;
	v37 =	vadd.s32 v6, v16;
	[tilespmem:v9+s14+$0x0] =	vst.idx.add.f32.msk $0xffff, v2;
	v15 =	vshll.u32 v15, $0x4  }
0x3a6: {  	v19 =	vtrunc.f32 v46;
	[tilespmem:v11+s14+$0x0] =	vst.idx.add.f32.msk $0xffff, v2;
	v15 =	vadd.s32 v6, v15;
	v8 =	vshll.u32 v8, $0x4  }
0x3a7: {  	v60 =	vtrunc.f32 v57;
	v10 =	vshll.u32 v56, $0x4;
	[tilespmem:v30+s14+$0x0] =	vst.idx.add.f32.msk $0xffff, v2;
	v8 =	vadd.s32 v6, v8  }
0x3a8: {  	v16 =	vshll.u32 v38, $0x4;
	v10 =	vadd.s32 v6, v10;
	[tilespmem:v7+s14+$0x0] =	vst.idx.add.f32.msk $0xffff, v2;
	v7 =	vcvt.f32.s32 v22  }
0x3a9: {  	v20 =	vcvt.f32.s32 v20;
	v13 =	vshll.u32 v13, $0x4;
	v52 =	vadd.s32 v6, v16;
	[tilespmem:v12+s14+$0x0] =	vst.idx.add.f32.msk $0xffff, v2  }
0x3aa: {  	v19 =	vcvt.f32.s32 v19;
	v13 =	vadd.s32 v6, v13;
	[tilespmem:v37+s14+$0x0] =	vst.idx.add.f32.msk $0xffff, v2;
	v7 =	vshll.u32 v7, $0x4  }
0x3ab: {  	v51 =	vshll.u32 v18, $0x4;
	[tilespmem:v15+s14+$0x0] =	vst.idx.add.f32.msk $0xffff, v2;
	v15 =	vtrunc.f32 v45;
	v7 =	vadd.s32 v6, v7  }
0x3ac: {  	v53 =	vshll.u32 v19, $0x4;
	v58 =	vadd.s32 v6, v51;
	[tilespmem:v8+s14+$0x0] =	vst.idx.add.f32.msk $0xffff, v2;
	v8 =	vcvt.f32.s32 v15  }
0x3ad: {  	v9 =	vadd.s32 v6, v55;
	v12 =	vadd.s32 v6, v44;
	[tilespmem:v10+s14+$0x0] =	vst.idx.add.f32.msk $0xffff, v2;
	v10 =	vtrunc.f32 v42  }
0x3ae: {  	[tilespmem:v52+s14+$0x0] =	vst.idx.add.f32.msk $0xffff, v2;
	v17 =	vtrunc.f32 v33;
	v10 =	vcvt.f32.s32 v10;
	v8 =	vshll.u32 v8, $0x4  }
0x3af: {  	v55 =	vshll.u32 v20, $0x4;
	[tilespmem:v13+s14+$0x0] =	vst.idx.add.f32.msk $0xffff, v2;
	v17 =	vcvt.f32.s32 v17;
	v8 =	vadd.s32 v6, v8  }
0x3b0: {  	v16 =	vadd.s32 v6, v53;
	v10 =	vshll.u32 v10, $0x4;
	[tilespmem:v7+s14+$0x0] =	vst.idx.add.f32.msk $0xffff, v2;
	v7 =	vadd.s32 v6, v55  }
0x3b1: {  	v14 =	vshll.u32 v63, $0x4;
	[tilespmem:v58+s14+$0x0] =	vst.idx.add.f32.msk $0xffff, v2;
	v17 =	vshll.u32 v17, $0x4;
	v10 =	vadd.s32 v6, v10  }
0x3b2: {  	v61 =	vcvt.f32.s32 v60;
	[tilespmem:v12+s14+$0x0] =	vst.idx.add.f32.msk $0xffff, v2;
	v12 =	vcvt.f32.s32 v59;
	v17 =	vadd.s32 v6, v17  }
0x3b3: {  	v56 =	vtrunc.f32 v54;
	v14 =	vadd.s32 v6, v14;
	[tilespmem:v9+s14+$0x0] =	vst.idx.add.f32.msk $0xffff, v2;
	v9 =	vcvt.f32.s32 v41  }
0x3b4: {  	v63 =	vshll.u32 v12, $0x4;
	v22 =	vtrunc.f32 v43;
	[tilespmem:v8+s14+$0x0] =	vst.idx.add.f32.msk $0xffff, v2;
	v8 =	vshll.u32 v61, $0x4  }
0x3b5: {  	v50 =	vcvt.f32.s32 v22;
	[tilespmem:v7+s14+$0x0] =	vst.idx.add.f32.msk $0xffff, v2;
	v7 =	vadd.s32 v6, v8;
	v8 =	vmul.f32 $2.550000000e+02, v48  }
0x3b6: {  	v9 =	vshll.u32 v9, $0x4;
	v11 =	vadd.s32 v6, v63;
	[tilespmem:v10+s14+$0x0] =	vst.idx.add.f32.msk $0xffff, v2;
	v10 =	vcvt.f32.s32 v56  }
0x3b7: {  	v9 =	vadd.s32 v6, v9;
	[tilespmem:v17+s14+$0x0] =	vst.idx.add.f32.msk $0xffff, v2;
	v17 =	vshll.u32 v50, $0x4;
	v8 =	vtrunc.f32 v8  }
0x3b8: {  	[tilespmem:v16+s14+$0x0] =	vst.idx.add.f32.msk $0xffff, v2;
	v62 =	vadd.s32 v6, v17;
	v10 =	vshll.u32 v10, $0x4;
	v8 =	vcvt.f32.s32 v8  }
0x3b9: {  	[tilespmem:v14+s14+$0x0] =	vst.idx.add.f32.msk $0xffff, v2;
	v10 =	vadd.s32 v6, v10  }
0x3ba: {  	[tilespmem:v7+s14+$0x0] =	vst.idx.add.f32.msk $0xffff, v2;
	v7 =	vshll.u32 v8, $0x4  }
0x3bb: {  	[tilespmem:v11+s14+$0x0] =	vst.idx.add.f32.msk $0xffff, v2;
	v7 =	vadd.s32 v6, v7  }
0x3bc: {  	[tilespmem:v9+s14+$0x0] =	vst.idx.add.f32.msk $0xffff, v2  }
0x3bd: {  	[tilespmem:v62+s14+$0x0] =	vst.idx.add.f32.msk $0xffff, v2  }
0x3be: {  	s28 =	simm.s32 $0x200;
	s24 =	simm.s32 $0x80;
	[tilespmem:v10+s14+$0x0] =	vst.idx.add.f32.msk $0xffff, v2  }
.LBB2_17:
0x3bf: {  	s25 =	smov.u32 s28  }
0x3c0: {  	s26 =	sand.u32 $0x7000, s28;
	s29 =	sand.u32 $0x380, s24;
	[tilespmem:v7+s14+$0x0] =	vst.idx.add.f32.msk $0xffff, v2;
	s25 =	sadd.s32 $0x200, s28  }
0x3c1: {  	p0 =	sne.s32 s28, $0x7E00;
	s26 =	sor.u32 s29, s26  }
0x3c2: {  	v7 =	vld [tilespmem:s26+$0x8000]  }
0x3c3: {  	v8 =	vld [tilespmem:s26+$0x8010]  }
0x3c4: {  	v9 =	vld [tilespmem:s26+$0x8020]  }
0x3c5: {  	v10 =	vld [tilespmem:s26+$0x8030]  }
0x3c6: {  	v11 =	vld [tilespmem:s26+$0x8040]  }
0x3c7: {  	v7 =	vmul.f32 $2.550000000e+02, v7;
	v12 =	vld [tilespmem:s26+$0x8050]  }
0x3c8: {  	v8 =	vmul.f32 $2.550000000e+02, v8;
	v13 =	vld [tilespmem:s26+$0x8060]  }
0x3c9: {  	v7 =	vtrunc.f32 v7;
	v9 =	vmul.f32 $2.550000000e+02, v9;
	v14 =	vld [tilespmem:s26+$0x8070]  }
0x3ca: {  	v8 =	vtrunc.f32 v8;
	v10 =	vmul.f32 $2.550000000e+02, v10;
	v15 =	vld [tilespmem:s26+$0x8400]  }
0x3cb: {  	v7 =	vcvt.f32.s32 v7;
	v11 =	vmul.f32 $2.550000000e+02, v11;
	v16 =	vld [tilespmem:s26+$0x8410]  }
0x3cc: {  	v8 =	vcvt.f32.s32 v8;
	v10 =	vtrunc.f32 v10;
	v17 =	vld [tilespmem:s26+$0x8420]  }
0x3cd: {  	v7 =	vshll.u32 v7, $0x4;
	v12 =	vmul.f32 $2.550000000e+02, v12;
	v10 =	vcvt.f32.s32 v10;
	v18 =	vld [tilespmem:s26+$0x8430]  }
0x3ce: {  	v9 =	vtrunc.f32 v9;
	v8 =	vshll.u32 v8, $0x4;
	v11 =	vtrunc.f32 v11;
	v19 =	vld [tilespmem:s26+$0x8440]  }
0x3cf: {  	v8 =	vadd.s32 v6, v8;
	v14 =	vmul.f32 $2.550000000e+02, v14;
	v10 =	vshll.u32 v10, $0x4;
	v20 =	vld [tilespmem:s26+$0x8450]  }
0x3d0: {  	v9 =	vcvt.f32.s32 v9;
	v10 =	vadd.s32 v6, v10;
	v16 =	vmul.f32 $2.550000000e+02, v16;
	v21 =	vld [tilespmem:s26+$0x8460]  }
0x3d1: {  	v13 =	vmul.f32 $2.550000000e+02, v13;
	v14 =	vtrunc.f32 v14;
	v22 =	vld [tilespmem:s26+$0x8470]  }
0x3d2: {  	v9 =	vshll.u32 v9, $0x4;
	v12 =	vtrunc.f32 v12;
	v18 =	vmul.f32 $2.550000000e+02, v18;
	v23 =	vld [tilespmem:s26+$0x8800]  }
0x3d3: {  	v15 =	vmul.f32 $2.550000000e+02, v15;
	v16 =	vtrunc.f32 v16;
	v24 =	vld [tilespmem:s26+$0x8810]  }
0x3d4: {  	v9 =	vadd.s32 v6, v9;
	v12 =	vcvt.f32.s32 v12;
	v18 =	vtrunc.f32 v18;
	v25 =	vld [tilespmem:s26+$0x8820]  }
0x3d5: {  	v7 =	vadd.s32 v6, v7;
	[tilespmem:v10+s14+$0x0] =	vst.idx.add.f32.msk $0xffff, v2;
	v10 =	vcvt.f32.s32 v11;
	v11 =	vcvt.f32.s32 v18  }
0x3d6: {  	v12 =	vshll.u32 v12, $0x4;
	v18 =	vmul.f32 $2.550000000e+02, v19;
	v19 =	vmul.f32 $2.550000000e+02, v22;
	v22 =	vld [tilespmem:s26+$0x8830]  }
0x3d7: {  	v17 =	vmul.f32 $2.550000000e+02, v17;
	v11 =	vshll.u32 v11, $0x4;
	v23 =	vmul.f32 $2.550000000e+02, v23  }
0x3d8: {  	v14 =	vcvt.f32.s32 v14;
	v10 =	vshll.u32 v10, $0x4;
	v19 =	vtrunc.f32 v19;
	v26 =	vld [tilespmem:s26+$0x8840]  }
0x3d9: {  	[tilespmem:v9+s14+$0x0] =	vst.idx.add.f32.msk $0xffff, v2;
	v9 =	vcvt.f32.s32 v16;
	v16 =	vcvt.f32.s32 v19  }
0x3da: {  	[tilespmem:v7+s14+$0x0] =	vst.idx.add.f32.msk $0xffff, v2;
	v7 =	vadd.s32 v6, v10;
	v10 =	vtrunc.f32 v13;
	v13 =	vtrunc.f32 v23  }
0x3db: {  	v18 =	vtrunc.f32 v18;
	v9 =	vshll.u32 v9, $0x4;
	v16 =	vshll.u32 v16, $0x4;
	v19 =	vld [tilespmem:s26+$0x8850]  }
0x3dc: {  	v20 =	vmul.f32 $2.550000000e+02, v20;
	v10 =	vcvt.f32.s32 v10;
	v16 =	vadd.s32 v6, v16;
	v23 =	vld [tilespmem:s26+$0x8C60]  }
0x3dd: {  	v21 =	vmul.f32 $2.550000000e+02, v21;
	v9 =	vadd.s32 v6, v9;
	v26 =	vmul.f32 $2.550000000e+02, v26;
	v27 =	vld [tilespmem:s26+$0x8860]  }
0x3de: {  	[tilespmem:v8+s14+$0x0] =	vst.idx.add.f32.msk $0xffff, v2;
	v8 =	vshll.u32 v10, $0x4;
	v10 =	vtrunc.f32 v17;
	v17 =	vtrunc.f32 v20  }
0x3df: {  	[tilespmem:v7+s14+$0x0] =	vst.idx.add.f32.msk $0xffff, v2;
	v7 =	vadd.s32 v6, v8;
	v8 =	vcvt.f32.s32 v10;
	v10 =	vtrunc.f32 v26  }
0x3e0: {  	v14 =	vshll.u32 v14, $0x4;
	v20 =	vtrunc.f32 v21;
	v10 =	vcvt.f32.s32 v10;
	v21 =	vld [tilespmem:s26+$0x8870]  }
0x3e1: {  	v14 =	vadd.s32 v6, v14;
	v13 =	vcvt.f32.s32 v13;
	[tilespmem:v16+s14+$0x0] =	vst.idx.add.f32.msk $0xffff, v2;
	v16 =	vmul.f32 $2.550000000e+02, v22  }
0x3e2: {  	[tilespmem:v9+s14+$0x0] =	vst.idx.add.f32.msk $0xffff, v2;
	v9 =	vmul.f32 $2.550000000e+02, v24;
	v10 =	vshll.u32 v10, $0x4;
	v22 =	vmul.f32 $2.550000000e+02, v27  }
0x3e3: {  	v18 =	vcvt.f32.s32 v18;
	v16 =	vtrunc.f32 v16;
	v10 =	vadd.s32 v6, v10;
	v24 =	vld [tilespmem:s26+$0x8C70]  }
0x3e4: {  	[tilespmem:v7+s14+$0x0] =	vst.idx.add.f32.msk $0xffff, v2;
	v7 =	vadd.s32 v6, v11;
	v11 =	vmul.f32 $2.550000000e+02, v25;
	v22 =	vtrunc.f32 v22  }
0x3e5: {  	v15 =	vtrunc.f32 v15;
	v8 =	vshll.u32 v8, $0x4;
	v21 =	vmul.f32 $2.550000000e+02, v21  }
0x3e6: {  	v12 =	vadd.s32 v6, v12;
	[tilespmem:v14+s14+$0x0] =	vst.idx.add.f32.msk $0xffff, v2;
	v14 =	vcvt.f32.s32 v15;
	v15 =	vcvt.f32.s32 v17  }
0x3e7: {  	v23 =	vmul.f32 $2.550000000e+02, v23;
	v8 =	vadd.s32 v6, v8;
	v17 =	vtrunc.f32 v21;
	v21 =	vld [tilespmem:s26+$0x8C00]  }
0x3e8: {  	v11 =	vtrunc.f32 v11;
	v14 =	vshll.u32 v14, $0x4;
	[tilespmem:v10+s14+$0x0] =	vst.idx.add.f32.msk $0xffff, v2;
	v10 =	vcvt.f32.s32 v17  }
0x3e9: {  	v14 =	vadd.s32 v6, v14;
	[tilespmem:v7+s14+$0x0] =	vst.idx.add.f32.msk $0xffff, v2;
	v7 =	vshll.u32 v13, $0x4;
	v13 =	vcvt.f32.s32 v22  }
0x3ea: {  	v11 =	vcvt.f32.s32 v11;
	v17 =	vmul.f32 $2.550000000e+02, v19;
	v10 =	vshll.u32 v10, $0x4;
	v19 =	vld [tilespmem:s26+$0x8C10]  }
0x3eb: {  	[tilespmem:v12+s14+$0x0] =	vst.idx.add.f32.msk $0xffff, v2;
	v12 =	vcvt.f32.s32 v16;
	v10 =	vadd.s32 v6, v10;
	v16 =	vtrunc.f32 v23  }
0x3ec: {  	v20 =	vcvt.f32.s32 v20;
	v11 =	vshll.u32 v11, $0x4;
	v21 =	vmul.f32 $2.550000000e+02, v21;
	v22 =	vld [tilespmem:s26+$0x8C20]  }
0x3ed: {  	[tilespmem:v8+s14+$0x0] =	vst.idx.add.f32.msk $0xffff, v2;
	v8 =	vadd.s32 v6, v11;
	v11 =	vcvt.f32.s32 v16;
	v16 =	vmul.f32 $2.550000000e+02, v24  }
0x3ee: {  	v18 =	vshll.u32 v18, $0x4;
	v17 =	vtrunc.f32 v17;
	v21 =	vtrunc.f32 v21  }
0x3ef: {  	v20 =	vshll.u32 v20, $0x4;
	v21 =	vcvt.f32.s32 v21;
	v19 =	vmul.f32 $2.550000000e+02, v19;
	v23 =	vld [tilespmem:s26+$0x8C30]  }
0x3f0: {  	v7 =	vadd.s32 v6, v7;
	v17 =	vcvt.f32.s32 v17;
	[tilespmem:v10+s14+$0x0] =	vst.idx.add.f32.msk $0xffff, v2;
	v10 =	vtrunc.f32 v16  }
0x3f1: {  	v16 =	vadd.s32 v6, v20;
	v20 =	vshll.u32 v21, $0x4;
	v21 =	vmul.f32 $2.550000000e+02, v22;
	v22 =	vld [tilespmem:s26+$0x8C40]  }
0x3f2: {  	v19 =	vtrunc.f32 v19;
	v10 =	vcvt.f32.s32 v10;
	[tilespmem:v8+s14+$0x0] =	vst.idx.add.f32.msk $0xffff, v2;
	v8 =	vadd.s32 v6, v20  }
0x3f3: {  	v13 =	vshll.u32 v13, $0x4;
	v19 =	vcvt.f32.s32 v19;
	v20 =	vtrunc.f32 v21;
	v21 =	vld [tilespmem:s26+$0x8C50]  }
0x3f4: {  	v10 =	vshll.u32 v10, $0x4;
	[tilespmem:v14+s14+$0x0] =	vst.idx.add.f32.msk $0xffff, v2;
	v14 =	vshll.u32 v17, $0x4;
	v17 =	vcvt.f32.s32 v20  }
0x3f5: {  	v18 =	vadd.s32 v6, v18;
	v19 =	vshll.u32 v19, $0x4;
	v20 =	vmul.f32 $2.550000000e+02, v23  }
0x3f6: {  	[tilespmem:v7+s14+$0x0] =	vst.idx.add.f32.msk $0xffff, v2;
	v7 =	vadd.s32 v6, v13;
	v13 =	vshll.u32 v17, $0x4;
	v17 =	vmul.f32 $2.550000000e+02, v22  }
0x3f7: {  	v12 =	vshll.u32 v12, $0x4;
	[tilespmem:v8+s14+$0x0] =	vst.idx.add.f32.msk $0xffff, v2;
	v8 =	vadd.s32 v6, v19;
	v13 =	vadd.s32 v6, v13  }
0x3f8: {  	v14 =	vadd.s32 v6, v14;
	[tilespmem:v16+s14+$0x0] =	vst.idx.add.f32.msk $0xffff, v2;
	v16 =	vtrunc.f32 v17;
	v17 =	vmul.f32 $2.550000000e+02, v21  }
0x3f9: {  	v12 =	vadd.s32 v6, v12;
	v19 =	vtrunc.f32 v20;
	v16 =	vcvt.f32.s32 v16  }
0x3fa: {  	v9 =	vtrunc.f32 v9;
	v15 =	vshll.u32 v15, $0x4;
	[tilespmem:v18+s14+$0x0] =	vst.idx.add.f32.msk $0xffff, v2;
	v17 =	vtrunc.f32 v17  }
0x3fb: {  	v10 =	vadd.s32 v6, v10;
	[tilespmem:v7+s14+$0x0] =	vst.idx.add.f32.msk $0xffff, v2;
	v7 =	vshll.u32 v16, $0x4;
	v16 =	vcvt.f32.s32 v17  }
0x3fc: {  	v9 =	vcvt.f32.s32 v9;
	[tilespmem:v13+s14+$0x0] =	vst.idx.add.f32.msk $0xffff, v2;
	v13 =	vadd.s32 v6, v7;
	v7 =	vshll.u32 v11, $0x4  }
0x3fd: {  	v11 =	vadd.s32 v6, v15;
	[tilespmem:v8+s14+$0x0] =	vst.idx.add.f32.msk $0xffff, v2;
	v8 =	vcvt.f32.s32 v19;
	v15 =	vshll.u32 v16, $0x4  }
0x3fe: {  	v9 =	vshll.u32 v9, $0x4;
	[tilespmem:v12+s14+$0x0] =	vst.idx.add.f32.msk $0xffff, v2;
	v12 =	vadd.s32 v6, v15  }
0x3ff: {  	v9 =	vadd.s32 v6, v9;
	[tilespmem:v14+s14+$0x0] =	vst.idx.add.f32.msk $0xffff, v2;
	v8 =	vshll.u32 v8, $0x4  }
0x400: {  	v14 =	vadd.s32 v6, v7;
	[tilespmem:v10+s14+$0x0] =	vst.idx.add.f32.msk $0xffff, v2  }
.Ltmp7:
0x401: {  	v7 =	vadd.s32 v6, v8;
	[tilespmem:v13+s14+$0x0] =	vst.idx.add.f32.msk $0xffff, v2;
	(pc) =	sbr.rel @p0 .LBB2_17-.Ltmp7, $4  }
0x402: {  	[tilespmem:v11+s14+$0x0] =	vst.idx.add.f32.msk $0xffff, v2  }
0x403: {  	[tilespmem:v12+s14+$0x0] =	vst.idx.add.f32.msk $0xffff, v2  }
0x404: {  	[tilespmem:v9+s14+$0x0] =	vst.idx.add.f32.msk $0xffff, v2  }
0x405: {  	s24 =	sadd.s32 $0x80, s24;
	s28 =	smov.u32 s25;
	[tilespmem:v14+s14+$0x0] =	vst.idx.add.f32.msk $0xffff, v2  }
0x406: {  	s23 =	sadd.s32 $0x18000, s23;
	s22 =	sadd.s32 $0x1, s22  }
0x407: {  	s24 =	sand.u32 $0x1C0000, s23;
	p0 =	sne.s32 s22, $0xB  }
.Ltmp8:
0x408: {  	s23 =	sand.u32 $0x38000, s23;
	s24 =	sadd.s32 s5, s24;
	(pc) =	sbr.rel @p0 .LBB2_14-.Ltmp8, $4  }
0x409: {  	s23 =	sor.u32 s23, s24  }
0x40a: {  	s23 =	sshrl.u32 s23, $0x3  }
0x40b: {  	[tilespmem:v7+s14+$0x0] =	vst.idx.add.f32.msk $0xffff, v2;
	s23 =	sadd.s32 s3, s23  }
0x40c: {  	[tilespmem:s12], [sflag:$0x2] =	stream.linear.gather [hbm4b:s23+s4], $0x8000, $0x38;
	[tilespmem:$0x16600] =	vst v63  }
0x40d: {  	_ =	swait.ge [sflag:s13], $0x8000;
	s21 =	simm.s32 $0x0  }
0x40e: {  	[sflag:s13] =	ssyncset.done $0x0;
	s22 =	sand.u32 $0x7000, s21;
	s21 =	sand.u32 $0x380, s21  }
0x40f: {  	[sflag:s13] =	ssyncadd.s32 $0xFFFF8000;
	s21 =	sor.u32 s21, s22  }
0x410: {  	v6 =	vld [tilespmem:s21+$0x0]  }
0x411: {  	v7 =	vld [tilespmem:s21+$0x10]  }
0x412: {  	v8 =	vld [tilespmem:s21+$0x20]  }
0x413: {  	v9 =	vld [tilespmem:s21+$0x30]  }
0x414: {  	v10 =	vld [tilespmem:s21+$0x40]  }
0x415: {  	v11 =	vld [tilespmem:s21+$0x50]  }
0x416: {  	v12 =	vld [tilespmem:s21+$0x60]  }
0x417: {  	v13 =	vld [tilespmem:s21+$0x70]  }
0x418: {  	v14 =	vld [tilespmem:s21+$0x410]  }
0x419: {  	v15 =	vld [tilespmem:s21+$0x400]  }
0x41a: {  	v16 =	vld [tilespmem:s21+$0x430]  }
0x41b: {  	v17 =	vld [tilespmem:s21+$0x420]  }
0x41c: {  	v18 =	vld [tilespmem:s21+$0x440]  }
0x41d: {  	v19 =	vld [tilespmem:s21+$0x470]  }
0x41e: {  	v20 =	vld [tilespmem:s21+$0x800]  }
0x41f: {  	v21 =	vld [tilespmem:s21+$0x450]  }
0x420: {  	v22 =	vld [tilespmem:s21+$0x460]  }
0x421: {  	v23 =	vld [tilespmem:s21+$0x810]  }
0x422: {  	v24 =	vld [tilespmem:s21+$0x840];
	v6 =	vmul.f32 $2.550000000e+02, v6  }
0x423: {  	v25 =	vld [tilespmem:s21+$0x820];
	v7 =	vmul.f32 $2.550000000e+02, v7;
	v8 =	vmul.f32 $2.550000000e+02, v8  }
0x424: {  	v63 =	vld [tilespmem:s21+$0x860];
	v9 =	vmul.f32 $2.550000000e+02, v9;
	v10 =	vmul.f32 $2.550000000e+02, v10  }
0x425: {  	v26 =	vld [tilespmem:s21+$0x870];
	v11 =	vmul.f32 $2.550000000e+02, v11;
	v13 =	vmul.f32 $2.550000000e+02, v13  }
0x426: {  	v30 =	vld [tilespmem:s21+$0xC60];
	v14 =	vmul.f32 $2.550000000e+02, v14;
	v12 =	vmul.f32 $2.550000000e+02, v12  }
0x427: {  	v35 =	vld [tilespmem:s21+$0xC70];
	v16 =	vmul.f32 $2.550000000e+02, v16;
	v15 =	vmul.f32 $2.550000000e+02, v15  }
0x428: {  	v36 =	vld [tilespmem:s21+$0xC00];
	v18 =	vmul.f32 $2.550000000e+02, v18;
	v19 =	vmul.f32 $2.550000000e+02, v19  }
0x429: {  	v40 =	vld [tilespmem:s21+$0xC10];
	v17 =	vmul.f32 $2.550000000e+02, v17;
	v20 =	vmul.f32 $2.550000000e+02, v20  }
0x42a: {  	v41 =	vld [tilespmem:s21+$0xC20];
	v60 =	vmul.f32 $2.550000000e+02, v21;
	v61 =	vmul.f32 $2.550000000e+02, v22  }
0x42b: {  	v47 =	vld [tilespmem:s21+$0xC40];
	v62 =	vmul.f32 $2.550000000e+02, v24;
	v23 =	vmul.f32 $2.550000000e+02, v23  }
0x42c: {  	v24 =	vmul.f32 $2.550000000e+02, v63;
	v32 =	vmul.f32 $2.550000000e+02, v25  }
0x42d: {  	v34 =	vmul.f32 $2.550000000e+02, v26;
	v37 =	vmul.f32 $2.550000000e+02, v30  }
0x42e: {  	v42 =	vmul.f32 $2.550000000e+02, v36;
	v43 =	vmul.f32 $2.550000000e+02, v35  }
0x42f: {  	v45 =	vmul.f32 $2.550000000e+02, v40;
	v46 =	vmul.f32 $2.550000000e+02, v41  }
0x430: {  	v54 =	vmul.f32 $2.550000000e+02, v47;
	v6 =	vtrunc.f32 v6  }
0x431: {  	v7 =	vtrunc.f32 v7;
	v9 =	vtrunc.f32 v9  }
0x432: {  	v8 =	vtrunc.f32 v8;
	v10 =	vtrunc.f32 v10  }
0x433: {  	v13 =	vtrunc.f32 v13;
	v11 =	vtrunc.f32 v11  }
0x434: {  	v28 =	vld [tilespmem:s21+$0x850];
	v14 =	vtrunc.f32 v14;
	v16 =	vtrunc.f32 v16  }
0x435: {  	v19 =	vtrunc.f32 v19;
	v12 =	vtrunc.f32 v12  }
0x436: {  	v20 =	vtrunc.f32 v20;
	v18 =	vtrunc.f32 v18  }
0x437: {  	v27 =	vtrunc.f32 v17;
	v22 =	vtrunc.f32 v62  }
0x438: {  	v21 =	vtrunc.f32 v61;
	v33 =	vtrunc.f32 v24  }
0x439: {  	v15 =	vtrunc.f32 v15;
	v17 =	vmul.f32 $2.550000000e+02, v28  }
0x43a: {  	v56 =	vtrunc.f32 v54;
	v6 =	vcvt.f32.s32 v6  }
0x43b: {  	v7 =	vcvt.f32.s32 v7;
	v9 =	vcvt.f32.s32 v9  }
0x43c: {  	v8 =	vcvt.f32.s32 v8;
	v11 =	vcvt.f32.s32 v11  }
0x43d: {  	v58 =	vld [tilespmem:s21+$0x830];
	v10 =	vcvt.f32.s32 v10;
	v16 =	vcvt.f32.s32 v16  }
0x43e: {  	v13 =	vcvt.f32.s32 v13;
	v14 =	vcvt.f32.s32 v14;
	v6 =	vshll.u32 v6, $0x4  }
0x43f: {  	v57 =	vcvt.f32.s32 v19;
	v7 =	vshll.u32 v7, $0x4;
	v6 =	vadd.s32 v4, v6  }
0x440: {  	v59 =	vcvt.f32.s32 v12;
	v12 =	vtrunc.f32 v60;
	v7 =	vadd.s32 v4, v7  }
0x441: {  	v22 =	vcvt.f32.s32 v22;
	v29 =	vcvt.f32.s32 v20  }
0x442: {  	v19 =	vmul.f32 $2.550000000e+02, v58;
	v18 =	vcvt.f32.s32 v18  }
0x443: {  	v15 =	vcvt.f32.s32 v15;
	v39 =	vcvt.f32.s32 v33  }
0x444: {  	v12 =	vcvt.f32.s32 v12;
	v17 =	vtrunc.f32 v17;
	v14 =	vshll.u32 v14, $0x4;
	[tilespmem:v6+s14+$0x0] =	vst.idx.add.f32.msk $0xffff, v2  }
0x445: {  	v9 =	vshll.u32 v9, $0x4;
	v6 =	vadd.s32 v4, v14;
	[tilespmem:v7+s14+$0x0] =	vst.idx.add.f32.msk $0xffff, v2;
	v7 =	vshll.u32 v13, $0x4  }
0x446: {  	v8 =	vshll.u32 v8, $0x4;
	v11 =	vshll.u32 v11, $0x4;
	v7 =	vadd.s32 v4, v7  }
0x447: {  	v16 =	vshll.u32 v16, $0x4;
	v10 =	vshll.u32 v10, $0x4;
	v8 =	vadd.s32 v4, v8  }
0x448: {  	v48 =	vld [tilespmem:s21+$0xC30];
	v31 =	vshll.u32 v22, $0x4;
	v19 =	vtrunc.f32 v19;
	v9 =	vadd.s32 v4, v9  }
0x449: {  	v49 =	vld [tilespmem:s21+$0xC50];
	v15 =	vshll.u32 v15, $0x4;
	v44 =	vshll.u32 v18, $0x4;
	v10 =	vadd.s32 v4, v10  }
0x44a: {  	v17 =	vcvt.f32.s32 v17;
	v18 =	vtrunc.f32 v46;
	v11 =	vadd.s32 v4, v11;
	[tilespmem:v6+s14+$0x0] =	vst.idx.add.f32.msk $0xffff, v2  }
0x44b: {  	v14 =	vcvt.f32.s32 v27;
	v6 =	vadd.s32 v4, v16;
	[tilespmem:v7+s14+$0x0] =	vst.idx.add.f32.msk $0xffff, v2;
	v7 =	vtrunc.f32 v32  }
0x44c: {  	v38 =	vadd.s32 v4, v15;
	[tilespmem:v8+s14+$0x0] =	vst.idx.add.f32.msk $0xffff, v2;
	v8 =	vshll.u32 v57, $0x4;
	v7 =	vcvt.f32.s32 v7  }
0x44d: {  	v19 =	vcvt.f32.s32 v19;
	[tilespmem:v9+s14+$0x0] =	vst.idx.add.f32.msk $0xffff, v2;
	v8 =	vadd.s32 v4, v8;
	v14 =	vshll.u32 v14, $0x4  }
0x44e: {  	v15 =	vshll.u32 v39, $0x4;
	[tilespmem:v10+s14+$0x0] =	vst.idx.add.f32.msk $0xffff, v2;
	v14 =	vadd.s32 v4, v14;
	v7 =	vshll.u32 v7, $0x4  }
0x44f: {  	v18 =	vcvt.f32.s32 v18;
	v9 =	vshll.u32 v59, $0x4;
	[tilespmem:v11+s14+$0x0] =	vst.idx.add.f32.msk $0xffff, v2;
	v7 =	vadd.s32 v4, v7  }
0x450: {  	v12 =	vshll.u32 v12, $0x4;
	v9 =	vadd.s32 v4, v9;
	[tilespmem:v6+s14+$0x0] =	vst.idx.add.f32.msk $0xffff, v2;
	v6 =	vcvt.f32.s32 v21  }
0x451: {  	v51 =	vshll.u32 v17, $0x4;
	v52 =	vadd.s32 v4, v15;
	v12 =	vadd.s32 v4, v12;
	[tilespmem:v38+s14+$0x0] =	vst.idx.add.f32.msk $0xffff, v2  }
0x452: {  	v53 =	vshll.u32 v18, $0x4;
	v16 =	vtrunc.f32 v34;
	[tilespmem:v8+s14+$0x0] =	vst.idx.add.f32.msk $0xffff, v2;
	v6 =	vshll.u32 v6, $0x4  }
0x453: {  	v16 =	vcvt.f32.s32 v16;
	[tilespmem:v14+s14+$0x0] =	vst.idx.add.f32.msk $0xffff, v2;
	v14 =	vtrunc.f32 v45;
	v6 =	vadd.s32 v4, v6  }
0x454: {  	v55 =	vshll.u32 v19, $0x4;
	v11 =	vadd.s32 v4, v44;
	[tilespmem:v7+s14+$0x0] =	vst.idx.add.f32.msk $0xffff, v2;
	v7 =	vcvt.f32.s32 v14  }
0x455: {  	v8 =	vadd.s32 v4, v31;
	[tilespmem:v9+s14+$0x0] =	vst.idx.add.f32.msk $0xffff, v2;
	v9 =	vtrunc.f32 v42;
	v16 =	vshll.u32 v16, $0x4  }
0x456: {  	[tilespmem:v52+s14+$0x0] =	vst.idx.add.f32.msk $0xffff, v2;
	v9 =	vcvt.f32.s32 v9;
	v16 =	vadd.s32 v4, v16;
	v7 =	vshll.u32 v7, $0x4  }
0x457: {  	v58 =	vadd.s32 v4, v51;
	v57 =	vmul.f32 $2.550000000e+02, v49;
	[tilespmem:v12+s14+$0x0] =	vst.idx.add.f32.msk $0xffff, v2;
	v7 =	vadd.s32 v4, v7  }
0x458: {  	v59 =	vtrunc.f32 v23;
	v9 =	vshll.u32 v9, $0x4;
	[tilespmem:v6+s14+$0x0] =	vst.idx.add.f32.msk $0xffff, v2;
	v6 =	vadd.s32 v4, v55  }
0x459: {  	v60 =	vtrunc.f32 v57;
	[tilespmem:v11+s14+$0x0] =	vst.idx.add.f32.msk $0xffff, v2;
	v11 =	vcvt.f32.s32 v59;
	v9 =	vadd.s32 v4, v9  }
0x45a: {  	v15 =	vadd.s32 v4, v53;
	v13 =	vshll.u32 v29, $0x4;
	v61 =	vcvt.f32.s32 v60;
	[tilespmem:v8+s14+$0x0] =	vst.idx.add.f32.msk $0xffff, v2  }
0x45b: {  	v13 =	vadd.s32 v4, v13;
	v63 =	vshll.u32 v11, $0x4;
	v21 =	vtrunc.f32 v43;
	[tilespmem:v16+s14+$0x0] =	vst.idx.add.f32.msk $0xffff, v2  }
0x45c: {  	v8 =	vtrunc.f32 v37;
	v50 =	vcvt.f32.s32 v21;
	[tilespmem:v7+s14+$0x0] =	vst.idx.add.f32.msk $0xffff, v2;
	v7 =	vshll.u32 v61, $0x4  }
0x45d: {  	v8 =	vcvt.f32.s32 v8;
	[tilespmem:v6+s14+$0x0] =	vst.idx.add.f32.msk $0xffff, v2;
	v6 =	vadd.s32 v4, v7;
	v7 =	vmul.f32 $2.550000000e+02, v48  }
0x45e: {  	v10 =	vadd.s32 v4, v63;
	v16 =	vshll.u32 v50, $0x4;
	[tilespmem:v9+s14+$0x0] =	vst.idx.add.f32.msk $0xffff, v2;
	v9 =	vcvt.f32.s32 v56  }
0x45f: {  	[tilespmem:v58+s14+$0x0] =	vst.idx.add.f32.msk $0xffff, v2;
	v8 =	vshll.u32 v8, $0x4;
	v62 =	vadd.s32 v4, v16;
	v7 =	vtrunc.f32 v7  }
0x460: {  	[tilespmem:v15+s14+$0x0] =	vst.idx.add.f32.msk $0xffff, v2;
	v8 =	vadd.s32 v4, v8;
	v9 =	vshll.u32 v9, $0x4;
	v7 =	vcvt.f32.s32 v7  }
0x461: {  	[tilespmem:v13+s14+$0x0] =	vst.idx.add.f32.msk $0xffff, v2;
	v9 =	vadd.s32 v4, v9  }
0x462: {  	[tilespmem:v6+s14+$0x0] =	vst.idx.add.f32.msk $0xffff, v2;
	v6 =	vshll.u32 v7, $0x4  }
0x463: {  	[tilespmem:v10+s14+$0x0] =	vst.idx.add.f32.msk $0xffff, v2;
	v6 =	vadd.s32 v4, v6  }
0x464: {  	[tilespmem:v62+s14+$0x0] =	vst.idx.add.f32.msk $0xffff, v2  }
0x465: {  	[tilespmem:v8+s14+$0x0] =	vst.idx.add.f32.msk $0xffff, v2  }
0x466: {  	s24 =	simm.s32 $0x200;
	s21 =	simm.s32 $0x80;
	[tilespmem:v9+s14+$0x0] =	vst.idx.add.f32.msk $0xffff, v2  }
.LBB2_20:
0x467: {  	s22 =	smov.u32 s24  }
0x468: {  	s23 =	sand.u32 $0x7000, s24;
	s25 =	sand.u32 $0x380, s21;
	[tilespmem:v6+s14+$0x0] =	vst.idx.add.f32.msk $0xffff, v2;
	s22 =	sadd.s32 $0x200, s24  }
0x469: {  	p0 =	sne.s32 s24, $0x7E00;
	s23 =	sor.u32 s25, s23  }
0x46a: {  	v6 =	vld [tilespmem:s23+$0x0]  }
0x46b: {  	v7 =	vld [tilespmem:s23+$0x10]  }
0x46c: {  	v8 =	vld [tilespmem:s23+$0x20]  }
0x46d: {  	v9 =	vld [tilespmem:s23+$0x30]  }
0x46e: {  	v10 =	vld [tilespmem:s23+$0x40]  }
0x46f: {  	v6 =	vmul.f32 $2.550000000e+02, v6;
	v11 =	vld [tilespmem:s23+$0x50]  }
0x470: {  	v7 =	vmul.f32 $2.550000000e+02, v7;
	v12 =	vld [tilespmem:s23+$0x60]  }
0x471: {  	v6 =	vtrunc.f32 v6;
	v8 =	vmul.f32 $2.550000000e+02, v8;
	v13 =	vld [tilespmem:s23+$0x70]  }
0x472: {  	v7 =	vtrunc.f32 v7;
	v9 =	vmul.f32 $2.550000000e+02, v9;
	v14 =	vld [tilespmem:s23+$0x400]  }
0x473: {  	v6 =	vcvt.f32.s32 v6;
	v10 =	vmul.f32 $2.550000000e+02, v10;
	v15 =	vld [tilespmem:s23+$0x410]  }
0x474: {  	v7 =	vcvt.f32.s32 v7;
	v9 =	vtrunc.f32 v9;
	v16 =	vld [tilespmem:s23+$0x420]  }
0x475: {  	v6 =	vshll.u32 v6, $0x4;
	v11 =	vmul.f32 $2.550000000e+02, v11;
	v9 =	vcvt.f32.s32 v9;
	v17 =	vld [tilespmem:s23+$0x430]  }
0x476: {  	v8 =	vtrunc.f32 v8;
	v7 =	vshll.u32 v7, $0x4;
	v10 =	vtrunc.f32 v10;
	v18 =	vld [tilespmem:s23+$0x440]  }
0x477: {  	v7 =	vadd.s32 v4, v7;
	v13 =	vmul.f32 $2.550000000e+02, v13;
	v9 =	vshll.u32 v9, $0x4;
	v19 =	vld [tilespmem:s23+$0x450]  }
0x478: {  	v8 =	vcvt.f32.s32 v8;
	v9 =	vadd.s32 v4, v9;
	v15 =	vmul.f32 $2.550000000e+02, v15;
	v20 =	vld [tilespmem:s23+$0x460]  }
0x479: {  	v12 =	vmul.f32 $2.550000000e+02, v12;
	v13 =	vtrunc.f32 v13;
	v21 =	vld [tilespmem:s23+$0x470]  }
0x47a: {  	v8 =	vshll.u32 v8, $0x4;
	v11 =	vtrunc.f32 v11;
	v17 =	vmul.f32 $2.550000000e+02, v17;
	v22 =	vld [tilespmem:s23+$0x800]  }
0x47b: {  	v14 =	vmul.f32 $2.550000000e+02, v14;
	v15 =	vtrunc.f32 v15;
	v23 =	vld [tilespmem:s23+$0x810]  }
0x47c: {  	v8 =	vadd.s32 v4, v8;
	v11 =	vcvt.f32.s32 v11;
	v17 =	vtrunc.f32 v17;
	v24 =	vld [tilespmem:s23+$0x820]  }
0x47d: {  	v6 =	vadd.s32 v4, v6;
	[tilespmem:v9+s14+$0x0] =	vst.idx.add.f32.msk $0xffff, v2;
	v9 =	vcvt.f32.s32 v10;
	v10 =	vcvt.f32.s32 v17  }
0x47e: {  	v11 =	vshll.u32 v11, $0x4;
	v17 =	vmul.f32 $2.550000000e+02, v18;
	v18 =	vmul.f32 $2.550000000e+02, v21;
	v21 =	vld [tilespmem:s23+$0x830]  }
0x47f: {  	v16 =	vmul.f32 $2.550000000e+02, v16;
	v10 =	vshll.u32 v10, $0x4;
	v22 =	vmul.f32 $2.550000000e+02, v22  }
0x480: {  	v13 =	vcvt.f32.s32 v13;
	v9 =	vshll.u32 v9, $0x4;
	v18 =	vtrunc.f32 v18;
	v25 =	vld [tilespmem:s23+$0x840]  }
0x481: {  	[tilespmem:v8+s14+$0x0] =	vst.idx.add.f32.msk $0xffff, v2;
	v8 =	vcvt.f32.s32 v15;
	v15 =	vcvt.f32.s32 v18  }
0x482: {  	[tilespmem:v6+s14+$0x0] =	vst.idx.add.f32.msk $0xffff, v2;
	v6 =	vadd.s32 v4, v9;
	v9 =	vtrunc.f32 v12;
	v12 =	vtrunc.f32 v22  }
0x483: {  	v17 =	vtrunc.f32 v17;
	v8 =	vshll.u32 v8, $0x4;
	v15 =	vshll.u32 v15, $0x4;
	v18 =	vld [tilespmem:s23+$0x850]  }
0x484: {  	v19 =	vmul.f32 $2.550000000e+02, v19;
	v9 =	vcvt.f32.s32 v9;
	v15 =	vadd.s32 v4, v15;
	v22 =	vld [tilespmem:s23+$0xC60]  }
0x485: {  	v20 =	vmul.f32 $2.550000000e+02, v20;
	v8 =	vadd.s32 v4, v8;
	v25 =	vmul.f32 $2.550000000e+02, v25;
	v26 =	vld [tilespmem:s23+$0x860]  }
0x486: {  	[tilespmem:v7+s14+$0x0] =	vst.idx.add.f32.msk $0xffff, v2;
	v7 =	vshll.u32 v9, $0x4;
	v9 =	vtrunc.f32 v16;
	v16 =	vtrunc.f32 v19  }
0x487: {  	[tilespmem:v6+s14+$0x0] =	vst.idx.add.f32.msk $0xffff, v2;
	v6 =	vadd.s32 v4, v7;
	v7 =	vcvt.f32.s32 v9;
	v9 =	vtrunc.f32 v25  }
0x488: {  	v13 =	vshll.u32 v13, $0x4;
	v19 =	vtrunc.f32 v20;
	v9 =	vcvt.f32.s32 v9;
	v20 =	vld [tilespmem:s23+$0x870]  }
0x489: {  	v13 =	vadd.s32 v4, v13;
	v12 =	vcvt.f32.s32 v12;
	[tilespmem:v15+s14+$0x0] =	vst.idx.add.f32.msk $0xffff, v2;
	v15 =	vmul.f32 $2.550000000e+02, v21  }
0x48a: {  	[tilespmem:v8+s14+$0x0] =	vst.idx.add.f32.msk $0xffff, v2;
	v8 =	vmul.f32 $2.550000000e+02, v23;
	v9 =	vshll.u32 v9, $0x4;
	v21 =	vmul.f32 $2.550000000e+02, v26  }
0x48b: {  	v17 =	vcvt.f32.s32 v17;
	v15 =	vtrunc.f32 v15;
	v9 =	vadd.s32 v4, v9;
	v23 =	vld [tilespmem:s23+$0xC70]  }
0x48c: {  	[tilespmem:v6+s14+$0x0] =	vst.idx.add.f32.msk $0xffff, v2;
	v6 =	vadd.s32 v4, v10;
	v10 =	vmul.f32 $2.550000000e+02, v24;
	v21 =	vtrunc.f32 v21  }
0x48d: {  	v14 =	vtrunc.f32 v14;
	v7 =	vshll.u32 v7, $0x4;
	v20 =	vmul.f32 $2.550000000e+02, v20  }
0x48e: {  	v11 =	vadd.s32 v4, v11;
	[tilespmem:v13+s14+$0x0] =	vst.idx.add.f32.msk $0xffff, v2;
	v13 =	vcvt.f32.s32 v14;
	v14 =	vcvt.f32.s32 v16  }
0x48f: {  	v22 =	vmul.f32 $2.550000000e+02, v22;
	v7 =	vadd.s32 v4, v7;
	v16 =	vtrunc.f32 v20;
	v20 =	vld [tilespmem:s23+$0xC00]  }
0x490: {  	v10 =	vtrunc.f32 v10;
	v13 =	vshll.u32 v13, $0x4;
	[tilespmem:v9+s14+$0x0] =	vst.idx.add.f32.msk $0xffff, v2;
	v9 =	vcvt.f32.s32 v16  }
0x491: {  	v13 =	vadd.s32 v4, v13;
	[tilespmem:v6+s14+$0x0] =	vst.idx.add.f32.msk $0xffff, v2;
	v6 =	vshll.u32 v12, $0x4;
	v12 =	vcvt.f32.s32 v21  }
0x492: {  	v10 =	vcvt.f32.s32 v10;
	v16 =	vmul.f32 $2.550000000e+02, v18;
	v9 =	vshll.u32 v9, $0x4;
	v18 =	vld [tilespmem:s23+$0xC10]  }
0x493: {  	[tilespmem:v11+s14+$0x0] =	vst.idx.add.f32.msk $0xffff, v2;
	v11 =	vcvt.f32.s32 v15;
	v9 =	vadd.s32 v4, v9;
	v15 =	vtrunc.f32 v22  }
0x494: {  	v19 =	vcvt.f32.s32 v19;
	v10 =	vshll.u32 v10, $0x4;
	v20 =	vmul.f32 $2.550000000e+02, v20;
	v21 =	vld [tilespmem:s23+$0xC20]  }
0x495: {  	[tilespmem:v7+s14+$0x0] =	vst.idx.add.f32.msk $0xffff, v2;
	v7 =	vadd.s32 v4, v10;
	v10 =	vcvt.f32.s32 v15;
	v15 =	vmul.f32 $2.550000000e+02, v23  }
0x496: {  	v17 =	vshll.u32 v17, $0x4;
	v16 =	vtrunc.f32 v16;
	v20 =	vtrunc.f32 v20  }
0x497: {  	v19 =	vshll.u32 v19, $0x4;
	v20 =	vcvt.f32.s32 v20;
	v18 =	vmul.f32 $2.550000000e+02, v18;
	v22 =	vld [tilespmem:s23+$0xC30]  }
0x498: {  	v6 =	vadd.s32 v4, v6;
	v16 =	vcvt.f32.s32 v16;
	[tilespmem:v9+s14+$0x0] =	vst.idx.add.f32.msk $0xffff, v2;
	v9 =	vtrunc.f32 v15  }
0x499: {  	v15 =	vadd.s32 v4, v19;
	v19 =	vshll.u32 v20, $0x4;
	v20 =	vmul.f32 $2.550000000e+02, v21;
	v21 =	vld [tilespmem:s23+$0xC40]  }
0x49a: {  	v18 =	vtrunc.f32 v18;
	v9 =	vcvt.f32.s32 v9;
	[tilespmem:v7+s14+$0x0] =	vst.idx.add.f32.msk $0xffff, v2;
	v7 =	vadd.s32 v4, v19  }
0x49b: {  	v12 =	vshll.u32 v12, $0x4;
	v18 =	vcvt.f32.s32 v18;
	v19 =	vtrunc.f32 v20;
	v20 =	vld [tilespmem:s23+$0xC50]  }
0x49c: {  	v9 =	vshll.u32 v9, $0x4;
	[tilespmem:v13+s14+$0x0] =	vst.idx.add.f32.msk $0xffff, v2;
	v13 =	vshll.u32 v16, $0x4;
	v16 =	vcvt.f32.s32 v19  }
0x49d: {  	v17 =	vadd.s32 v4, v17;
	v18 =	vshll.u32 v18, $0x4;
	v19 =	vmul.f32 $2.550000000e+02, v22  }
0x49e: {  	[tilespmem:v6+s14+$0x0] =	vst.idx.add.f32.msk $0xffff, v2;
	v6 =	vadd.s32 v4, v12;
	v12 =	vshll.u32 v16, $0x4;
	v16 =	vmul.f32 $2.550000000e+02, v21  }
0x49f: {  	v11 =	vshll.u32 v11, $0x4;
	[tilespmem:v7+s14+$0x0] =	vst.idx.add.f32.msk $0xffff, v2;
	v7 =	vadd.s32 v4, v18;
	v12 =	vadd.s32 v4, v12  }
0x4a0: {  	v13 =	vadd.s32 v4, v13;
	[tilespmem:v15+s14+$0x0] =	vst.idx.add.f32.msk $0xffff, v2;
	v15 =	vtrunc.f32 v16;
	v16 =	vmul.f32 $2.550000000e+02, v20  }
0x4a1: {  	v11 =	vadd.s32 v4, v11;
	v18 =	vtrunc.f32 v19;
	v15 =	vcvt.f32.s32 v15  }
0x4a2: {  	v8 =	vtrunc.f32 v8;
	v14 =	vshll.u32 v14, $0x4;
	[tilespmem:v17+s14+$0x0] =	vst.idx.add.f32.msk $0xffff, v2;
	v16 =	vtrunc.f32 v16  }
0x4a3: {  	v9 =	vadd.s32 v4, v9;
	[tilespmem:v6+s14+$0x0] =	vst.idx.add.f32.msk $0xffff, v2;
	v6 =	vshll.u32 v15, $0x4;
	v15 =	vcvt.f32.s32 v16  }
0x4a4: {  	v8 =	vcvt.f32.s32 v8;
	[tilespmem:v12+s14+$0x0] =	vst.idx.add.f32.msk $0xffff, v2;
	v12 =	vadd.s32 v4, v6;
	v6 =	vshll.u32 v10, $0x4  }
0x4a5: {  	v10 =	vadd.s32 v4, v14;
	[tilespmem:v7+s14+$0x0] =	vst.idx.add.f32.msk $0xffff, v2;
	v7 =	vcvt.f32.s32 v18;
	v14 =	vshll.u32 v15, $0x4  }
0x4a6: {  	v8 =	vshll.u32 v8, $0x4;
	[tilespmem:v11+s14+$0x0] =	vst.idx.add.f32.msk $0xffff, v2;
	v11 =	vadd.s32 v4, v14  }
0x4a7: {  	v8 =	vadd.s32 v4, v8;
	[tilespmem:v13+s14+$0x0] =	vst.idx.add.f32.msk $0xffff, v2;
	v7 =	vshll.u32 v7, $0x4  }
0x4a8: {  	v13 =	vadd.s32 v4, v6;
	[tilespmem:v9+s14+$0x0] =	vst.idx.add.f32.msk $0xffff, v2  }
.Ltmp9:
0x4a9: {  	v6 =	vadd.s32 v4, v7;
	[tilespmem:v12+s14+$0x0] =	vst.idx.add.f32.msk $0xffff, v2;
	(pc) =	sbr.rel @p0 .LBB2_20-.Ltmp9, $4  }
0x4aa: {  	[tilespmem:v10+s14+$0x0] =	vst.idx.add.f32.msk $0xffff, v2  }
0x4ab: {  	[tilespmem:v11+s14+$0x0] =	vst.idx.add.f32.msk $0xffff, v2  }
0x4ac: {  	[tilespmem:v8+s14+$0x0] =	vst.idx.add.f32.msk $0xffff, v2  }
0x4ad: {  	s21 =	sadd.s32 $0x80, s21;
	s24 =	smov.u32 s22;
	[tilespmem:v13+s14+$0x0] =	vst.idx.add.f32.msk $0xffff, v2  }
0x4ae: {  	_ =	sdelay $0x3  }
0x4af: {  	[tilespmem:v6+s14+$0x0] =	vst.idx.add.f32.msk $0xffff, v2  }
0x4b0: {  	s21 =	simm.s32 $0x0;
	_ =	swait.ge [sflag:s15], $0x8000  }
0x4b1: {  	s22 =	sand.u32 $0x7000, s21;
	s21 =	sand.u32 $0x380, s21;
	[sflag:s15] =	ssyncset.done $0x0  }
0x4b2: {  	s21 =	sor.u32 s21, s22;
	[sflag:s15] =	ssyncadd.s32 $0xFFFF8000  }
0x4b3: {  	v6 =	vld [tilespmem:s21+$0x8000]  }
0x4b4: {  	v7 =	vld [tilespmem:s21+$0x8010]  }
0x4b5: {  	v8 =	vld [tilespmem:s21+$0x8020]  }
0x4b6: {  	v9 =	vld [tilespmem:s21+$0x8030]  }
0x4b7: {  	v10 =	vld [tilespmem:s21+$0x8040]  }
0x4b8: {  	v11 =	vld [tilespmem:s21+$0x8050]  }
0x4b9: {  	v12 =	vld [tilespmem:s21+$0x8060]  }
0x4ba: {  	v13 =	vld [tilespmem:s21+$0x8070]  }
0x4bb: {  	v14 =	vld [tilespmem:s21+$0x8410]  }
0x4bc: {  	v15 =	vld [tilespmem:s21+$0x8400]  }
0x4bd: {  	v16 =	vld [tilespmem:s21+$0x8430]  }
0x4be: {  	v17 =	vld [tilespmem:s21+$0x8420]  }
0x4bf: {  	v18 =	vld [tilespmem:s21+$0x8440]  }
0x4c0: {  	v19 =	vld [tilespmem:s21+$0x8470]  }
0x4c1: {  	v20 =	vld [tilespmem:s21+$0x8800]  }
0x4c2: {  	v21 =	vld [tilespmem:s21+$0x8450]  }
0x4c3: {  	v22 =	vld [tilespmem:s21+$0x8460]  }
0x4c4: {  	v23 =	vld [tilespmem:s21+$0x8810]  }
0x4c5: {  	v24 =	vld [tilespmem:s21+$0x8840];
	v6 =	vmul.f32 $2.550000000e+02, v6  }
0x4c6: {  	v25 =	vld [tilespmem:s21+$0x8820];
	v7 =	vmul.f32 $2.550000000e+02, v7;
	v8 =	vmul.f32 $2.550000000e+02, v8  }
0x4c7: {  	v63 =	vld [tilespmem:s21+$0x8860];
	v9 =	vmul.f32 $2.550000000e+02, v9;
	v10 =	vmul.f32 $2.550000000e+02, v10  }
0x4c8: {  	v26 =	vld [tilespmem:s21+$0x8870];
	v11 =	vmul.f32 $2.550000000e+02, v11;
	v13 =	vmul.f32 $2.550000000e+02, v13  }
0x4c9: {  	v30 =	vld [tilespmem:s21+$0x8C60];
	v14 =	vmul.f32 $2.550000000e+02, v14;
	v12 =	vmul.f32 $2.550000000e+02, v12  }
0x4ca: {  	v35 =	vld [tilespmem:s21+$0x8C70];
	v16 =	vmul.f32 $2.550000000e+02, v16;
	v15 =	vmul.f32 $2.550000000e+02, v15  }
0x4cb: {  	v36 =	vld [tilespmem:s21+$0x8C00];
	v18 =	vmul.f32 $2.550000000e+02, v18;
	v19 =	vmul.f32 $2.550000000e+02, v19  }
0x4cc: {  	v40 =	vld [tilespmem:s21+$0x8C10];
	v17 =	vmul.f32 $2.550000000e+02, v17;
	v20 =	vmul.f32 $2.550000000e+02, v20  }
0x4cd: {  	v41 =	vld [tilespmem:s21+$0x8C20];
	v60 =	vmul.f32 $2.550000000e+02, v21;
	v61 =	vmul.f32 $2.550000000e+02, v22  }
0x4ce: {  	v47 =	vld [tilespmem:s21+$0x8C40];
	v62 =	vmul.f32 $2.550000000e+02, v24;
	v23 =	vmul.f32 $2.550000000e+02, v23  }
0x4cf: {  	v24 =	vmul.f32 $2.550000000e+02, v63;
	v32 =	vmul.f32 $2.550000000e+02, v25  }
0x4d0: {  	v34 =	vmul.f32 $2.550000000e+02, v26;
	v37 =	vmul.f32 $2.550000000e+02, v30  }
0x4d1: {  	v42 =	vmul.f32 $2.550000000e+02, v36;
	v43 =	vmul.f32 $2.550000000e+02, v35  }
0x4d2: {  	v45 =	vmul.f32 $2.550000000e+02, v40;
	v46 =	vmul.f32 $2.550000000e+02, v41  }
0x4d3: {  	v54 =	vmul.f32 $2.550000000e+02, v47;
	v6 =	vtrunc.f32 v6  }
0x4d4: {  	v7 =	vtrunc.f32 v7;
	v9 =	vtrunc.f32 v9  }
0x4d5: {  	v8 =	vtrunc.f32 v8;
	v10 =	vtrunc.f32 v10  }
0x4d6: {  	v13 =	vtrunc.f32 v13;
	v11 =	vtrunc.f32 v11  }
0x4d7: {  	v28 =	vld [tilespmem:s21+$0x8850];
	v14 =	vtrunc.f32 v14;
	v16 =	vtrunc.f32 v16  }
0x4d8: {  	v19 =	vtrunc.f32 v19;
	v12 =	vtrunc.f32 v12  }
0x4d9: {  	v20 =	vtrunc.f32 v20;
	v18 =	vtrunc.f32 v18  }
0x4da: {  	v27 =	vtrunc.f32 v17;
	v22 =	vtrunc.f32 v62  }
0x4db: {  	v21 =	vtrunc.f32 v61;
	v33 =	vtrunc.f32 v24  }
0x4dc: {  	v15 =	vtrunc.f32 v15;
	v17 =	vmul.f32 $2.550000000e+02, v28  }
0x4dd: {  	v56 =	vtrunc.f32 v54;
	v6 =	vcvt.f32.s32 v6  }
0x4de: {  	v7 =	vcvt.f32.s32 v7;
	v9 =	vcvt.f32.s32 v9  }
0x4df: {  	v8 =	vcvt.f32.s32 v8;
	v11 =	vcvt.f32.s32 v11  }
0x4e0: {  	v58 =	vld [tilespmem:s21+$0x8830];
	v10 =	vcvt.f32.s32 v10;
	v16 =	vcvt.f32.s32 v16  }
0x4e1: {  	v13 =	vcvt.f32.s32 v13;
	v14 =	vcvt.f32.s32 v14;
	v6 =	vshll.u32 v6, $0x4  }
0x4e2: {  	v57 =	vcvt.f32.s32 v19;
	v7 =	vshll.u32 v7, $0x4;
	v6 =	vadd.s32 v4, v6  }
0x4e3: {  	v59 =	vcvt.f32.s32 v12;
	v12 =	vtrunc.f32 v60;
	v7 =	vadd.s32 v4, v7  }
0x4e4: {  	v22 =	vcvt.f32.s32 v22;
	v29 =	vcvt.f32.s32 v20  }
0x4e5: {  	v19 =	vmul.f32 $2.550000000e+02, v58;
	v18 =	vcvt.f32.s32 v18  }
0x4e6: {  	v15 =	vcvt.f32.s32 v15;
	v39 =	vcvt.f32.s32 v33  }
0x4e7: {  	v12 =	vcvt.f32.s32 v12;
	v17 =	vtrunc.f32 v17;
	v14 =	vshll.u32 v14, $0x4;
	[tilespmem:v6+s14+$0x0] =	vst.idx.add.f32.msk $0xffff, v2  }
0x4e8: {  	v9 =	vshll.u32 v9, $0x4;
	v6 =	vadd.s32 v4, v14;
	[tilespmem:v7+s14+$0x0] =	vst.idx.add.f32.msk $0xffff, v2;
	v7 =	vshll.u32 v13, $0x4  }
0x4e9: {  	v8 =	vshll.u32 v8, $0x4;
	v11 =	vshll.u32 v11, $0x4;
	v7 =	vadd.s32 v4, v7  }
0x4ea: {  	v16 =	vshll.u32 v16, $0x4;
	v10 =	vshll.u32 v10, $0x4;
	v8 =	vadd.s32 v4, v8  }
0x4eb: {  	v48 =	vld [tilespmem:s21+$0x8C30];
	v31 =	vshll.u32 v22, $0x4;
	v19 =	vtrunc.f32 v19;
	v9 =	vadd.s32 v4, v9  }
0x4ec: {  	v49 =	vld [tilespmem:s21+$0x8C50];
	v15 =	vshll.u32 v15, $0x4;
	v44 =	vshll.u32 v18, $0x4;
	v10 =	vadd.s32 v4, v10  }
0x4ed: {  	v17 =	vcvt.f32.s32 v17;
	v18 =	vtrunc.f32 v46;
	v11 =	vadd.s32 v4, v11;
	[tilespmem:v6+s14+$0x0] =	vst.idx.add.f32.msk $0xffff, v2  }
0x4ee: {  	v14 =	vcvt.f32.s32 v27;
	v6 =	vadd.s32 v4, v16;
	[tilespmem:v7+s14+$0x0] =	vst.idx.add.f32.msk $0xffff, v2;
	v7 =	vtrunc.f32 v32  }
0x4ef: {  	v38 =	vadd.s32 v4, v15;
	[tilespmem:v8+s14+$0x0] =	vst.idx.add.f32.msk $0xffff, v2;
	v8 =	vshll.u32 v57, $0x4;
	v7 =	vcvt.f32.s32 v7  }
0x4f0: {  	v19 =	vcvt.f32.s32 v19;
	[tilespmem:v9+s14+$0x0] =	vst.idx.add.f32.msk $0xffff, v2;
	v8 =	vadd.s32 v4, v8;
	v14 =	vshll.u32 v14, $0x4  }
0x4f1: {  	v15 =	vshll.u32 v39, $0x4;
	[tilespmem:v10+s14+$0x0] =	vst.idx.add.f32.msk $0xffff, v2;
	v14 =	vadd.s32 v4, v14;
	v7 =	vshll.u32 v7, $0x4  }
0x4f2: {  	v18 =	vcvt.f32.s32 v18;
	v9 =	vshll.u32 v59, $0x4;
	[tilespmem:v11+s14+$0x0] =	vst.idx.add.f32.msk $0xffff, v2;
	v7 =	vadd.s32 v4, v7  }
0x4f3: {  	v12 =	vshll.u32 v12, $0x4;
	v9 =	vadd.s32 v4, v9;
	[tilespmem:v6+s14+$0x0] =	vst.idx.add.f32.msk $0xffff, v2;
	v6 =	vcvt.f32.s32 v21  }
0x4f4: {  	v51 =	vshll.u32 v17, $0x4;
	v52 =	vadd.s32 v4, v15;
	v12 =	vadd.s32 v4, v12;
	[tilespmem:v38+s14+$0x0] =	vst.idx.add.f32.msk $0xffff, v2  }
0x4f5: {  	v53 =	vshll.u32 v18, $0x4;
	v16 =	vtrunc.f32 v34;
	[tilespmem:v8+s14+$0x0] =	vst.idx.add.f32.msk $0xffff, v2;
	v6 =	vshll.u32 v6, $0x4  }
0x4f6: {  	v16 =	vcvt.f32.s32 v16;
	[tilespmem:v14+s14+$0x0] =	vst.idx.add.f32.msk $0xffff, v2;
	v14 =	vtrunc.f32 v45;
	v6 =	vadd.s32 v4, v6  }
0x4f7: {  	v55 =	vshll.u32 v19, $0x4;
	v11 =	vadd.s32 v4, v44;
	[tilespmem:v7+s14+$0x0] =	vst.idx.add.f32.msk $0xffff, v2;
	v7 =	vcvt.f32.s32 v14  }
0x4f8: {  	v8 =	vadd.s32 v4, v31;
	[tilespmem:v9+s14+$0x0] =	vst.idx.add.f32.msk $0xffff, v2;
	v9 =	vtrunc.f32 v42;
	v16 =	vshll.u32 v16, $0x4  }
0x4f9: {  	[tilespmem:v52+s14+$0x0] =	vst.idx.add.f32.msk $0xffff, v2;
	v9 =	vcvt.f32.s32 v9;
	v16 =	vadd.s32 v4, v16;
	v7 =	vshll.u32 v7, $0x4  }
0x4fa: {  	v58 =	vadd.s32 v4, v51;
	v57 =	vmul.f32 $2.550000000e+02, v49;
	[tilespmem:v12+s14+$0x0] =	vst.idx.add.f32.msk $0xffff, v2;
	v7 =	vadd.s32 v4, v7  }
0x4fb: {  	v59 =	vtrunc.f32 v23;
	v9 =	vshll.u32 v9, $0x4;
	[tilespmem:v6+s14+$0x0] =	vst.idx.add.f32.msk $0xffff, v2;
	v6 =	vadd.s32 v4, v55  }
0x4fc: {  	v60 =	vtrunc.f32 v57;
	[tilespmem:v11+s14+$0x0] =	vst.idx.add.f32.msk $0xffff, v2;
	v11 =	vcvt.f32.s32 v59;
	v9 =	vadd.s32 v4, v9  }
0x4fd: {  	v15 =	vadd.s32 v4, v53;
	v13 =	vshll.u32 v29, $0x4;
	v61 =	vcvt.f32.s32 v60;
	[tilespmem:v8+s14+$0x0] =	vst.idx.add.f32.msk $0xffff, v2  }
0x4fe: {  	v13 =	vadd.s32 v4, v13;
	v63 =	vshll.u32 v11, $0x4;
	v21 =	vtrunc.f32 v43;
	[tilespmem:v16+s14+$0x0] =	vst.idx.add.f32.msk $0xffff, v2  }
0x4ff: {  	v8 =	vtrunc.f32 v37;
	v50 =	vcvt.f32.s32 v21;
	[tilespmem:v7+s14+$0x0] =	vst.idx.add.f32.msk $0xffff, v2;
	v7 =	vshll.u32 v61, $0x4  }
0x500: {  	v8 =	vcvt.f32.s32 v8;
	[tilespmem:v6+s14+$0x0] =	vst.idx.add.f32.msk $0xffff, v2;
	v6 =	vadd.s32 v4, v7;
	v7 =	vmul.f32 $2.550000000e+02, v48  }
0x501: {  	v10 =	vadd.s32 v4, v63;
	v16 =	vshll.u32 v50, $0x4;
	[tilespmem:v9+s14+$0x0] =	vst.idx.add.f32.msk $0xffff, v2;
	v9 =	vcvt.f32.s32 v56  }
0x502: {  	[tilespmem:v58+s14+$0x0] =	vst.idx.add.f32.msk $0xffff, v2;
	v8 =	vshll.u32 v8, $0x4;
	v62 =	vadd.s32 v4, v16;
	v7 =	vtrunc.f32 v7  }
0x503: {  	[tilespmem:v15+s14+$0x0] =	vst.idx.add.f32.msk $0xffff, v2;
	v8 =	vadd.s32 v4, v8;
	v9 =	vshll.u32 v9, $0x4;
	v7 =	vcvt.f32.s32 v7  }
0x504: {  	[tilespmem:v13+s14+$0x0] =	vst.idx.add.f32.msk $0xffff, v2;
	v9 =	vadd.s32 v4, v9  }
0x505: {  	[tilespmem:v6+s14+$0x0] =	vst.idx.add.f32.msk $0xffff, v2;
	v6 =	vshll.u32 v7, $0x4  }
0x506: {  	[tilespmem:v10+s14+$0x0] =	vst.idx.add.f32.msk $0xffff, v2;
	v6 =	vadd.s32 v4, v6  }
0x507: {  	[tilespmem:v62+s14+$0x0] =	vst.idx.add.f32.msk $0xffff, v2  }
0x508: {  	[tilespmem:v8+s14+$0x0] =	vst.idx.add.f32.msk $0xffff, v2  }
0x509: {  	s24 =	simm.s32 $0x200;
	s21 =	simm.s32 $0x80;
	[tilespmem:v9+s14+$0x0] =	vst.idx.add.f32.msk $0xffff, v2  }
.LBB2_22:
0x50a: {  	s22 =	smov.u32 s24  }
0x50b: {  	s23 =	sand.u32 $0x7000, s24;
	s25 =	sand.u32 $0x380, s21;
	[tilespmem:v6+s14+$0x0] =	vst.idx.add.f32.msk $0xffff, v2;
	s22 =	sadd.s32 $0x200, s24  }
0x50c: {  	p0 =	sne.s32 s24, $0x7E00;
	s23 =	sor.u32 s25, s23  }
0x50d: {  	v6 =	vld [tilespmem:s23+$0x8000]  }
0x50e: {  	v7 =	vld [tilespmem:s23+$0x8010]  }
0x50f: {  	v8 =	vld [tilespmem:s23+$0x8020]  }
0x510: {  	v9 =	vld [tilespmem:s23+$0x8030]  }
0x511: {  	v10 =	vld [tilespmem:s23+$0x8040]  }
0x512: {  	v6 =	vmul.f32 $2.550000000e+02, v6;
	v11 =	vld [tilespmem:s23+$0x8050]  }
0x513: {  	v7 =	vmul.f32 $2.550000000e+02, v7;
	v12 =	vld [tilespmem:s23+$0x8060]  }
0x514: {  	v6 =	vtrunc.f32 v6;
	v8 =	vmul.f32 $2.550000000e+02, v8;
	v13 =	vld [tilespmem:s23+$0x8070]  }
0x515: {  	v7 =	vtrunc.f32 v7;
	v9 =	vmul.f32 $2.550000000e+02, v9;
	v14 =	vld [tilespmem:s23+$0x8400]  }
0x516: {  	v6 =	vcvt.f32.s32 v6;
	v10 =	vmul.f32 $2.550000000e+02, v10;
	v15 =	vld [tilespmem:s23+$0x8410]  }
0x517: {  	v7 =	vcvt.f32.s32 v7;
	v9 =	vtrunc.f32 v9;
	v16 =	vld [tilespmem:s23+$0x8420]  }
0x518: {  	v6 =	vshll.u32 v6, $0x4;
	v11 =	vmul.f32 $2.550000000e+02, v11;
	v9 =	vcvt.f32.s32 v9;
	v17 =	vld [tilespmem:s23+$0x8430]  }
0x519: {  	v8 =	vtrunc.f32 v8;
	v7 =	vshll.u32 v7, $0x4;
	v10 =	vtrunc.f32 v10;
	v18 =	vld [tilespmem:s23+$0x8440]  }
0x51a: {  	v7 =	vadd.s32 v4, v7;
	v13 =	vmul.f32 $2.550000000e+02, v13;
	v9 =	vshll.u32 v9, $0x4;
	v19 =	vld [tilespmem:s23+$0x8450]  }
0x51b: {  	v8 =	vcvt.f32.s32 v8;
	v9 =	vadd.s32 v4, v9;
	v15 =	vmul.f32 $2.550000000e+02, v15;
	v20 =	vld [tilespmem:s23+$0x8460]  }
0x51c: {  	v12 =	vmul.f32 $2.550000000e+02, v12;
	v13 =	vtrunc.f32 v13;
	v21 =	vld [tilespmem:s23+$0x8470]  }
0x51d: {  	v8 =	vshll.u32 v8, $0x4;
	v11 =	vtrunc.f32 v11;
	v17 =	vmul.f32 $2.550000000e+02, v17;
	v22 =	vld [tilespmem:s23+$0x8800]  }
0x51e: {  	v14 =	vmul.f32 $2.550000000e+02, v14;
	v15 =	vtrunc.f32 v15;
	v23 =	vld [tilespmem:s23+$0x8810]  }
0x51f: {  	v8 =	vadd.s32 v4, v8;
	v11 =	vcvt.f32.s32 v11;
	v17 =	vtrunc.f32 v17;
	v24 =	vld [tilespmem:s23+$0x8820]  }
0x520: {  	v6 =	vadd.s32 v4, v6;
	[tilespmem:v9+s14+$0x0] =	vst.idx.add.f32.msk $0xffff, v2;
	v9 =	vcvt.f32.s32 v10;
	v10 =	vcvt.f32.s32 v17  }
0x521: {  	v11 =	vshll.u32 v11, $0x4;
	v17 =	vmul.f32 $2.550000000e+02, v18;
	v18 =	vmul.f32 $2.550000000e+02, v21;
	v21 =	vld [tilespmem:s23+$0x8830]  }
0x522: {  	v16 =	vmul.f32 $2.550000000e+02, v16;
	v10 =	vshll.u32 v10, $0x4;
	v22 =	vmul.f32 $2.550000000e+02, v22  }
0x523: {  	v13 =	vcvt.f32.s32 v13;
	v9 =	vshll.u32 v9, $0x4;
	v18 =	vtrunc.f32 v18;
	v25 =	vld [tilespmem:s23+$0x8840]  }
0x524: {  	[tilespmem:v8+s14+$0x0] =	vst.idx.add.f32.msk $0xffff, v2;
	v8 =	vcvt.f32.s32 v15;
	v15 =	vcvt.f32.s32 v18  }
0x525: {  	[tilespmem:v6+s14+$0x0] =	vst.idx.add.f32.msk $0xffff, v2;
	v6 =	vadd.s32 v4, v9;
	v9 =	vtrunc.f32 v12;
	v12 =	vtrunc.f32 v22  }
0x526: {  	v17 =	vtrunc.f32 v17;
	v8 =	vshll.u32 v8, $0x4;
	v15 =	vshll.u32 v15, $0x4;
	v18 =	vld [tilespmem:s23+$0x8850]  }
0x527: {  	v19 =	vmul.f32 $2.550000000e+02, v19;
	v9 =	vcvt.f32.s32 v9;
	v15 =	vadd.s32 v4, v15;
	v22 =	vld [tilespmem:s23+$0x8C60]  }
0x528: {  	v20 =	vmul.f32 $2.550000000e+02, v20;
	v8 =	vadd.s32 v4, v8;
	v25 =	vmul.f32 $2.550000000e+02, v25;
	v26 =	vld [tilespmem:s23+$0x8860]  }
0x529: {  	[tilespmem:v7+s14+$0x0] =	vst.idx.add.f32.msk $0xffff, v2;
	v7 =	vshll.u32 v9, $0x4;
	v9 =	vtrunc.f32 v16;
	v16 =	vtrunc.f32 v19  }
0x52a: {  	[tilespmem:v6+s14+$0x0] =	vst.idx.add.f32.msk $0xffff, v2;
	v6 =	vadd.s32 v4, v7;
	v7 =	vcvt.f32.s32 v9;
	v9 =	vtrunc.f32 v25  }
0x52b: {  	v13 =	vshll.u32 v13, $0x4;
	v19 =	vtrunc.f32 v20;
	v9 =	vcvt.f32.s32 v9;
	v20 =	vld [tilespmem:s23+$0x8870]  }
0x52c: {  	v13 =	vadd.s32 v4, v13;
	v12 =	vcvt.f32.s32 v12;
	[tilespmem:v15+s14+$0x0] =	vst.idx.add.f32.msk $0xffff, v2;
	v15 =	vmul.f32 $2.550000000e+02, v21  }
0x52d: {  	[tilespmem:v8+s14+$0x0] =	vst.idx.add.f32.msk $0xffff, v2;
	v8 =	vmul.f32 $2.550000000e+02, v23;
	v9 =	vshll.u32 v9, $0x4;
	v21 =	vmul.f32 $2.550000000e+02, v26  }
0x52e: {  	v17 =	vcvt.f32.s32 v17;
	v15 =	vtrunc.f32 v15;
	v9 =	vadd.s32 v4, v9;
	v23 =	vld [tilespmem:s23+$0x8C70]  }
0x52f: {  	[tilespmem:v6+s14+$0x0] =	vst.idx.add.f32.msk $0xffff, v2;
	v6 =	vadd.s32 v4, v10;
	v10 =	vmul.f32 $2.550000000e+02, v24;
	v21 =	vtrunc.f32 v21  }
0x530: {  	v14 =	vtrunc.f32 v14;
	v7 =	vshll.u32 v7, $0x4;
	v20 =	vmul.f32 $2.550000000e+02, v20  }
0x531: {  	v11 =	vadd.s32 v4, v11;
	[tilespmem:v13+s14+$0x0] =	vst.idx.add.f32.msk $0xffff, v2;
	v13 =	vcvt.f32.s32 v14;
	v14 =	vcvt.f32.s32 v16  }
0x532: {  	v22 =	vmul.f32 $2.550000000e+02, v22;
	v7 =	vadd.s32 v4, v7;
	v16 =	vtrunc.f32 v20;
	v20 =	vld [tilespmem:s23+$0x8C00]  }
0x533: {  	v10 =	vtrunc.f32 v10;
	v13 =	vshll.u32 v13, $0x4;
	[tilespmem:v9+s14+$0x0] =	vst.idx.add.f32.msk $0xffff, v2;
	v9 =	vcvt.f32.s32 v16  }
0x534: {  	v13 =	vadd.s32 v4, v13;
	[tilespmem:v6+s14+$0x0] =	vst.idx.add.f32.msk $0xffff, v2;
	v6 =	vshll.u32 v12, $0x4;
	v12 =	vcvt.f32.s32 v21  }
0x535: {  	v10 =	vcvt.f32.s32 v10;
	v16 =	vmul.f32 $2.550000000e+02, v18;
	v9 =	vshll.u32 v9, $0x4;
	v18 =	vld [tilespmem:s23+$0x8C10]  }
0x536: {  	[tilespmem:v11+s14+$0x0] =	vst.idx.add.f32.msk $0xffff, v2;
	v11 =	vcvt.f32.s32 v15;
	v9 =	vadd.s32 v4, v9;
	v15 =	vtrunc.f32 v22  }
0x537: {  	v19 =	vcvt.f32.s32 v19;
	v10 =	vshll.u32 v10, $0x4;
	v20 =	vmul.f32 $2.550000000e+02, v20;
	v21 =	vld [tilespmem:s23+$0x8C20]  }
0x538: {  	[tilespmem:v7+s14+$0x0] =	vst.idx.add.f32.msk $0xffff, v2;
	v7 =	vadd.s32 v4, v10;
	v10 =	vcvt.f32.s32 v15;
	v15 =	vmul.f32 $2.550000000e+02, v23  }
0x539: {  	v17 =	vshll.u32 v17, $0x4;
	v16 =	vtrunc.f32 v16;
	v20 =	vtrunc.f32 v20  }
0x53a: {  	v19 =	vshll.u32 v19, $0x4;
	v20 =	vcvt.f32.s32 v20;
	v18 =	vmul.f32 $2.550000000e+02, v18;
	v22 =	vld [tilespmem:s23+$0x8C30]  }
0x53b: {  	v6 =	vadd.s32 v4, v6;
	v16 =	vcvt.f32.s32 v16;
	[tilespmem:v9+s14+$0x0] =	vst.idx.add.f32.msk $0xffff, v2;
	v9 =	vtrunc.f32 v15  }
0x53c: {  	v15 =	vadd.s32 v4, v19;
	v19 =	vshll.u32 v20, $0x4;
	v20 =	vmul.f32 $2.550000000e+02, v21;
	v21 =	vld [tilespmem:s23+$0x8C40]  }
0x53d: {  	v18 =	vtrunc.f32 v18;
	v9 =	vcvt.f32.s32 v9;
	[tilespmem:v7+s14+$0x0] =	vst.idx.add.f32.msk $0xffff, v2;
	v7 =	vadd.s32 v4, v19  }
0x53e: {  	v12 =	vshll.u32 v12, $0x4;
	v18 =	vcvt.f32.s32 v18;
	v19 =	vtrunc.f32 v20;
	v20 =	vld [tilespmem:s23+$0x8C50]  }
0x53f: {  	v9 =	vshll.u32 v9, $0x4;
	[tilespmem:v13+s14+$0x0] =	vst.idx.add.f32.msk $0xffff, v2;
	v13 =	vshll.u32 v16, $0x4;
	v16 =	vcvt.f32.s32 v19  }
0x540: {  	v17 =	vadd.s32 v4, v17;
	v18 =	vshll.u32 v18, $0x4;
	v19 =	vmul.f32 $2.550000000e+02, v22  }
0x541: {  	[tilespmem:v6+s14+$0x0] =	vst.idx.add.f32.msk $0xffff, v2;
	v6 =	vadd.s32 v4, v12;
	v12 =	vshll.u32 v16, $0x4;
	v16 =	vmul.f32 $2.550000000e+02, v21  }
0x542: {  	v11 =	vshll.u32 v11, $0x4;
	[tilespmem:v7+s14+$0x0] =	vst.idx.add.f32.msk $0xffff, v2;
	v7 =	vadd.s32 v4, v18;
	v12 =	vadd.s32 v4, v12  }
0x543: {  	v13 =	vadd.s32 v4, v13;
	[tilespmem:v15+s14+$0x0] =	vst.idx.add.f32.msk $0xffff, v2;
	v15 =	vtrunc.f32 v16;
	v16 =	vmul.f32 $2.550000000e+02, v20  }
0x544: {  	v11 =	vadd.s32 v4, v11;
	v18 =	vtrunc.f32 v19;
	v15 =	vcvt.f32.s32 v15  }
0x545: {  	v8 =	vtrunc.f32 v8;
	v14 =	vshll.u32 v14, $0x4;
	[tilespmem:v17+s14+$0x0] =	vst.idx.add.f32.msk $0xffff, v2;
	v16 =	vtrunc.f32 v16  }
0x546: {  	v9 =	vadd.s32 v4, v9;
	[tilespmem:v6+s14+$0x0] =	vst.idx.add.f32.msk $0xffff, v2;
	v6 =	vshll.u32 v15, $0x4;
	v15 =	vcvt.f32.s32 v16  }
0x547: {  	v8 =	vcvt.f32.s32 v8;
	[tilespmem:v12+s14+$0x0] =	vst.idx.add.f32.msk $0xffff, v2;
	v12 =	vadd.s32 v4, v6;
	v6 =	vshll.u32 v10, $0x4  }
0x548: {  	v10 =	vadd.s32 v4, v14;
	[tilespmem:v7+s14+$0x0] =	vst.idx.add.f32.msk $0xffff, v2;
	v7 =	vcvt.f32.s32 v18;
	v14 =	vshll.u32 v15, $0x4  }
0x549: {  	v8 =	vshll.u32 v8, $0x4;
	[tilespmem:v11+s14+$0x0] =	vst.idx.add.f32.msk $0xffff, v2;
	v11 =	vadd.s32 v4, v14  }
0x54a: {  	v8 =	vadd.s32 v4, v8;
	[tilespmem:v13+s14+$0x0] =	vst.idx.add.f32.msk $0xffff, v2;
	v7 =	vshll.u32 v7, $0x4  }
0x54b: {  	v13 =	vadd.s32 v4, v6;
	[tilespmem:v9+s14+$0x0] =	vst.idx.add.f32.msk $0xffff, v2  }
.Ltmp10:
0x54c: {  	v6 =	vadd.s32 v4, v7;
	[tilespmem:v12+s14+$0x0] =	vst.idx.add.f32.msk $0xffff, v2;
	(pc) =	sbr.rel @p0 .LBB2_22-.Ltmp10, $4  }
0x54d: {  	[tilespmem:v10+s14+$0x0] =	vst.idx.add.f32.msk $0xffff, v2  }
0x54e: {  	[tilespmem:v11+s14+$0x0] =	vst.idx.add.f32.msk $0xffff, v2  }
0x54f: {  	[tilespmem:v8+s14+$0x0] =	vst.idx.add.f32.msk $0xffff, v2  }
0x550: {  	s21 =	sadd.s32 $0x80, s21;
	s24 =	smov.u32 s22;
	[tilespmem:v13+s14+$0x0] =	vst.idx.add.f32.msk $0xffff, v2  }
0x551: {  	s21 =	simm.s32 $0x100  }
0x552: {  	s22 =	simm.s32 $0x0;
	v7 =	vor.u32 s21, v5  }
0x553: {  	s28 =	simm.s32 $0x101;
	v8 =	vor.u32 s22, v5  }
0x554: {  	s29 =	simm.s32 $0x1;
	v9 =	vor.u32 s28, v5  }
0x555: {  	s30 =	simm.s32 $0x102;
	v10 =	vor.u32 s29, v5  }
0x556: {  	[tilespmem:v6+s14+$0x0] =	vst.idx.add.f32.msk $0xffff, v2;
	s31 =	simm.s32 $0x2;
	v6 =	vor.u32 s30, v5  }
0x557: {  	s23 =	simm.s32 $0x103;
	v11 =	vor.u32 s31, v5;
	v7 =	vld.idx.msk [tilespmem:v7+s14+$0x0], $0xffff  }
0x558: {  	s24 =	simm.s32 $0x3;
	v12 =	vor.u32 s23, v5;
	v8 =	vld.idx.msk [tilespmem:v8+s14+$0x0], $0xffff  }
0x559: {  	s25 =	simm.s32 $0x104;
	v13 =	vor.u32 s24, v5;
	v9 =	vld.idx.msk [tilespmem:v9+s14+$0x0], $0xffff  }
0x55a: {  	s26 =	simm.s32 $0x4;
	v14 =	vor.u32 s25, v5;
	v10 =	vld.idx.msk [tilespmem:v10+s14+$0x0], $0xffff  }
0x55b: {  	v15 =	vor.u32 s26, v5;
	s28 =	simm.s32 $0x105;
	v6 =	vld.idx.msk [tilespmem:v6+s14+$0x0], $0xffff  }
0x55c: {  	s29 =	simm.s32 $0x5;
	v16 =	vor.u32 s28, v5;
	v11 =	vld.idx.msk [tilespmem:v11+s14+$0x0], $0xffff  }
0x55d: {  	s30 =	simm.s32 $0x106;
	v17 =	vor.u32 s29, v5;
	v12 =	vld.idx.msk [tilespmem:v12+s14+$0x0], $0xffff  }
0x55e: {  	s31 =	simm.s32 $0x6;
	v18 =	vor.u32 s30, v5;
	v13 =	vld.idx.msk [tilespmem:v13+s14+$0x0], $0xffff  }
0x55f: {  	s23 =	simm.s32 $0x107;
	v19 =	vor.u32 s31, v5;
	v14 =	vld.idx.msk [tilespmem:v14+s14+$0x0], $0xffff  }
0x560: {  	s24 =	simm.s32 $0x7;
	v20 =	vor.u32 s23, v5;
	v15 =	vld.idx.msk [tilespmem:v15+s14+$0x0], $0xffff  }
0x561: {  	s25 =	simm.s32 $0x108;
	v21 =	vor.u32 s24, v5;
	v16 =	vld.idx.msk [tilespmem:v16+s14+$0x0], $0xffff  }
0x562: {  	s26 =	simm.s32 $0x8;
	v22 =	vor.u32 s25, v5;
	v17 =	vld.idx.msk [tilespmem:v17+s14+$0x0], $0xffff  }
0x563: {  	v23 =	vor.u32 s26, v5;
	s28 =	simm.s32 $0x109;
	v18 =	vld.idx.msk [tilespmem:v18+s14+$0x0], $0xffff  }
0x564: {  	s29 =	simm.s32 $0x9;
	v24 =	vor.u32 s28, v5;
	v19 =	vld.idx.msk [tilespmem:v19+s14+$0x0], $0xffff  }
0x565: {  	s30 =	simm.s32 $0x10A;
	v25 =	vor.u32 s29, v5;
	v20 =	vld.idx.msk [tilespmem:v20+s14+$0x0], $0xffff  }
0x566: {  	s31 =	simm.s32 $0xA;
	v26 =	vor.u32 s30, v5;
	v21 =	vld.idx.msk [tilespmem:v21+s14+$0x0], $0xffff  }
0x567: {  	s23 =	simm.s32 $0x10B;
	v27 =	vor.u32 s31, v5;
	v22 =	vld.idx.msk [tilespmem:v22+s14+$0x0], $0xffff  }
0x568: {  	s24 =	simm.s32 $0xB;
	v28 =	vor.u32 s23, v5;
	v23 =	vld.idx.msk [tilespmem:v23+s14+$0x0], $0xffff  }
0x569: {  	s25 =	simm.s32 $0x10C;
	v29 =	vor.u32 s24, v5;
	v24 =	vld.idx.msk [tilespmem:v24+s14+$0x0], $0xffff  }
0x56a: {  	s26 =	simm.s32 $0xC;
	v30 =	vor.u32 s25, v5;
	v25 =	vld.idx.msk [tilespmem:v25+s14+$0x0], $0xffff  }
0x56b: {  	v31 =	vor.u32 s26, v5;
	s29 =	simm.s32 $0xD;
	v26 =	vld.idx.msk [tilespmem:v26+s14+$0x0], $0xffff  }
0x56c: {  	s31 =	simm.s32 $0xE;
	v33 =	vor.u32 s29, v5;
	v27 =	vld.idx.msk [tilespmem:v27+s14+$0x0], $0xffff  }
0x56d: {  	s23 =	simm.s32 $0x10F;
	v35 =	vor.u32 s31, v5;
	v28 =	vld.idx.msk [tilespmem:v28+s14+$0x0], $0xffff  }
0x56e: {  	s25 =	simm.s32 $0x300;
	v36 =	vor.u32 s23, v5;
	s23 =	simm.s32 $0x303;
	v29 =	vld.idx.msk [tilespmem:v29+s14+$0x0], $0xffff;
	v7 =	vadd.f32 $0.0e+00, v7  }
0x56f: {  	v50 =	vor.u32 s25, v5;
	s25 =	simm.s32 $0x304;
	v52 =	vor.u32 s23, v5;
	v30 =	vld.idx.msk [tilespmem:v30+s14+$0x0], $0xffff;
	v8 =	vadd.f32 $0.0e+00, v8  }
0x570: {  	s28 =	simm.s32 $0x10D;
	v53 =	vor.u32 s25, v5;
	v31 =	vld.idx.msk [tilespmem:v31+s14+$0x0], $0xffff;
	v7 =	vadd.f32 v9, v7  }
0x571: {  	v32 =	vor.u32 s28, v5;
	v33 =	vld.idx.msk [tilespmem:v33+s14+$0x0], $0xffff;
	v8 =	vadd.f32 v10, v8  }
0x572: {  	s26 =	simm.s32 $0x200;
	v35 =	vld.idx.msk [tilespmem:v35+s14+$0x0], $0xffff;
	v6 =	vadd.f32 v6, v7  }
0x573: {  	s28 =	simm.s32 $0x301;
	v36 =	vld.idx.msk [tilespmem:v36+s14+$0x0], $0xffff;
	v7 =	vadd.f32 v11, v8;
	v8 =	vor.u32 s26, v5  }
0x574: {  	s30 =	simm.s32 $0x10E;
	s29 =	simm.s32 $0x201;
	v51 =	vor.u32 s28, v5;
	v54 =	vld.idx.msk [tilespmem:v52+s14+$0x0], $0xffff;
	v6 =	vadd.f32 v12, v6  }
0x575: {  	v34 =	vor.u32 s30, v5;
	s30 =	simm.s32 $0x302;
	v57 =	vld.idx.msk [tilespmem:v53+s14+$0x0], $0xffff;
	v7 =	vadd.f32 v13, v7;
	v12 =	vor.u32 s29, v5  }
0x576: {  	s31 =	simm.s32 $0x202;
	v10 =	vld.idx.msk [tilespmem:v32+s14+$0x0], $0xffff;
	v13 =	vor.u32 s30, v5;
	v6 =	vadd.f32 v14, v6  }
0x577: {  	s24 =	simm.s32 $0xF;
	v7 =	vadd.f32 v15, v7;
	v14 =	vor.u32 s31, v5;
	v15 =	vld.idx.msk [tilespmem:v50+s14+$0x0], $0xffff  }
0x578: {  	v9 =	vor.u32 s24, v5;
	s24 =	simm.s32 $0x203;
	v8 =	vld.idx.msk [tilespmem:v8+s14+$0x0], $0xffff;
	v6 =	vadd.f32 v16, v6  }
0x579: {  	v7 =	vadd.f32 v17, v7;
	v16 =	vor.u32 s24, v5;
	v17 =	vld.idx.msk [tilespmem:v51+s14+$0x0], $0xffff  }
0x57a: {  	s26 =	simm.s32 $0x204;
	v12 =	vld.idx.msk [tilespmem:v12+s14+$0x0], $0xffff;
	v6 =	vadd.f32 v18, v6  }
0x57b: {  	s28 =	simm.s32 $0x305;
	v13 =	vld.idx.msk [tilespmem:v13+s14+$0x0], $0xffff;
	v7 =	vadd.f32 v19, v7;
	v18 =	vor.u32 s26, v5  }
0x57c: {  	s29 =	simm.s32 $0x205;
	v19 =	vor.u32 s28, v5;
	v14 =	vld.idx.msk [tilespmem:v14+s14+$0x0], $0xffff;
	v15 =	vadd.f32 $0.0e+00, v15;
	v6 =	vadd.f32 v20, v6  }
0x57d: {  	v11 =	vld.idx.msk [tilespmem:v34+s14+$0x0], $0xffff;
	s30 =	simm.s32 $0x306;
	v7 =	vadd.f32 v21, v7;
	v20 =	vor.u32 s29, v5;
	v8 =	vadd.f32 $0.0e+00, v8  }
0x57e: {  	v55 =	vor.u32 s30, v5;
	s31 =	simm.s32 $0x206;
	v16 =	vld.idx.msk [tilespmem:v16+s14+$0x0], $0xffff;
	v15 =	vadd.f32 v17, v15;
	v6 =	vadd.f32 v22, v6  }
0x57f: {  	s23 =	simm.s32 $0x307;
	v9 =	vld.idx.msk [tilespmem:v9+s14+$0x0], $0xffff;
	v56 =	vor.u32 s31, v5;
	v7 =	vadd.f32 v23, v7;
	v8 =	vadd.f32 v12, v8  }
0x580: {  	s24 =	simm.s32 $0x207;
	v17 =	vor.u32 s23, v5;
	v12 =	vld.idx.msk [tilespmem:v18+s14+$0x0], $0xffff;
	v13 =	vadd.f32 v13, v15;
	v6 =	vadd.f32 v24, v6  }
0x581: {  	s25 =	simm.s32 $0x308;
	v18 =	vor.u32 s24, v5;
	v19 =	vld.idx.msk [tilespmem:v19+s14+$0x0], $0xffff;
	v7 =	vadd.f32 v25, v7;
	v8 =	vadd.f32 v14, v8  }
0x582: {  	s26 =	simm.s32 $0x208;
	v15 =	vor.u32 s25, v5;
	v14 =	vld.idx.msk [tilespmem:v20+s14+$0x0], $0xffff;
	v13 =	vadd.f32 v54, v13;
	v6 =	vadd.f32 v26, v6  }
0x583: {  	v58 =	vld.idx.msk [tilespmem:v55+s14+$0x0], $0xffff;
	s28 =	simm.s32 $0x309;
	v20 =	vor.u32 s26, v5;
	v7 =	vadd.f32 v27, v7;
	v8 =	vadd.f32 v16, v8  }
0x584: {  	v59 =	vor.u32 s28, v5;
	s29 =	simm.s32 $0x209;
	v16 =	vld.idx.msk [tilespmem:v56+s14+$0x0], $0xffff;
	v13 =	vadd.f32 v57, v13;
	v6 =	vadd.f32 v28, v6  }
0x585: {  	s30 =	simm.s32 $0x30A;
	v60 =	vor.u32 s29, v5;
	v17 =	vld.idx.msk [tilespmem:v17+s14+$0x0], $0xffff;
	v7 =	vadd.f32 v29, v7;
	v8 =	vadd.f32 v12, v8  }
0x586: {  	s31 =	simm.s32 $0x20A;
	v12 =	vld.idx.msk [tilespmem:v18+s14+$0x0], $0xffff;
	v18 =	vor.u32 s30, v5;
	v13 =	vadd.f32 v19, v13;
	v6 =	vadd.f32 v30, v6  }
0x587: {  	v61 =	vor.u32 s31, v5;
	s23 =	simm.s32 $0x30B;
	v15 =	vld.idx.msk [tilespmem:v15+s14+$0x0], $0xffff;
	v7 =	vadd.f32 v31, v7;
	v8 =	vadd.f32 v14, v8  }
0x588: {  	s25 =	simm.s32 $0x30C;
	v19 =	vld.idx.msk [tilespmem:v20+s14+$0x0], $0xffff;
	v20 =	vor.u32 s23, v5;
	v13 =	vadd.f32 v58, v13;
	v6 =	vadd.f32 v10, v6  }
0x589: {  	s24 =	simm.s32 $0x20B;
	v21 =	vld.idx.msk [tilespmem:v59+s14+$0x0], $0xffff;
	v62 =	vor.u32 s25, v5;
	v7 =	vadd.f32 v33, v7;
	v16 =	vadd.f32 v16, v8  }
0x58a: {  	s26 =	simm.s32 $0x20C;
	v22 =	vld.idx.msk [tilespmem:v60+s14+$0x0], $0xffff;
	v10 =	vor.u32 s24, v5;
	v17 =	vadd.f32 v17, v13;
	v6 =	vadd.f32 v11, v6  }
0x58b: {  	v63 =	vor.u32 s26, v5;
	s30 =	simm.s32 $0x30D;
	v14 =	vld.idx.msk [tilespmem:v18+s14+$0x0], $0xffff;
	v11 =	vadd.f32 v35, v7;
	v12 =	vadd.f32 v12, v16  }
0x58c: {  	s28 =	simm.s32 $0x20D;
	v13 =	vld.idx.msk [tilespmem:v61+s14+$0x0], $0xffff;
	v15 =	vadd.f32 v15, v17;
	v17 =	vor.u32 s30, v5;
	v16 =	vadd.f32 v36, v6  }
0x58d: {  	s21 =	simm.s32 $0x16010;
	s31 =	simm.s32 $0x30E;
	v8 =	vor.u32 s28, v5;
	v18 =	vadd.f32 v9, v11;
	v11 =	vld.idx.msk [tilespmem:v20+s14+$0x0], $0xffff  }
0x58e: {  	s29 =	simm.s32 $0x20E;
	v20 =	vadd.f32 v19, v12;
	v12 =	vld.idx.msk [tilespmem:v62+s14+$0x0], $0xffff;
	[tilespmem:s21+$0x0] =	vst v16;
	v16 =	vor.u32 s31, v5  }
0x58f: {  	s23 =	simm.s32 $0x20F;
	s24 =	simm.s32 $0x30F;
	v7 =	vor.u32 s29, v5;
	v9 =	vld.idx.msk [tilespmem:v10+s14+$0x0], $0xffff;
	v19 =	vadd.f32 v21, v15  }
0x590: {  	s22 =	simm.s32 $0x2;
	v6 =	vor.u32 s23, v5;
	s23 =	simm.s32 $0x50F;
	v10 =	vld.idx.msk [tilespmem:v63+s14+$0x0], $0xffff;
	v15 =	vor.u32 s24, v5;
	[tilespmem:s21+$0xFFFFFFF0] =	vst v18;
	v18 =	vadd.f32 v22, v20  }
.LBB2_24:
0x591: {  	s24 =	sadd.s32 $0xFFFFFEF1, s23;
	s25 =	sadd.s32 $0xFFFFFFF1, s23;
	s22 =	sadd.s32 $0x2, s22;
	v14 =	vadd.f32 v14, v19;
	v17 =	vld.idx.msk [tilespmem:v17+s14+$0x0], $0xffff  }
0x592: {  	s26 =	sadd.s32 $0xFFFFFEF3, s23;
	v19 =	vor.u32 s24, v5;
	s24 =	sadd.s32 $0xFFFFFEF2, s23;
	v20 =	vor.u32 s25, v5;
	p0 =	slt.u32 s22, $0x5E;
	v13 =	vadd.f32 v13, v18;
	v18 =	vld.idx.msk [tilespmem:v8+s14+$0x0], $0xffff  }
0x593: {  	v22 =	vor.u32 s26, v5;
	s25 =	sadd.s32 $0xFFFFFEF5, s23;
	s26 =	sadd.s32 $0xFFFFFFF2, s23;
	v21 =	vor.u32 s24, v5;
	s24 =	sadd.s32 $0xFFFFFEF4, s23;
	v8 =	vadd.f32 v11, v14;
	v11 =	vld.idx.msk [tilespmem:v16+s14+$0x0], $0xffff  }
0x594: {  	s28 =	sadd.s32 $0xFFFFFEF8, s23;
	v16 =	vor.u32 s25, v5;
	s25 =	sadd.s32 $0xFFFFFEF7, s23;
	v23 =	vor.u32 s26, v5;
	v14 =	vor.u32 s24, v5;
	s24 =	sadd.s32 $0xFFFFFEF6, s23;
	v24 =	vld.idx.msk [tilespmem:v7+s14+$0x0], $0xffff  }
0x595: {  	s26 =	sadd.s32 $0xFFFFFFF3, s23;
	v26 =	vor.u32 s25, v5;
	s25 =	sadd.s32 $0xFFFFFEFA, s23;
	v25 =	vor.u32 s24, v5;
	s24 =	sadd.s32 $0xFFFFFEF9, s23;
	v7 =	vadd.f32 v12, v8;
	v12 =	vld.idx.msk [tilespmem:v15+s14+$0x0], $0xffff  }
0x596: {  	s29 =	sadd.s32 $0xFFFFFEFD, s23;
	v28 =	vor.u32 s26, v5;
	v15 =	vor.u32 s28, v5;
	s28 =	sadd.s32 $0xFFFFFEFC, s23;
	v27 =	vor.u32 s24, v5;
	s24 =	sadd.s32 $0xFFFFFEFB, s23;
	v29 =	vld.idx.msk [tilespmem:v6+s14+$0x0], $0xffff  }
0x597: {  	s26 =	sadd.s32 $0xFFFFFFF4, s23;
	v30 =	vor.u32 s25, v5;
	s25 =	sadd.s32 $0xFFFFFEFF, s23;
	v31 =	vor.u32 s24, v5;
	s24 =	sadd.s32 $0xFFFFFEFE, s23;
	v20 =	vld.idx.msk [tilespmem:v20+s14+$0x0], $0xffff;
	v6 =	vadd.f32 v17, v7  }
0x598: {  	v32 =	vor.u32 s29, v5;
	v33 =	vor.u32 s26, v5;
	v17 =	vld.idx.msk [tilespmem:v19+s14+$0x0], $0xffff;
	v19 =	vor.u32 s28, v5;
	s28 =	sadd.s32 $0xFFFFFF00, s23  }
0x599: {  	v9 =	vadd.f32 v9, v13;
	v8 =	vor.u32 s24, v5;
	s24 =	sadd.s32 $0xFFFFFFF5, s23;
	v23 =	vld.idx.msk [tilespmem:v23+s14+$0x0], $0xffff;
	v11 =	vadd.f32 v11, v6  }
0x59a: {  	v7 =	vor.u32 s25, v5;
	v6 =	vor.u32 s28, v5;
	v13 =	vld.idx.msk [tilespmem:v21+s14+$0x0], $0xffff;
	v21 =	vor.u32 s24, v5  }
0x59b: {  	v9 =	vadd.f32 v10, v9;
	s24 =	sadd.s32 $0xFFFFFFF6, s23;
	v28 =	vld.idx.msk [tilespmem:v28+s14+$0x0], $0xffff;
	v10 =	vadd.f32 v12, v11  }
0x59c: {  	s21 =	sadd.s32 $0x20, s21;
	v12 =	vor.u32 s24, v5;
	v11 =	vld.idx.msk [tilespmem:v22+s14+$0x0], $0xffff  }
0x59d: {  	v9 =	vadd.f32 v18, v9;
	s24 =	sadd.s32 $0xFFFFFFF7, s23;
	v20 =	vadd.f32 $0.0e+00, v20;
	v22 =	vld.idx.msk [tilespmem:v33+s14+$0x0], $0xffff;
	[tilespmem:s21+$0x0] =	vst v10  }
0x59e: {  	v10 =	vadd.f32 $0.0e+00, v17;
	v17 =	vor.u32 s24, v5;
	v14 =	vld.idx.msk [tilespmem:v14+s14+$0x0], $0xffff  }
0x59f: {  	v9 =	vadd.f32 v24, v9;
	s24 =	sadd.s32 $0xFFFFFFF8, s23;
	v18 =	vadd.f32 v23, v20;
	v20 =	vld.idx.msk [tilespmem:v21+s14+$0x0], $0xffff  }
0x5a0: {  	v10 =	vadd.f32 v13, v10;
	v13 =	vld.idx.msk [tilespmem:v16+s14+$0x0], $0xffff;
	v16 =	vor.u32 s24, v5  }
0x5a1: {  	v9 =	vadd.f32 v29, v9;
	v18 =	vadd.f32 v28, v18;
	s24 =	sadd.s32 $0xFFFFFFF9, s23;
	v12 =	vld.idx.msk [tilespmem:v12+s14+$0x0], $0xffff  }
0x5a2: {  	v10 =	vadd.f32 v11, v10;
	v21 =	vor.u32 s24, v5;
	v11 =	vld.idx.msk [tilespmem:v25+s14+$0x0], $0xffff  }
0x5a3: {  	s24 =	sadd.s32 $0xFFFFFFFA, s23;
	v18 =	vadd.f32 v22, v18;
	v17 =	vld.idx.msk [tilespmem:v17+s14+$0x0], $0xffff;
	[tilespmem:s21+$0xFFFFFFF0] =	vst v9  }
0x5a4: {  	v9 =	vadd.f32 v14, v10;
	v14 =	vor.u32 s24, v5;
	v10 =	vld.idx.msk [tilespmem:v26+s14+$0x0], $0xffff  }
0x5a5: {  	s24 =	sadd.s32 $0xFFFFFFFB, s23;
	v18 =	vadd.f32 v20, v18;
	v16 =	vld.idx.msk [tilespmem:v16+s14+$0x0], $0xffff  }
0x5a6: {  	v9 =	vadd.f32 v13, v9;
	v13 =	vld.idx.msk [tilespmem:v15+s14+$0x0], $0xffff;
	v15 =	vor.u32 s24, v5  }
0x5a7: {  	v12 =	vadd.f32 v12, v18;
	s24 =	sadd.s32 $0xFFFFFFFC, s23;
	v18 =	vld.idx.msk [tilespmem:v21+s14+$0x0], $0xffff  }
0x5a8: {  	v9 =	vadd.f32 v11, v9;
	v11 =	vor.u32 s24, v5;
	v20 =	vld.idx.msk [tilespmem:v27+s14+$0x0], $0xffff  }
0x5a9: {  	s24 =	sadd.s32 $0xFFFFFFFD, s23;
	v12 =	vadd.f32 v17, v12;
	v21 =	vld.idx.msk [tilespmem:v14+s14+$0x0], $0xffff  }
0x5aa: {  	v22 =	vor.u32 s24, v5;
	v9 =	vadd.f32 v10, v9;
	v10 =	vld.idx.msk [tilespmem:v30+s14+$0x0], $0xffff  }
0x5ab: {  	s24 =	sadd.s32 $0xFFFFFFFE, s23;
	v12 =	vadd.f32 v16, v12;
	v14 =	vld.idx.msk [tilespmem:v15+s14+$0x0], $0xffff  }
.Ltmp11:
0x5ac: {  	v17 =	vor.u32 s24, v5;
	v9 =	vadd.f32 v13, v9;
	v13 =	vld.idx.msk [tilespmem:v31+s14+$0x0], $0xffff;
	(pc) =	sbr.rel @p0 .LBB2_24-.Ltmp11, $4  }
0x5ad: {  	s24 =	sadd.s32 $0xFFFFFFFF, s23;
	v12 =	vadd.f32 v18, v12;
	v11 =	vld.idx.msk [tilespmem:v11+s14+$0x0], $0xffff  }
0x5ae: {  	v16 =	vor.u32 s24, v5;
	v15 =	vadd.f32 v20, v9;
	v9 =	vld.idx.msk [tilespmem:v19+s14+$0x0], $0xffff  }
0x5af: {  	v19 =	vadd.f32 v21, v12;
	v12 =	vld.idx.msk [tilespmem:v22+s14+$0x0], $0xffff  }
0x5b0: {  	v18 =	vadd.f32 v10, v15;
	v15 =	vor.u32 s23, v5;
	s23 =	sadd.s32 $0x200, s23;
	v10 =	vld.idx.msk [tilespmem:v32+s14+$0x0], $0xffff  }
0x5b1: {  	_ =	sdelay $0x2  }
0x5b2: {  	v14 =	vadd.f32 v14, v19  }
0x5b3: {  	v17 =	vld.idx.msk [tilespmem:v17+s14+$0x0], $0xffff;
	v13 =	vadd.f32 v13, v18  }
0x5b4: {  	v8 =	vld.idx.msk [tilespmem:v8+s14+$0x0], $0xffff;
	v11 =	vadd.f32 v11, v14  }
0x5b5: {  	v59 =	vld.idx.msk [tilespmem:v16+s14+$0x0], $0xffff;
	v9 =	vadd.f32 v9, v13  }
0x5b6: {  	v7 =	vld.idx.msk [tilespmem:v7+s14+$0x0], $0xffff;
	v11 =	vadd.f32 v12, v11  }
0x5b7: {  	v60 =	vld.idx.msk [tilespmem:v15+s14+$0x0], $0xffff;
	v9 =	vadd.f32 v10, v9  }
0x5b8: {  	v6 =	vld.idx.msk [tilespmem:v6+s14+$0x0], $0xffff;
	v61 =	vadd.f32 v17, v11  }
0x5b9: {  	v8 =	vadd.f32 v8, v9  }
0x5ba: {  	v62 =	vadd.f32 v59, v61  }
0x5bb: {  	v7 =	vadd.f32 v7, v8  }
0x5bc: {  	v63 =	vadd.f32 v60, v62  }
0x5bd: {  	s21 =	sadd.s32 $0x20, s21;
	s20 =	sadd.s32 $0x1, s20;
	v6 =	vadd.f32 v6, v7  }
0x5be: {  	p0 =	sne.s32 s20, s11;
	[tilespmem:s21+$0x0] =	vst v63  }
.Ltmp12:
0x5bf: {  	[tilespmem:s21+$0xFFFFFFF0] =	vst v6;
	(pc) =	sbr.rel @p0 .LBB2_1-.Ltmp12, $4  }
0x5c0: {  	[hbm4b:s10+s16] =	stream.strided.scatter [tilespmem:s18], [sflag:$0x3], $0x600, s17, s16, $0x38;
	[tilespmem:$0x16600] =	vst v63  }
0x5c1: {  	_ =	swait.ge [sflag:s19], $0x600  }
0x5c2: {  	[sflag:s19] =	ssyncset.done $0x0  }
0x5c3: {  	[sflag:s19] =	ssyncadd.s32 $0xFFFFFA00  }
0x5c4: {  	_ =	sfence.sel $0x180000  }
0x5c5: {  	[bflag:$0x0] =	sbarrier.arrive $0xFFFF  }
0x5c6: {  	p0 =	sne.s32 s0, $0x0;
	_ =	strace $0x90000047  }
0x5c7: {  	s0 =	sadd.s32 @!p0 $0x100000, s2;
	[bflag:$0x2] =	sbarrier.arrive $0xFFFF  }
0x5c8: {  	[sflag:s0] =	ssyncadd.tile.s32 @!p0 $0x1;
	_ =	shalt  }
.Lfunc_end2:
_tile_overlayer_lowered:
.L_overlay_start_2:
0x5c9: {  	(tag) =	ssettag $0x2  }
0x5ca: {  	s0 =	rddreg [dreg:$0x0];
	s2 =	stileid.u32  }
0x5cb: {  	s1 =	rddreg [dreg:$0x1];
	p0 =	sne.s32 s2, $0x0  }
0x5cc: {  	s3 =	rddreg [dreg:$0x2];
	[bflag:$0x3] =	sbarrier.arrive $0xFFFF;
	s2 =	simm.s32 @!p0 $0x1C03  }
0x5cd: {  	[timem:s3], [sflag:s2] =	dma.local @!p0 [hbm:s0], s1  }
0x5ce: {  	s0 =	simm.s32 @!p0 $0x3  }
0x5cf: {  	_ =	swait.ge @!p0 [sflag:s0], s1  }
0x5d0: {  	s1 =	ssub.s32 @!p0 $0x0, s1;
	[sflag:s0] =	ssyncset.done @!p0 $0x0  }
0x5d1: {  	[sflag:s0] =	ssyncadd.s32 @!p0 s1  }
0x5d2: {  	[bflag:$0x3] =	sbarrier.arrive $0xFFFF  }
0x5d3: {  	_ =	shalt  }

</sc_bundles>
